<compile_context>
chip_gen: v7x
topology: tpu7x:2x2x1
jax: 0.10.2.dev20260603
libtpu: 0.0.44.dev20260713+nightly
codegen_flags: <defaults>
</compile_context>

<pallas_src>
import functools
import math

import jax
import jax.numpy as jnp
from jax import lax
from jax.experimental import pallas as pl
from jax.experimental.pallas import tpu as pltpu
from jax.experimental.pallas import tpu_sc as plsc

ALPHA = 0.5
NC = 2
NS = 16
C = 80


def _pad_rows(n):
    per = -(-n // NS)
    per = -(-per // 8) * 8
    return per * NS, per



_NB = 4
_DW = 128


@functools.lru_cache(maxsize=None)
def _make_deg_kernel(n, e):
    ep = e // (NC * NS)
    nchunks = ep // C
    np_, rows = _pad_rows(n)
    mesh = plsc.VectorSubcoreMesh(core_axis_name="c", subcore_axis_name="s")

    @functools.partial(
        pl.kernel,
        out_type=jax.ShapeDtypeStruct((NC, np_, _DW), jnp.float32),
        mesh=mesh,
        scratch_types=[
            pltpu.VMEM_SHARED((np_, _DW), jnp.float32),
            pltpu.VMEM((C, _DW), jnp.float32),
        ] + [pltpu.VMEM((C,), jnp.int32) for _ in range(_NB)]
          + [pltpu.SemaphoreType.DMA for _ in range(_NB)],
    )
    def deg_kernel(dst_ix, zeros1, ones, out, deg_sh, onesbuf, *dbsx):
        dbs, sixs = dbsx[:_NB], dbsx[_NB:]
        c = lax.axis_index("c")
        s = lax.axis_index("s")
        r0 = pl.multiple_of(s * rows, 8)
        pltpu.sync_copy(zeros1.at[pl.ds(r0, rows), :], deg_sh.at[pl.ds(r0, rows), :])
        pltpu.sync_copy(ones, onesbuf)
        plsc.subcore_barrier()
        base = c * (e // NC) + s * ep

        six, ssc = sixs[0], sixs[1]

        def group(g, carry):
            j0 = g * _NB
            for b in range(_NB):
                off = pl.multiple_of(base + (j0 + b) * C, 8)
                pltpu.async_copy(dst_ix.at[pl.ds(off, C)], dbs[b], six)
            for b in range(_NB):
                off = pl.multiple_of(base + (j0 + b) * C, 8)
                pltpu.make_async_copy(dst_ix.at[pl.ds(off, C)], dbs[b], six).wait()
            for b in range(_NB):
                pltpu.async_copy(onesbuf, deg_sh.at[dbs[b]], ssc, add=True)
            for b in range(_NB):
                pltpu.make_async_copy(onesbuf, deg_sh.at[dbs[b]], ssc).wait()
            return carry

        lax.fori_loop(0, nchunks // _NB, group, 0)
        for j in range(nchunks - nchunks % _NB, nchunks):
            off = pl.multiple_of(base + j * C, 8)
            pltpu.sync_copy(dst_ix.at[pl.ds(off, C)], dbs[0])
            pltpu.sync_copy(onesbuf, deg_sh.at[dbs[0]], add=True)
        plsc.subcore_barrier()
        pltpu.sync_copy(deg_sh.at[pl.ds(r0, rows), :], out.at[c, pl.ds(r0, rows), :])

    return deg_kernel


_CA = 80
_NP = 4


@functools.lru_cache(maxsize=None)
def _make_agg_kernel(n, d, e):
    ep = e // (NC * NS)
    nchunks = ep // _CA
    assert ep % _CA == 0
    np_, rows = _pad_rows(n)
    nbuf = _NP
    mesh = plsc.VectorSubcoreMesh(core_axis_name="c", subcore_axis_name="s")

    @functools.partial(
        pl.kernel,
        out_type=jax.ShapeDtypeStruct((NC, np_, d), jnp.float32),
        mesh=mesh,
        scratch_types=[
            pltpu.VMEM_SHARED((np_, d), jnp.float32),
        ] + [pltpu.VMEM((_CA,), jnp.int32) for _ in range(2 * nbuf)]
          + [pltpu.VMEM((_CA, d), jnp.float32) for _ in range(nbuf)]
          + [pltpu.SemaphoreType.DMA for _ in range(2 * nbuf)],
    )
    def agg_kernel(h, src_ix, dst_ix, zeros, out, agg_sh, *rest):
        sbs = rest[:nbuf]
        dbs = rest[nbuf:2 * nbuf]
        rbs = rest[2 * nbuf:3 * nbuf]
        sems = rest[3 * nbuf:]
        sixs = sems[:nbuf]
        sgs = sems[nbuf:]
        c = lax.axis_index("c")
        s = lax.axis_index("s")
        r0 = pl.multiple_of(s * rows, 8)
        pltpu.sync_copy(zeros.at[pl.ds(r0, rows), :], agg_sh.at[pl.ds(r0, rows), :])
        base = c * (e // NC) + s * ep
        plsc.subcore_barrier()

        assert nchunks % nbuf == 1 and nchunks > nbuf

        def off_of(j):
            jc = jnp.minimum(j, nchunks - 1)
            return pl.multiple_of(base + jc * _CA, 8)

        def issue_idx(j, b):
            off = off_of(j)
            pltpu.async_copy(src_ix.at[pl.ds(off, _CA)], sbs[b], sixs[b])
            pltpu.async_copy(dst_ix.at[pl.ds(off, _CA)], dbs[b], sixs[b])

        def wait_idx(j, b):
            off = off_of(j)
            pltpu.make_async_copy(src_ix.at[pl.ds(off, _CA)], sbs[b], sixs[b]).wait()
            pltpu.make_async_copy(dst_ix.at[pl.ds(off, _CA)], dbs[b], sixs[b]).wait()

        for b in range(nbuf):
            issue_idx(b, b)
        for b in range(2):
            wait_idx(b, b)
            pltpu.async_copy(h.at[sbs[b]], rbs[b], sgs[b])

        def body(jj, carry):
            for b in range(nbuf):
                j = nbuf * jj + b
                b2 = (b + 2) % nbuf
                pltpu.make_async_copy(h.at[sbs[b]], rbs[b], sgs[b]).wait()
                pltpu.sync_copy(rbs[b], agg_sh.at[dbs[b]], add=True)
                issue_idx(j + nbuf, b)
                wait_idx(j + 2, b2)
                pltpu.async_copy(h.at[sbs[b2]], rbs[b2], sgs[b2])
            return carry

        lax.fori_loop(0, (nchunks - 1) // nbuf, body, 0)
        pltpu.make_async_copy(h.at[sbs[0]], rbs[0], sgs[0]).wait()
        pltpu.sync_copy(rbs[0], agg_sh.at[dbs[0]], add=True)
        pltpu.make_async_copy(h.at[sbs[1]], rbs[1], sgs[1]).wait()
        for b in (2, 3):
            wait_idx(nchunks - 1, b)
        plsc.subcore_barrier()
        pltpu.sync_copy(agg_sh.at[pl.ds(r0, rows), :], out.at[c, pl.ds(r0, rows), :])

    return agg_kernel



_R = 1000


def _tc1_body(deg2, x, w, dinv_o, h_o):
    deg = deg2[0, :, 0:1] + deg2[1, :, 0:1] + 1.0
    dinv = lax.rsqrt(deg)
    dinv_o[...] = dinv
    h = lax.dot_general(x[...], w[...], (((1,), (1,)), ((), ())),
                        preferred_element_type=jnp.float32)
    h_o[...] = h * dinv


def _tc_mid_body(aggp, hprev, xres, dinv, b, g, be, w, x_o, h_o):
    agg = aggp[0] + aggp[1]
    dv = dinv[...]
    h = dv * (agg + hprev[...]) + b[...][None, :]
    mu = jnp.mean(h, axis=-1, keepdims=True)
    var = jnp.mean((h - mu) ** 2, axis=-1, keepdims=True)
    ln = (h - mu) * lax.rsqrt(var + 1e-5) * g[...][None, :] + be[...][None, :]
    xn = jnp.maximum(ALPHA * ln + (1.0 - ALPHA) * xres[...], 0.0)
    x_o[...] = xn
    h2 = lax.dot_general(xn, w[...], (((1,), (1,)), ((), ())),
                         preferred_element_type=jnp.float32)
    h_o[...] = h2 * dv


def _tc_out_body(aggp, hprev, dinv, b, out_o):
    agg = aggp[0] + aggp[1]
    out_o[...] = dinv[...] * (agg + hprev[...]) + b[...][None, :]


@functools.lru_cache(maxsize=None)
def _make_tc_kernels(n, d):
    grid = (n // _R,)
    bpart = pl.BlockSpec((NC, _R, d), lambda i: (0, i, 0))
    brow = pl.BlockSpec((_R, d), lambda i: (i, 0))
    bcol = pl.BlockSpec((_R, 1), lambda i: (i, 0))
    bvec = pl.BlockSpec((d,), lambda i: (0,))
    bmat = pl.BlockSpec((d, d), lambda i: (0, 0))
    f32 = jnp.float32

    tc1 = pl.pallas_call(
        _tc1_body,
        grid=grid,
        in_specs=[pl.BlockSpec((NC, _R, _DW), lambda i: (0, i, 0)), brow, bmat],
        out_specs=[bcol, brow],
        out_shape=[jax.ShapeDtypeStruct((n, 1), f32),
                   jax.ShapeDtypeStruct((n, d), f32)],
    )
    tc_mid = pl.pallas_call(
        _tc_mid_body,
        grid=grid,
        in_specs=[bpart, brow, brow, bcol, bvec, bvec, bvec, bmat],
        out_specs=[brow, brow],
        out_shape=[jax.ShapeDtypeStruct((n, d), f32),
                   jax.ShapeDtypeStruct((n, d), f32)],
    )
    tc_out = pl.pallas_call(
        _tc_out_body,
        grid=grid,
        in_specs=[bpart, brow, bcol, bvec],
        out_specs=brow,
        out_shape=jax.ShapeDtypeStruct((n, d), f32),
    )
    return tc1, tc_mid, tc_out



def kernel(x, edge_index, W1, b1, g1, be1, W2, b2, g2, be2, W3, b3):
    n, d = x.shape
    e = edge_index.shape[1]
    np_, _ = _pad_rows(n)
    lcm = math.lcm(C, _CA)
    ept = -(-(-(-e // (NC * NS))) // lcm) * lcm
    pe = ept * NC * NS
    deg_k = _make_deg_kernel(n, pe)
    agg_k = _make_agg_kernel(n, d, pe)
    tc1, tc_mid, tc_out = _make_tc_kernels(n, d)

    src_ix = edge_index[0]
    dst_ix = edge_index[1]
    if pe > e:
        pad = pe - e
        src_ix = jnp.concatenate([src_ix, jnp.zeros((pad,), edge_index.dtype)])
        dst_ix = jnp.concatenate(
            [dst_ix, jnp.full((pad,), np_ - 2, edge_index.dtype)])
    zeros = jnp.zeros((np_, d), jnp.float32)
    zeros1 = zeros if _DW == d else jnp.zeros((np_, _DW), jnp.float32)
    ones = jnp.ones((C, _DW), jnp.float32)

    deg2 = deg_k(dst_ix, zeros1, ones)
    dinv, h1 = tc1(deg2, x, W1)
    p1 = agg_k(h1, src_ix, dst_ix, zeros)
    x1, h2 = tc_mid(p1, h1, x, dinv, b1, g1, be1, W2)
    p2 = agg_k(h2, src_ix, dst_ix, zeros)
    x2, h3 = tc_mid(p2, h2, x1, dinv, b2, g2, be2, W3)
    p3 = agg_k(h3, src_ix, dst_ix, zeros)
    return tc_out(p3, h3, dinv, b3)

# --- scband reference (transcript-rebuilt; emitter-appended) ---
"""Pipeline reference for scband-residual-gnnwrapper-7267084664912 (READ-ONLY COPY).

The authoritative reference and input builder live on the scoring server;
editing this copy changes nothing except your own understanding.
"""

import jax, jax.numpy as jnp
import numpy as np

N = 10000
E = 320000
D = 128
ALPHA = 0.5

def setup_inputs(seed: int = 0):
    key = jax.random.key(seed)
    ks = jax.random.split(key, 8)
    s = 1.0 / np.sqrt(D)
    inp = {
        'x': jax.random.normal(ks[0], (N, D), dtype=jnp.float32),
        'edge_index': jax.random.randint(ks[1], (2, E), 0, N, dtype=jnp.int32),
        'W1': jax.random.normal(ks[2], (D, D), dtype=jnp.float32) * s,
        'b1': jnp.zeros((D,), dtype=jnp.float32),
        'g1': jnp.ones((D,), dtype=jnp.float32),
        'be1': jnp.zeros((D,), dtype=jnp.float32),
        'W2': jax.random.normal(ks[3], (D, D), dtype=jnp.float32) * s,
        'b2': jnp.zeros((D,), dtype=jnp.float32),
        'g2': jnp.ones((D,), dtype=jnp.float32),
        'be2': jnp.zeros((D,), dtype=jnp.float32),
        'W3': jax.random.normal(ks[4], (D, D), dtype=jnp.float32) * s,
        'b3': jnp.zeros((D,), dtype=jnp.float32),
    }
    return inp

def _gcn_norm(edge_index, n):
    # GCNConv default: add self-loops, symmetric normalization D^-1/2 A D^-1/2
    loop = jnp.arange(n, dtype=edge_index.dtype)
    src = jnp.concatenate([edge_index[0], loop])
    dst = jnp.concatenate([edge_index[1], loop])
    deg = jnp.zeros((n,), dtype=jnp.float32).at[dst].add(1.0)
    dinv = jnp.where(deg > 0, deg ** -0.5, 0.0)
    norm = dinv[src] * dinv[dst]
    return src, dst, norm

def _gcn_conv(x, src, dst, norm, W, b):
    h = x @ W.T
    msg = norm[:, None] * jnp.take(h, src, axis=0)
    out = jnp.zeros_like(h).at[dst].add(msg)
    return out + b

def _layer_norm(h, g, be):
    mu = jnp.mean(h, axis=-1, keepdims=True)
    var = jnp.mean((h - mu) ** 2, axis=-1, keepdims=True)
    return (h - mu) / jnp.sqrt(var + 1e-5) * g + be

def reference(x, edge_index, W1, b1, g1, be1, W2, b2, g2, be2, W3, b3):
    # input_proj is Identity (in_channels == hidden_channels); eval mode -> no dropout
    src, dst, norm = _gcn_norm(edge_index, x.shape[0])
    # layer 1
    idn = x
    h = _gcn_conv(x, src, dst, norm, W1, b1)
    h = _layer_norm(h, g1, be1)
    h = ALPHA * h + (1.0 - ALPHA) * idn
    x = jax.nn.relu(h)
    # layer 2
    idn = x
    h = _gcn_conv(x, src, dst, norm, W2, b2)
    h = _layer_norm(h, g2, be2)
    h = ALPHA * h + (1.0 - ALPHA) * idn
    x = jax.nn.relu(h)
    # layer 3: output layer, no norm/residual/activation
    h = _gcn_conv(x, src, dst, norm, W3, b3)
    return h

if __name__ == "__main__":
    import jax
    _d = setup_inputs()
    print(jax.jit(kernel)(*tuple(_d.values())))

</pallas_src>

<mosaic_0001>
#map = affine_map<(d0, d1) -> (0)>
#map1 = affine_map<(d0, d1) -> (0, 0)>
#map2 = affine_map<(d0, d1) -> (0, 0, 0)>
module attributes {stable_mosaic.version = 14 : i64} {
  func.func @deg_kernel(%arg0: i32, %arg1: i32, %arg2: memref<320000xi32, #tpu.memory_space<hbm>>, %arg3: memref<10112x128xf32, #tpu.memory_space<hbm>>, %arg4: memref<80x128xf32, #tpu.memory_space<hbm>>, %arg5: memref<2x10112x128xf32, #tpu.memory_space<hbm>>, %arg6: memref<10112x128xf32, #tpu.memory_space<vmem_shared>>, %arg7: memref<80x128xf32, #tpu.memory_space<vmem>>, %arg8: memref<80xi32, #tpu.memory_space<vmem>>, %arg9: memref<80xi32, #tpu.memory_space<vmem>>, %arg10: memref<80xi32, #tpu.memory_space<vmem>>, %arg11: memref<80xi32, #tpu.memory_space<vmem>>, %arg12: memref<!tpu.dma_semaphore, #tpu.memory_space<semaphore_mem>>, %arg13: memref<!tpu.dma_semaphore, #tpu.memory_space<semaphore_mem>>, %arg14: memref<!tpu.dma_semaphore, #tpu.memory_space<semaphore_mem>>, %arg15: memref<!tpu.dma_semaphore, #tpu.memory_space<semaphore_mem>>) attributes {dimension_semantics = [#tpu.dimension_semantics<core_parallel>, #tpu.dimension_semantics<subcore_parallel>], iteration_bounds = array<i64: 2, 16>, scalar_prefetch = 0 : i64, scratch_operands = 10 : i64, tpu.core_type = #tpu.core_type<sc_vector_subcore>, window_params = [{transform_indices = #map}, {transform_indices = #map1}, {transform_indices = #map1}, {transform_indices = #map2}]} {
    %mul3A = arith.constant 632 : i32
    %mul3A_0 = arith.muli %arg1, %mul3A : i32
    %multiple_of3A = tpu.assume_multiple %mul3A_0, 8 : i32
    "tpu.region"() ({
      %run_scoped3A = tpu.sem_alloc : memref<!tpu.dma_semaphore, #tpu.memory_space<semaphore_mem>>
      %dma_start3A = arith.constant 0 : i32
      %dma_start3A_14 = tpu.memref_slice %arg6[%multiple_of3A, %dma_start3A] : memref<10112x128xf32, #tpu.memory_space<vmem_shared>> -> memref<632x128xf32, #tpu.memory_space<vmem_shared>>
      %dma_start3A_15 = arith.constant 0 : i32
      %dma_start3A_16 = tpu.memref_slice %arg3[%multiple_of3A, %dma_start3A_15] : memref<10112x128xf32, #tpu.memory_space<hbm>> -> memref<632x128xf32, #tpu.memory_space<hbm>>
      tpu.enqueue_dma source(%dma_start3A_16 : memref<632x128xf32, #tpu.memory_space<hbm>>) target(%dma_start3A_14 : memref<632x128xf32, #tpu.memory_space<vmem_shared>>) target_semaphore(%run_scoped3A : memref<!tpu.dma_semaphore, #tpu.memory_space<semaphore_mem>>)
      %dma_wait3A = arith.constant 0 : i32
      %dma_wait3A_17 = tpu.memref_slice %arg6[%multiple_of3A, %dma_wait3A] : memref<10112x128xf32, #tpu.memory_space<vmem_shared>> -> memref<632x128xf32, #tpu.memory_space<vmem_shared>>
      %dma_wait3A_18 = arith.constant 0 : i32
      %dma_wait3A_19 = tpu.memref_slice %arg3[%multiple_of3A, %dma_wait3A_18] : memref<10112x128xf32, #tpu.memory_space<hbm>> -> memref<632x128xf32, #tpu.memory_space<hbm>>
      tpu.wait_dma2 semaphore(%run_scoped3A : memref<!tpu.dma_semaphore, #tpu.memory_space<semaphore_mem>>) src(%dma_wait3A_19 : memref<632x128xf32, #tpu.memory_space<hbm>>) dst(%dma_wait3A_17 : memref<632x128xf32, #tpu.memory_space<vmem_shared>>)
      tpu.yield
    }) : () -> ()
    "tpu.region"() ({
      %run_scoped3A = tpu.sem_alloc : memref<!tpu.dma_semaphore, #tpu.memory_space<semaphore_mem>>
      tpu.enqueue_dma source(%arg4 : memref<80x128xf32, #tpu.memory_space<hbm>>) target(%arg7 : memref<80x128xf32, #tpu.memory_space<vmem>>) target_semaphore(%run_scoped3A : memref<!tpu.dma_semaphore, #tpu.memory_space<semaphore_mem>>)
      tpu.wait_dma2 semaphore(%run_scoped3A : memref<!tpu.dma_semaphore, #tpu.memory_space<semaphore_mem>>) src(%arg4 : memref<80x128xf32, #tpu.memory_space<hbm>>) dst(%arg7 : memref<80x128xf32, #tpu.memory_space<vmem>>)
      tpu.yield
    }) : () -> ()
    %barrier3A = arith.constant 0 : index
    tpu.barrier barrier_id(%barrier3A)
    %mul3A_1 = arith.constant 160000 : i32
    %mul3A_2 = arith.muli %arg0, %mul3A_1 : i32
    %mul3A_3 = arith.constant 10000 : i32
    %mul3A_4 = arith.muli %arg1, %mul3A_3 : i32
    %add3A = arith.addi %mul3A_2, %mul3A_4 : i32
    %scan3A = arith.constant 0 : i32
    %scan3A_5 = arith.constant 0 : i32
    %scan3A_6 = arith.constant 31 : i32
    %scan3A_7 = arith.addi %scan3A_5, %scan3A_6 : i32
    %scan3A_8 = arith.constant 1 : i32
    scf.for %scan3A_14 = %scan3A_5 to %scan3A_7 step %scan3A_8  : i32 {
      %mul3A_15 = arith.constant 4 : i32
      %mul3A_16 = arith.muli %scan3A_14, %mul3A_15 : i32
      %add3A_17 = arith.constant 0 : i32
      %add3A_18 = arith.addi %mul3A_16, %add3A_17 : i32
      %mul3A_19 = arith.constant 80 : i32
      %mul3A_20 = arith.muli %add3A_18, %mul3A_19 : i32
      %add3A_21 = arith.addi %add3A, %mul3A_20 : i32
      %multiple_of3A_22 = tpu.assume_multiple %add3A_21, 8 : i32
      %dma_start3A = tpu.memref_slice %arg2[%multiple_of3A_22] : memref<320000xi32, #tpu.memory_space<hbm>> -> memref<80xi32, #tpu.memory_space<hbm>>
      %dma_start3A_23 = tpu.memref_slice %arg2[%multiple_of3A_22] : memref<320000xi32, #tpu.memory_space<hbm>> -> memref<80xi32, #tpu.memory_space<hbm>>
      tpu.enqueue_dma source(%dma_start3A_23 : memref<80xi32, #tpu.memory_space<hbm>>) target(%arg8 : memref<80xi32, #tpu.memory_space<vmem>>) target_semaphore(%arg12 : memref<!tpu.dma_semaphore, #tpu.memory_space<semaphore_mem>>)
      %add3A_24 = arith.constant 1 : i32
      %add3A_25 = arith.addi %mul3A_16, %add3A_24 : i32
      %mul3A_26 = arith.constant 80 : i32
      %mul3A_27 = arith.muli %add3A_25, %mul3A_26 : i32
      %add3A_28 = arith.addi %add3A, %mul3A_27 : i32
      %multiple_of3A_29 = tpu.assume_multiple %add3A_28, 8 : i32
      %dma_start3A_30 = tpu.memref_slice %arg2[%multiple_of3A_29] : memref<320000xi32, #tpu.memory_space<hbm>> -> memref<80xi32, #tpu.memory_space<hbm>>
      %dma_start3A_31 = tpu.memref_slice %arg2[%multiple_of3A_29] : memref<320000xi32, #tpu.memory_space<hbm>> -> memref<80xi32, #tpu.memory_space<hbm>>
      tpu.enqueue_dma source(%dma_start3A_31 : memref<80xi32, #tpu.memory_space<hbm>>) target(%arg9 : memref<80xi32, #tpu.memory_space<vmem>>) target_semaphore(%arg12 : memref<!tpu.dma_semaphore, #tpu.memory_space<semaphore_mem>>)
      %add3A_32 = arith.constant 2 : i32
      %add3A_33 = arith.addi %mul3A_16, %add3A_32 : i32
      %mul3A_34 = arith.constant 80 : i32
      %mul3A_35 = arith.muli %add3A_33, %mul3A_34 : i32
      %add3A_36 = arith.addi %add3A, %mul3A_35 : i32
      %multiple_of3A_37 = tpu.assume_multiple %add3A_36, 8 : i32
      %dma_start3A_38 = tpu.memref_slice %arg2[%multiple_of3A_37] : memref<320000xi32, #tpu.memory_space<hbm>> -> memref<80xi32, #tpu.memory_space<hbm>>
      %dma_start3A_39 = tpu.memref_slice %arg2[%multiple_of3A_37] : memref<320000xi32, #tpu.memory_space<hbm>> -> memref<80xi32, #tpu.memory_space<hbm>>
      tpu.enqueue_dma source(%dma_start3A_39 : memref<80xi32, #tpu.memory_space<hbm>>) target(%arg10 : memref<80xi32, #tpu.memory_space<vmem>>) target_semaphore(%arg12 : memref<!tpu.dma_semaphore, #tpu.memory_space<semaphore_mem>>)
      %add3A_40 = arith.constant 3 : i32
      %add3A_41 = arith.addi %mul3A_16, %add3A_40 : i32
      %mul3A_42 = arith.constant 80 : i32
      %mul3A_43 = arith.muli %add3A_41, %mul3A_42 : i32
      %add3A_44 = arith.addi %add3A, %mul3A_43 : i32
      %multiple_of3A_45 = tpu.assume_multiple %add3A_44, 8 : i32
      %dma_start3A_46 = tpu.memref_slice %arg2[%multiple_of3A_45] : memref<320000xi32, #tpu.memory_space<hbm>> -> memref<80xi32, #tpu.memory_space<hbm>>
      %dma_start3A_47 = tpu.memref_slice %arg2[%multiple_of3A_45] : memref<320000xi32, #tpu.memory_space<hbm>> -> memref<80xi32, #tpu.memory_space<hbm>>
      tpu.enqueue_dma source(%dma_start3A_47 : memref<80xi32, #tpu.memory_space<hbm>>) target(%arg11 : memref<80xi32, #tpu.memory_space<vmem>>) target_semaphore(%arg12 : memref<!tpu.dma_semaphore, #tpu.memory_space<semaphore_mem>>)
      %add3A_48 = arith.constant 0 : i32
      %add3A_49 = arith.addi %mul3A_16, %add3A_48 : i32
      %mul3A_50 = arith.constant 80 : i32
      %mul3A_51 = arith.muli %add3A_49, %mul3A_50 : i32
      %add3A_52 = arith.addi %add3A, %mul3A_51 : i32
      %multiple_of3A_53 = tpu.assume_multiple %add3A_52, 8 : i32
      %dma_wait3A = tpu.memref_slice %arg2[%multiple_of3A_53] : memref<320000xi32, #tpu.memory_space<hbm>> -> memref<80xi32, #tpu.memory_space<hbm>>
      %dma_wait3A_54 = tpu.memref_slice %arg2[%multiple_of3A_53] : memref<320000xi32, #tpu.memory_space<hbm>> -> memref<80xi32, #tpu.memory_space<hbm>>
      tpu.wait_dma2 semaphore(%arg12 : memref<!tpu.dma_semaphore, #tpu.memory_space<semaphore_mem>>) src(%dma_wait3A_54 : memref<80xi32, #tpu.memory_space<hbm>>) dst(%arg8 : memref<80xi32, #tpu.memory_space<vmem>>)
      %add3A_55 = arith.constant 1 : i32
      %add3A_56 = arith.addi %mul3A_16, %add3A_55 : i32
      %mul3A_57 = arith.constant 80 : i32
      %mul3A_58 = arith.muli %add3A_56, %mul3A_57 : i32
      %add3A_59 = arith.addi %add3A, %mul3A_58 : i32
      %multiple_of3A_60 = tpu.assume_multiple %add3A_59, 8 : i32
      %dma_wait3A_61 = tpu.memref_slice %arg2[%multiple_of3A_60] : memref<320000xi32, #tpu.memory_space<hbm>> -> memref<80xi32, #tpu.memory_space<hbm>>
      %dma_wait3A_62 = tpu.memref_slice %arg2[%multiple_of3A_60] : memref<320000xi32, #tpu.memory_space<hbm>> -> memref<80xi32, #tpu.memory_space<hbm>>
      tpu.wait_dma2 semaphore(%arg12 : memref<!tpu.dma_semaphore, #tpu.memory_space<semaphore_mem>>) src(%dma_wait3A_62 : memref<80xi32, #tpu.memory_space<hbm>>) dst(%arg9 : memref<80xi32, #tpu.memory_space<vmem>>)
      %add3A_63 = arith.constant 2 : i32
      %add3A_64 = arith.addi %mul3A_16, %add3A_63 : i32
      %mul3A_65 = arith.constant 80 : i32
      %mul3A_66 = arith.muli %add3A_64, %mul3A_65 : i32
      %add3A_67 = arith.addi %add3A, %mul3A_66 : i32
      %multiple_of3A_68 = tpu.assume_multiple %add3A_67, 8 : i32
      %dma_wait3A_69 = tpu.memref_slice %arg2[%multiple_of3A_68] : memref<320000xi32, #tpu.memory_space<hbm>> -> memref<80xi32, #tpu.memory_space<hbm>>
      %dma_wait3A_70 = tpu.memref_slice %arg2[%multiple_of3A_68] : memref<320000xi32, #tpu.memory_space<hbm>> -> memref<80xi32, #tpu.memory_space<hbm>>
      tpu.wait_dma2 semaphore(%arg12 : memref<!tpu.dma_semaphore, #tpu.memory_space<semaphore_mem>>) src(%dma_wait3A_70 : memref<80xi32, #tpu.memory_space<hbm>>) dst(%arg10 : memref<80xi32, #tpu.memory_space<vmem>>)
      %add3A_71 = arith.constant 3 : i32
      %add3A_72 = arith.addi %mul3A_16, %add3A_71 : i32
      %mul3A_73 = arith.constant 80 : i32
      %mul3A_74 = arith.muli %add3A_72, %mul3A_73 : i32
      %add3A_75 = arith.addi %add3A, %mul3A_74 : i32
      %multiple_of3A_76 = tpu.assume_multiple %add3A_75, 8 : i32
      %dma_wait3A_77 = tpu.memref_slice %arg2[%multiple_of3A_76] : memref<320000xi32, #tpu.memory_space<hbm>> -> memref<80xi32, #tpu.memory_space<hbm>>
      %dma_wait3A_78 = tpu.memref_slice %arg2[%multiple_of3A_76] : memref<320000xi32, #tpu.memory_space<hbm>> -> memref<80xi32, #tpu.memory_space<hbm>>
      tpu.wait_dma2 semaphore(%arg12 : memref<!tpu.dma_semaphore, #tpu.memory_space<semaphore_mem>>) src(%dma_wait3A_78 : memref<80xi32, #tpu.memory_space<hbm>>) dst(%arg11 : memref<80xi32, #tpu.memory_space<vmem>>)
      %dma_start3A_79 = arith.constant 0 : i32
      %dma_start3A_80 = arith.constant 0 : i32
      %dma_start3A_81 = tpu.memref_slice %arg6[%dma_start3A_79, %dma_start3A_80] : memref<10112x128xf32, #tpu.memory_space<vmem_shared>> -> memref<10112x128xf32, #tpu.memory_space<vmem_shared>>
      tpu.enqueue_indirect_dma source(%arg7 : memref<80x128xf32, #tpu.memory_space<vmem>>) target(%dma_start3A_81 : memref<10112x128xf32, #tpu.memory_space<vmem_shared>>) offsets(%arg8 : memref<80xi32, #tpu.memory_space<vmem>>) semaphore(%arg13 : memref<!tpu.dma_semaphore, #tpu.memory_space<semaphore_mem>>) {add = true}
      %dma_start3A_82 = arith.constant 0 : i32
      %dma_start3A_83 = arith.constant 0 : i32
      %dma_start3A_84 = tpu.memref_slice %arg6[%dma_start3A_82, %dma_start3A_83] : memref<10112x128xf32, #tpu.memory_space<vmem_shared>> -> memref<10112x128xf32, #tpu.memory_space<vmem_shared>>
      tpu.enqueue_indirect_dma source(%arg7 : memref<80x128xf32, #tpu.memory_space<vmem>>) target(%dma_start3A_84 : memref<10112x128xf32, #tpu.memory_space<vmem_shared>>) offsets(%arg9 : memref<80xi32, #tpu.memory_space<vmem>>) semaphore(%arg13 : memref<!tpu.dma_semaphore, #tpu.memory_space<semaphore_mem>>) {add = true}
      %dma_start3A_85 = arith.constant 0 : i32
      %dma_start3A_86 = arith.constant 0 : i32
      %dma_start3A_87 = tpu.memref_slice %arg6[%dma_start3A_85, %dma_start3A_86] : memref<10112x128xf32, #tpu.memory_space<vmem_shared>> -> memref<10112x128xf32, #tpu.memory_space<vmem_shared>>
      tpu.enqueue_indirect_dma source(%arg7 : memref<80x128xf32, #tpu.memory_space<vmem>>) target(%dma_start3A_87 : memref<10112x128xf32, #tpu.memory_space<vmem_shared>>) offsets(%arg10 : memref<80xi32, #tpu.memory_space<vmem>>) semaphore(%arg13 : memref<!tpu.dma_semaphore, #tpu.memory_space<semaphore_mem>>) {add = true}
      %dma_start3A_88 = arith.constant 0 : i32
      %dma_start3A_89 = arith.constant 0 : i32
      %dma_start3A_90 = tpu.memref_slice %arg6[%dma_start3A_88, %dma_start3A_89] : memref<10112x128xf32, #tpu.memory_space<vmem_shared>> -> memref<10112x128xf32, #tpu.memory_space<vmem_shared>>
      tpu.enqueue_indirect_dma source(%arg7 : memref<80x128xf32, #tpu.memory_space<vmem>>) target(%dma_start3A_90 : memref<10112x128xf32, #tpu.memory_space<vmem_shared>>) offsets(%arg11 : memref<80xi32, #tpu.memory_space<vmem>>) semaphore(%arg13 : memref<!tpu.dma_semaphore, #tpu.memory_space<semaphore_mem>>) {add = true}
      %dma_wait3A_91 = arith.constant 0 : i32
      %dma_wait3A_92 = arith.constant 0 : i32
      %dma_wait3A_93 = tpu.memref_slice %arg6[%dma_wait3A_91, %dma_wait3A_92] : memref<10112x128xf32, #tpu.memory_space<vmem_shared>> -> memref<10112x128xf32, #tpu.memory_space<vmem_shared>>
      tpu.wait_indirect_dma semaphore(%arg13 : memref<!tpu.dma_semaphore, #tpu.memory_space<semaphore_mem>>) src(%arg7 : memref<80x128xf32, #tpu.memory_space<vmem>>) dst(%dma_wait3A_93 : memref<10112x128xf32, #tpu.memory_space<vmem_shared>>)
      %dma_wait3A_94 = arith.constant 0 : i32
      %dma_wait3A_95 = arith.constant 0 : i32
      %dma_wait3A_96 = tpu.memref_slice %arg6[%dma_wait3A_94, %dma_wait3A_95] : memref<10112x128xf32, #tpu.memory_space<vmem_shared>> -> memref<10112x128xf32, #tpu.memory_space<vmem_shared>>
      tpu.wait_indirect_dma semaphore(%arg13 : memref<!tpu.dma_semaphore, #tpu.memory_space<semaphore_mem>>) src(%arg7 : memref<80x128xf32, #tpu.memory_space<vmem>>) dst(%dma_wait3A_96 : memref<10112x128xf32, #tpu.memory_space<vmem_shared>>)
      %dma_wait3A_97 = arith.constant 0 : i32
      %dma_wait3A_98 = arith.constant 0 : i32
      %dma_wait3A_99 = tpu.memref_slice %arg6[%dma_wait3A_97, %dma_wait3A_98] : memref<10112x128xf32, #tpu.memory_space<vmem_shared>> -> memref<10112x128xf32, #tpu.memory_space<vmem_shared>>
      tpu.wait_indirect_dma semaphore(%arg13 : memref<!tpu.dma_semaphore, #tpu.memory_space<semaphore_mem>>) src(%arg7 : memref<80x128xf32, #tpu.memory_space<vmem>>) dst(%dma_wait3A_99 : memref<10112x128xf32, #tpu.memory_space<vmem_shared>>)
      %dma_wait3A_100 = arith.constant 0 : i32
      %dma_wait3A_101 = arith.constant 0 : i32
      %dma_wait3A_102 = tpu.memref_slice %arg6[%dma_wait3A_100, %dma_wait3A_101] : memref<10112x128xf32, #tpu.memory_space<vmem_shared>> -> memref<10112x128xf32, #tpu.memory_space<vmem_shared>>
      tpu.wait_indirect_dma semaphore(%arg13 : memref<!tpu.dma_semaphore, #tpu.memory_space<semaphore_mem>>) src(%arg7 : memref<80x128xf32, #tpu.memory_space<vmem>>) dst(%dma_wait3A_102 : memref<10112x128xf32, #tpu.memory_space<vmem_shared>>)
    }
    %scan3A_9 = arith.constant 31 : i32
    %add3A_10 = arith.constant 9920 : i32
    %add3A_11 = arith.addi %add3A, %add3A_10 : i32
    %multiple_of3A_12 = tpu.assume_multiple %add3A_11, 8 : i32
    "tpu.region"() ({
      %run_scoped3A = tpu.sem_alloc : memref<!tpu.dma_semaphore, #tpu.memory_space<semaphore_mem>>
      %dma_start3A = tpu.memref_slice %arg2[%multiple_of3A_12] : memref<320000xi32, #tpu.memory_space<hbm>> -> memref<80xi32, #tpu.memory_space<hbm>>
      %dma_start3A_14 = tpu.memref_slice %arg2[%multiple_of3A_12] : memref<320000xi32, #tpu.memory_space<hbm>> -> memref<80xi32, #tpu.memory_space<hbm>>
      tpu.enqueue_dma source(%dma_start3A_14 : memref<80xi32, #tpu.memory_space<hbm>>) target(%arg8 : memref<80xi32, #tpu.memory_space<vmem>>) target_semaphore(%run_scoped3A : memref<!tpu.dma_semaphore, #tpu.memory_space<semaphore_mem>>)
      %dma_wait3A = tpu.memref_slice %arg2[%multiple_of3A_12] : memref<320000xi32, #tpu.memory_space<hbm>> -> memref<80xi32, #tpu.memory_space<hbm>>
      %dma_wait3A_15 = tpu.memref_slice %arg2[%multiple_of3A_12] : memref<320000xi32, #tpu.memory_space<hbm>> -> memref<80xi32, #tpu.memory_space<hbm>>
      tpu.wait_dma2 semaphore(%run_scoped3A : memref<!tpu.dma_semaphore, #tpu.memory_space<semaphore_mem>>) src(%dma_wait3A_15 : memref<80xi32, #tpu.memory_space<hbm>>) dst(%arg8 : memref<80xi32, #tpu.memory_space<vmem>>)
      tpu.yield
    }) : () -> ()
    "tpu.region"() ({
      %run_scoped3A = tpu.sem_alloc : memref<!tpu.dma_semaphore, #tpu.memory_space<semaphore_mem>>
      %dma_start3A = arith.constant 0 : i32
      %dma_start3A_14 = arith.constant 0 : i32
      %dma_start3A_15 = tpu.memref_slice %arg6[%dma_start3A, %dma_start3A_14] : memref<10112x128xf32, #tpu.memory_space<vmem_shared>> -> memref<10112x128xf32, #tpu.memory_space<vmem_shared>>
      tpu.enqueue_indirect_dma source(%arg7 : memref<80x128xf32, #tpu.memory_space<vmem>>) target(%dma_start3A_15 : memref<10112x128xf32, #tpu.memory_space<vmem_shared>>) offsets(%arg8 : memref<80xi32, #tpu.memory_space<vmem>>) semaphore(%run_scoped3A : memref<!tpu.dma_semaphore, #tpu.memory_space<semaphore_mem>>) {add = true}
      %dma_wait3A = arith.constant 0 : i32
      %dma_wait3A_16 = arith.constant 0 : i32
      %dma_wait3A_17 = tpu.memref_slice %arg6[%dma_wait3A, %dma_wait3A_16] : memref<10112x128xf32, #tpu.memory_space<vmem_shared>> -> memref<10112x128xf32, #tpu.memory_space<vmem_shared>>
      tpu.wait_indirect_dma semaphore(%run_scoped3A : memref<!tpu.dma_semaphore, #tpu.memory_space<semaphore_mem>>) src(%arg7 : memref<80x128xf32, #tpu.memory_space<vmem>>) dst(%dma_wait3A_17 : memref<10112x128xf32, #tpu.memory_space<vmem_shared>>)
      tpu.yield
    }) : () -> ()
    %barrier3A_13 = arith.constant 0 : index
    tpu.barrier barrier_id(%barrier3A_13)
    "tpu.region"() ({
      %run_scoped3A = tpu.sem_alloc : memref<!tpu.dma_semaphore, #tpu.memory_space<semaphore_mem>>
      %dma_start3A = arith.constant 0 : i32
      %dma_start3A_14 = tpu.memref_slice %arg5[%arg0, %multiple_of3A, %dma_start3A] : memref<2x10112x128xf32, #tpu.memory_space<hbm>> -> memref<1x632x128xf32, #tpu.memory_space<hbm>>
      %dma_start3A_15 = tpu.memref_squeeze %dma_start3A_14 : memref<1x632x128xf32, #tpu.memory_space<hbm>> -> memref<632x128xf32, #tpu.memory_space<hbm>>
      %dma_start3A_16 = arith.constant 0 : i32
      %dma_start3A_17 = tpu.memref_slice %arg6[%multiple_of3A, %dma_start3A_16] : memref<10112x128xf32, #tpu.memory_space<vmem_shared>> -> memref<632x128xf32, #tpu.memory_space<vmem_shared>>
      tpu.enqueue_dma source(%dma_start3A_17 : memref<632x128xf32, #tpu.memory_space<vmem_shared>>) target(%dma_start3A_15 : memref<632x128xf32, #tpu.memory_space<hbm>>) target_semaphore(%run_scoped3A : memref<!tpu.dma_semaphore, #tpu.memory_space<semaphore_mem>>)
      %dma_wait3A = arith.constant 0 : i32
      %dma_wait3A_18 = tpu.memref_slice %arg5[%arg0, %multiple_of3A, %dma_wait3A] : memref<2x10112x128xf32, #tpu.memory_space<hbm>> -> memref<1x632x128xf32, #tpu.memory_space<hbm>>
      %dma_wait3A_19 = tpu.memref_squeeze %dma_wait3A_18 : memref<1x632x128xf32, #tpu.memory_space<hbm>> -> memref<632x128xf32, #tpu.memory_space<hbm>>
      %dma_wait3A_20 = arith.constant 0 : i32
      %dma_wait3A_21 = tpu.memref_slice %arg6[%multiple_of3A, %dma_wait3A_20] : memref<10112x128xf32, #tpu.memory_space<vmem_shared>> -> memref<632x128xf32, #tpu.memory_space<vmem_shared>>
      tpu.wait_dma2 semaphore(%run_scoped3A : memref<!tpu.dma_semaphore, #tpu.memory_space<semaphore_mem>>) src(%dma_wait3A_21 : memref<632x128xf32, #tpu.memory_space<vmem_shared>>) dst(%dma_wait3A_19 : memref<632x128xf32, #tpu.memory_space<hbm>>)
      tpu.yield
    }) : () -> ()
    return
  }
}

#map = affine_map<(d0, d1) -> (0, 0)>
#map1 = affine_map<(d0, d1) -> (0)>
#map2 = affine_map<(d0, d1) -> (0, 0, 0)>
module attributes {stable_mosaic.version = 14 : i64} {
  func.func @agg_kernel(%arg0: i32, %arg1: i32, %arg2: memref<10000x128xf32, #tpu.memory_space<hbm>>, %arg3: memref<320000xi32, #tpu.memory_space<hbm>>, %arg4: memref<320000xi32, #tpu.memory_space<hbm>>, %arg5: memref<10112x128xf32, #tpu.memory_space<hbm>>, %arg6: memref<2x10112x128xf32, #tpu.memory_space<hbm>>, %arg7: memref<10112x128xf32, #tpu.memory_space<vmem_shared>>, %arg8: memref<80xi32, #tpu.memory_space<vmem>>, %arg9: memref<80xi32, #tpu.memory_space<vmem>>, %arg10: memref<80xi32, #tpu.memory_space<vmem>>, %arg11: memref<80xi32, #tpu.memory_space<vmem>>, %arg12: memref<80xi32, #tpu.memory_space<vmem>>, %arg13: memref<80xi32, #tpu.memory_space<vmem>>, %arg14: memref<80xi32, #tpu.memory_space<vmem>>, %arg15: memref<80xi32, #tpu.memory_space<vmem>>, %arg16: memref<80x128xf32, #tpu.memory_space<vmem>>, %arg17: memref<80x128xf32, #tpu.memory_space<vmem>>, %arg18: memref<80x128xf32, #tpu.memory_space<vmem>>, %arg19: memref<80x128xf32, #tpu.memory_space<vmem>>, %arg20: memref<!tpu.dma_semaphore, #tpu.memory_space<semaphore_mem>>, %arg21: memref<!tpu.dma_semaphore, #tpu.memory_space<semaphore_mem>>, %arg22: memref<!tpu.dma_semaphore, #tpu.memory_space<semaphore_mem>>, %arg23: memref<!tpu.dma_semaphore, #tpu.memory_space<semaphore_mem>>, %arg24: memref<!tpu.dma_semaphore, #tpu.memory_space<semaphore_mem>>, %arg25: memref<!tpu.dma_semaphore, #tpu.memory_space<semaphore_mem>>, %arg26: memref<!tpu.dma_semaphore, #tpu.memory_space<semaphore_mem>>, %arg27: memref<!tpu.dma_semaphore, #tpu.memory_space<semaphore_mem>>) attributes {dimension_semantics = [#tpu.dimension_semantics<core_parallel>, #tpu.dimension_semantics<subcore_parallel>], iteration_bounds = array<i64: 2, 16>, scalar_prefetch = 0 : i64, scratch_operands = 21 : i64, tpu.core_type = #tpu.core_type<sc_vector_subcore>, window_params = [{transform_indices = #map}, {transform_indices = #map1}, {transform_indices = #map1}, {transform_indices = #map}, {transform_indices = #map2}]} {
    %mul3A = arith.constant 632 : i32
    %mul3A_0 = arith.muli %arg1, %mul3A : i32
    %multiple_of3A = tpu.assume_multiple %mul3A_0, 8 : i32
    "tpu.region"() ({
      %run_scoped3A = tpu.sem_alloc : memref<!tpu.dma_semaphore, #tpu.memory_space<semaphore_mem>>
      %dma_start3A_108 = arith.constant 0 : i32
      %dma_start3A_109 = tpu.memref_slice %arg7[%multiple_of3A, %dma_start3A_108] : memref<10112x128xf32, #tpu.memory_space<vmem_shared>> -> memref<632x128xf32, #tpu.memory_space<vmem_shared>>
      %dma_start3A_110 = arith.constant 0 : i32
      %dma_start3A_111 = tpu.memref_slice %arg5[%multiple_of3A, %dma_start3A_110] : memref<10112x128xf32, #tpu.memory_space<hbm>> -> memref<632x128xf32, #tpu.memory_space<hbm>>
      tpu.enqueue_dma source(%dma_start3A_111 : memref<632x128xf32, #tpu.memory_space<hbm>>) target(%dma_start3A_109 : memref<632x128xf32, #tpu.memory_space<vmem_shared>>) target_semaphore(%run_scoped3A : memref<!tpu.dma_semaphore, #tpu.memory_space<semaphore_mem>>)
      %dma_wait3A_112 = arith.constant 0 : i32
      %dma_wait3A_113 = tpu.memref_slice %arg7[%multiple_of3A, %dma_wait3A_112] : memref<10112x128xf32, #tpu.memory_space<vmem_shared>> -> memref<632x128xf32, #tpu.memory_space<vmem_shared>>
      %dma_wait3A_114 = arith.constant 0 : i32
      %dma_wait3A_115 = tpu.memref_slice %arg5[%multiple_of3A, %dma_wait3A_114] : memref<10112x128xf32, #tpu.memory_space<hbm>> -> memref<632x128xf32, #tpu.memory_space<hbm>>
      tpu.wait_dma2 semaphore(%run_scoped3A : memref<!tpu.dma_semaphore, #tpu.memory_space<semaphore_mem>>) src(%dma_wait3A_115 : memref<632x128xf32, #tpu.memory_space<hbm>>) dst(%dma_wait3A_113 : memref<632x128xf32, #tpu.memory_space<vmem_shared>>)
      tpu.yield
    }) : () -> ()
    %mul3A_1 = arith.constant 160000 : i32
    %mul3A_2 = arith.muli %arg0, %mul3A_1 : i32
    %mul3A_3 = arith.constant 10000 : i32
    %mul3A_4 = arith.muli %arg1, %mul3A_3 : i32
    %add3A = arith.addi %mul3A_2, %mul3A_4 : i32
    %barrier3A = arith.constant 0 : index
    tpu.barrier barrier_id(%barrier3A)
    %min3A = arith.constant 0 : i32
    %min3A_5 = arith.constant 124 : i32
    %min3A_6 = arith.minsi %min3A, %min3A_5 : i32
    %mul3A_7 = arith.constant 80 : i32
    %mul3A_8 = arith.muli %min3A_6, %mul3A_7 : i32
    %add3A_9 = arith.addi %add3A, %mul3A_8 : i32
    %multiple_of3A_10 = tpu.assume_multiple %add3A_9, 8 : i32
    %dma_start3A = tpu.memref_slice %arg3[%multiple_of3A_10] : memref<320000xi32, #tpu.memory_space<hbm>> -> memref<80xi32, #tpu.memory_space<hbm>>
    %dma_start3A_11 = tpu.memref_slice %arg3[%multiple_of3A_10] : memref<320000xi32, #tpu.memory_space<hbm>> -> memref<80xi32, #tpu.memory_space<hbm>>
    tpu.enqueue_dma source(%dma_start3A_11 : memref<80xi32, #tpu.memory_space<hbm>>) target(%arg8 : memref<80xi32, #tpu.memory_space<vmem>>) target_semaphore(%arg20 : memref<!tpu.dma_semaphore, #tpu.memory_space<semaphore_mem>>)
    %dma_start3A_12 = tpu.memref_slice %arg4[%multiple_of3A_10] : memref<320000xi32, #tpu.memory_space<hbm>> -> memref<80xi32, #tpu.memory_space<hbm>>
    %dma_start3A_13 = tpu.memref_slice %arg4[%multiple_of3A_10] : memref<320000xi32, #tpu.memory_space<hbm>> -> memref<80xi32, #tpu.memory_space<hbm>>
    tpu.enqueue_dma source(%dma_start3A_13 : memref<80xi32, #tpu.memory_space<hbm>>) target(%arg12 : memref<80xi32, #tpu.memory_space<vmem>>) target_semaphore(%arg20 : memref<!tpu.dma_semaphore, #tpu.memory_space<semaphore_mem>>)
    %min3A_14 = arith.constant 1 : i32
    %min3A_15 = arith.constant 124 : i32
    %min3A_16 = arith.minsi %min3A_14, %min3A_15 : i32
    %mul3A_17 = arith.constant 80 : i32
    %mul3A_18 = arith.muli %min3A_16, %mul3A_17 : i32
    %add3A_19 = arith.addi %add3A, %mul3A_18 : i32
    %multiple_of3A_20 = tpu.assume_multiple %add3A_19, 8 : i32
    %dma_start3A_21 = tpu.memref_slice %arg3[%multiple_of3A_20] : memref<320000xi32, #tpu.memory_space<hbm>> -> memref<80xi32, #tpu.memory_space<hbm>>
    %dma_start3A_22 = tpu.memref_slice %arg3[%multiple_of3A_20] : memref<320000xi32, #tpu.memory_space<hbm>> -> memref<80xi32, #tpu.memory_space<hbm>>
    tpu.enqueue_dma source(%dma_start3A_22 : memref<80xi32, #tpu.memory_space<hbm>>) target(%arg9 : memref<80xi32, #tpu.memory_space<vmem>>) target_semaphore(%arg21 : memref<!tpu.dma_semaphore, #tpu.memory_space<semaphore_mem>>)
    %dma_start3A_23 = tpu.memref_slice %arg4[%multiple_of3A_20] : memref<320000xi32, #tpu.memory_space<hbm>> -> memref<80xi32, #tpu.memory_space<hbm>>
    %dma_start3A_24 = tpu.memref_slice %arg4[%multiple_of3A_20] : memref<320000xi32, #tpu.memory_space<hbm>> -> memref<80xi32, #tpu.memory_space<hbm>>
    tpu.enqueue_dma source(%dma_start3A_24 : memref<80xi32, #tpu.memory_space<hbm>>) target(%arg13 : memref<80xi32, #tpu.memory_space<vmem>>) target_semaphore(%arg21 : memref<!tpu.dma_semaphore, #tpu.memory_space<semaphore_mem>>)
    %min3A_25 = arith.constant 2 : i32
    %min3A_26 = arith.constant 124 : i32
    %min3A_27 = arith.minsi %min3A_25, %min3A_26 : i32
    %mul3A_28 = arith.constant 80 : i32
    %mul3A_29 = arith.muli %min3A_27, %mul3A_28 : i32
    %add3A_30 = arith.addi %add3A, %mul3A_29 : i32
    %multiple_of3A_31 = tpu.assume_multiple %add3A_30, 8 : i32
    %dma_start3A_32 = tpu.memref_slice %arg3[%multiple_of3A_31] : memref<320000xi32, #tpu.memory_space<hbm>> -> memref<80xi32, #tpu.memory_space<hbm>>
    %dma_start3A_33 = tpu.memref_slice %arg3[%multiple_of3A_31] : memref<320000xi32, #tpu.memory_space<hbm>> -> memref<80xi32, #tpu.memory_space<hbm>>
    tpu.enqueue_dma source(%dma_start3A_33 : memref<80xi32, #tpu.memory_space<hbm>>) target(%arg10 : memref<80xi32, #tpu.memory_space<vmem>>) target_semaphore(%arg22 : memref<!tpu.dma_semaphore, #tpu.memory_space<semaphore_mem>>)
    %dma_start3A_34 = tpu.memref_slice %arg4[%multiple_of3A_31] : memref<320000xi32, #tpu.memory_space<hbm>> -> memref<80xi32, #tpu.memory_space<hbm>>
    %dma_start3A_35 = tpu.memref_slice %arg4[%multiple_of3A_31] : memref<320000xi32, #tpu.memory_space<hbm>> -> memref<80xi32, #tpu.memory_space<hbm>>
    tpu.enqueue_dma source(%dma_start3A_35 : memref<80xi32, #tpu.memory_space<hbm>>) target(%arg14 : memref<80xi32, #tpu.memory_space<vmem>>) target_semaphore(%arg22 : memref<!tpu.dma_semaphore, #tpu.memory_space<semaphore_mem>>)
    %min3A_36 = arith.constant 3 : i32
    %min3A_37 = arith.constant 124 : i32
    %min3A_38 = arith.minsi %min3A_36, %min3A_37 : i32
    %mul3A_39 = arith.constant 80 : i32
    %mul3A_40 = arith.muli %min3A_38, %mul3A_39 : i32
    %add3A_41 = arith.addi %add3A, %mul3A_40 : i32
    %multiple_of3A_42 = tpu.assume_multiple %add3A_41, 8 : i32
    %dma_start3A_43 = tpu.memref_slice %arg3[%multiple_of3A_42] : memref<320000xi32, #tpu.memory_space<hbm>> -> memref<80xi32, #tpu.memory_space<hbm>>
    %dma_start3A_44 = tpu.memref_slice %arg3[%multiple_of3A_42] : memref<320000xi32, #tpu.memory_space<hbm>> -> memref<80xi32, #tpu.memory_space<hbm>>
    tpu.enqueue_dma source(%dma_start3A_44 : memref<80xi32, #tpu.memory_space<hbm>>) target(%arg11 : memref<80xi32, #tpu.memory_space<vmem>>) target_semaphore(%arg23 : memref<!tpu.dma_semaphore, #tpu.memory_space<semaphore_mem>>)
    %dma_start3A_45 = tpu.memref_slice %arg4[%multiple_of3A_42] : memref<320000xi32, #tpu.memory_space<hbm>> -> memref<80xi32, #tpu.memory_space<hbm>>
    %dma_start3A_46 = tpu.memref_slice %arg4[%multiple_of3A_42] : memref<320000xi32, #tpu.memory_space<hbm>> -> memref<80xi32, #tpu.memory_space<hbm>>
    tpu.enqueue_dma source(%dma_start3A_46 : memref<80xi32, #tpu.memory_space<hbm>>) target(%arg15 : memref<80xi32, #tpu.memory_space<vmem>>) target_semaphore(%arg23 : memref<!tpu.dma_semaphore, #tpu.memory_space<semaphore_mem>>)
    %min3A_47 = arith.constant 0 : i32
    %min3A_48 = arith.constant 124 : i32
    %min3A_49 = arith.minsi %min3A_47, %min3A_48 : i32
    %mul3A_50 = arith.constant 80 : i32
    %mul3A_51 = arith.muli %min3A_49, %mul3A_50 : i32
    %add3A_52 = arith.addi %add3A, %mul3A_51 : i32
    %multiple_of3A_53 = tpu.assume_multiple %add3A_52, 8 : i32
    %dma_wait3A = tpu.memref_slice %arg3[%multiple_of3A_53] : memref<320000xi32, #tpu.memory_space<hbm>> -> memref<80xi32, #tpu.memory_space<hbm>>
    %dma_wait3A_54 = tpu.memref_slice %arg3[%multiple_of3A_53] : memref<320000xi32, #tpu.memory_space<hbm>> -> memref<80xi32, #tpu.memory_space<hbm>>
    tpu.wait_dma2 semaphore(%arg20 : memref<!tpu.dma_semaphore, #tpu.memory_space<semaphore_mem>>) src(%dma_wait3A_54 : memref<80xi32, #tpu.memory_space<hbm>>) dst(%arg8 : memref<80xi32, #tpu.memory_space<vmem>>)
    %dma_wait3A_55 = tpu.memref_slice %arg4[%multiple_of3A_53] : memref<320000xi32, #tpu.memory_space<hbm>> -> memref<80xi32, #tpu.memory_space<hbm>>
    %dma_wait3A_56 = tpu.memref_slice %arg4[%multiple_of3A_53] : memref<320000xi32, #tpu.memory_space<hbm>> -> memref<80xi32, #tpu.memory_space<hbm>>
    tpu.wait_dma2 semaphore(%arg20 : memref<!tpu.dma_semaphore, #tpu.memory_space<semaphore_mem>>) src(%dma_wait3A_56 : memref<80xi32, #tpu.memory_space<hbm>>) dst(%arg12 : memref<80xi32, #tpu.memory_space<vmem>>)
    %dma_start3A_57 = arith.constant 0 : i32
    %dma_start3A_58 = arith.constant 0 : i32
    %dma_start3A_59 = tpu.memref_slice %arg2[%dma_start3A_57, %dma_start3A_58] : memref<10000x128xf32, #tpu.memory_space<hbm>> -> memref<10000x128xf32, #tpu.memory_space<hbm>>
    tpu.enqueue_indirect_dma source(%dma_start3A_59 : memref<10000x128xf32, #tpu.memory_space<hbm>>) target(%arg16 : memref<80x128xf32, #tpu.memory_space<vmem>>) offsets(%arg8 : memref<80xi32, #tpu.memory_space<vmem>>) semaphore(%arg24 : memref<!tpu.dma_semaphore, #tpu.memory_space<semaphore_mem>>)
    %min3A_60 = arith.constant 1 : i32
    %min3A_61 = arith.constant 124 : i32
    %min3A_62 = arith.minsi %min3A_60, %min3A_61 : i32
    %mul3A_63 = arith.constant 80 : i32
    %mul3A_64 = arith.muli %min3A_62, %mul3A_63 : i32
    %add3A_65 = arith.addi %add3A, %mul3A_64 : i32
    %multiple_of3A_66 = tpu.assume_multiple %add3A_65, 8 : i32
    %dma_wait3A_67 = tpu.memref_slice %arg3[%multiple_of3A_66] : memref<320000xi32, #tpu.memory_space<hbm>> -> memref<80xi32, #tpu.memory_space<hbm>>
    %dma_wait3A_68 = tpu.memref_slice %arg3[%multiple_of3A_66] : memref<320000xi32, #tpu.memory_space<hbm>> -> memref<80xi32, #tpu.memory_space<hbm>>
    tpu.wait_dma2 semaphore(%arg21 : memref<!tpu.dma_semaphore, #tpu.memory_space<semaphore_mem>>) src(%dma_wait3A_68 : memref<80xi32, #tpu.memory_space<hbm>>) dst(%arg9 : memref<80xi32, #tpu.memory_space<vmem>>)
    %dma_wait3A_69 = tpu.memref_slice %arg4[%multiple_of3A_66] : memref<320000xi32, #tpu.memory_space<hbm>> -> memref<80xi32, #tpu.memory_space<hbm>>
    %dma_wait3A_70 = tpu.memref_slice %arg4[%multiple_of3A_66] : memref<320000xi32, #tpu.memory_space<hbm>> -> memref<80xi32, #tpu.memory_space<hbm>>
    tpu.wait_dma2 semaphore(%arg21 : memref<!tpu.dma_semaphore, #tpu.memory_space<semaphore_mem>>) src(%dma_wait3A_70 : memref<80xi32, #tpu.memory_space<hbm>>) dst(%arg13 : memref<80xi32, #tpu.memory_space<vmem>>)
    %dma_start3A_71 = arith.constant 0 : i32
    %dma_start3A_72 = arith.constant 0 : i32
    %dma_start3A_73 = tpu.memref_slice %arg2[%dma_start3A_71, %dma_start3A_72] : memref<10000x128xf32, #tpu.memory_space<hbm>> -> memref<10000x128xf32, #tpu.memory_space<hbm>>
    tpu.enqueue_indirect_dma source(%dma_start3A_73 : memref<10000x128xf32, #tpu.memory_space<hbm>>) target(%arg17 : memref<80x128xf32, #tpu.memory_space<vmem>>) offsets(%arg9 : memref<80xi32, #tpu.memory_space<vmem>>) semaphore(%arg25 : memref<!tpu.dma_semaphore, #tpu.memory_space<semaphore_mem>>)
    %scan3A = arith.constant 0 : i32
    %scan3A_74 = arith.constant 0 : i32
    %scan3A_75 = arith.constant 31 : i32
    %scan3A_76 = arith.addi %scan3A_74, %scan3A_75 : i32
    %scan3A_77 = arith.constant 1 : i32
    scf.for %scan3A_108 = %scan3A_74 to %scan3A_76 step %scan3A_77  : i32 {
      %mul3A_109 = arith.constant 4 : i32
      %mul3A_110 = arith.muli %mul3A_109, %scan3A_108 : i32
      %add3A_111 = arith.constant 0 : i32
      %add3A_112 = arith.addi %mul3A_110, %add3A_111 : i32
      %dma_wait3A_113 = arith.constant 0 : i32
      %dma_wait3A_114 = arith.constant 0 : i32
      %dma_wait3A_115 = tpu.memref_slice %arg2[%dma_wait3A_113, %dma_wait3A_114] : memref<10000x128xf32, #tpu.memory_space<hbm>> -> memref<10000x128xf32, #tpu.memory_space<hbm>>
      tpu.wait_indirect_dma semaphore(%arg24 : memref<!tpu.dma_semaphore, #tpu.memory_space<semaphore_mem>>) src(%dma_wait3A_115 : memref<10000x128xf32, #tpu.memory_space<hbm>>) dst(%arg16 : memref<80x128xf32, #tpu.memory_space<vmem>>)
      "tpu.region"() ({
        %run_scoped3A = tpu.sem_alloc : memref<!tpu.dma_semaphore, #tpu.memory_space<semaphore_mem>>
        %dma_start3A_245 = arith.constant 0 : i32
        %dma_start3A_246 = arith.constant 0 : i32
        %dma_start3A_247 = tpu.memref_slice %arg7[%dma_start3A_245, %dma_start3A_246] : memref<10112x128xf32, #tpu.memory_space<vmem_shared>> -> memref<10112x128xf32, #tpu.memory_space<vmem_shared>>
        tpu.enqueue_indirect_dma source(%arg16 : memref<80x128xf32, #tpu.memory_space<vmem>>) target(%dma_start3A_247 : memref<10112x128xf32, #tpu.memory_space<vmem_shared>>) offsets(%arg12 : memref<80xi32, #tpu.memory_space<vmem>>) semaphore(%run_scoped3A : memref<!tpu.dma_semaphore, #tpu.memory_space<semaphore_mem>>) {add = true}
        %dma_wait3A_248 = arith.constant 0 : i32
        %dma_wait3A_249 = arith.constant 0 : i32
        %dma_wait3A_250 = tpu.memref_slice %arg7[%dma_wait3A_248, %dma_wait3A_249] : memref<10112x128xf32, #tpu.memory_space<vmem_shared>> -> memref<10112x128xf32, #tpu.memory_space<vmem_shared>>
        tpu.wait_indirect_dma semaphore(%run_scoped3A : memref<!tpu.dma_semaphore, #tpu.memory_space<semaphore_mem>>) src(%arg16 : memref<80x128xf32, #tpu.memory_space<vmem>>) dst(%dma_wait3A_250 : memref<10112x128xf32, #tpu.memory_space<vmem_shared>>)
        tpu.yield
      }) : () -> ()
      %add3A_116 = arith.constant 4 : i32
      %add3A_117 = arith.addi %add3A_112, %add3A_116 : i32
      %min3A_118 = arith.constant 124 : i32
      %min3A_119 = arith.minsi %add3A_117, %min3A_118 : i32
      %mul3A_120 = arith.constant 80 : i32
      %mul3A_121 = arith.muli %min3A_119, %mul3A_120 : i32
      %add3A_122 = arith.addi %add3A, %mul3A_121 : i32
      %multiple_of3A_123 = tpu.assume_multiple %add3A_122, 8 : i32
      %dma_start3A_124 = tpu.memref_slice %arg3[%multiple_of3A_123] : memref<320000xi32, #tpu.memory_space<hbm>> -> memref<80xi32, #tpu.memory_space<hbm>>
      %dma_start3A_125 = tpu.memref_slice %arg3[%multiple_of3A_123] : memref<320000xi32, #tpu.memory_space<hbm>> -> memref<80xi32, #tpu.memory_space<hbm>>
      tpu.enqueue_dma source(%dma_start3A_125 : memref<80xi32, #tpu.memory_space<hbm>>) target(%arg8 : memref<80xi32, #tpu.memory_space<vmem>>) target_semaphore(%arg20 : memref<!tpu.dma_semaphore, #tpu.memory_space<semaphore_mem>>)
      %dma_start3A_126 = tpu.memref_slice %arg4[%multiple_of3A_123] : memref<320000xi32, #tpu.memory_space<hbm>> -> memref<80xi32, #tpu.memory_space<hbm>>
      %dma_start3A_127 = tpu.memref_slice %arg4[%multiple_of3A_123] : memref<320000xi32, #tpu.memory_space<hbm>> -> memref<80xi32, #tpu.memory_space<hbm>>
      tpu.enqueue_dma source(%dma_start3A_127 : memref<80xi32, #tpu.memory_space<hbm>>) target(%arg12 : memref<80xi32, #tpu.memory_space<vmem>>) target_semaphore(%arg20 : memref<!tpu.dma_semaphore, #tpu.memory_space<semaphore_mem>>)
      %add3A_128 = arith.constant 2 : i32
      %add3A_129 = arith.addi %add3A_112, %add3A_128 : i32
      %min3A_130 = arith.constant 124 : i32
      %min3A_131 = arith.minsi %add3A_129, %min3A_130 : i32
      %mul3A_132 = arith.constant 80 : i32
      %mul3A_133 = arith.muli %min3A_131, %mul3A_132 : i32
      %add3A_134 = arith.addi %add3A, %mul3A_133 : i32
      %multiple_of3A_135 = tpu.assume_multiple %add3A_134, 8 : i32
      %dma_wait3A_136 = tpu.memref_slice %arg3[%multiple_of3A_135] : memref<320000xi32, #tpu.memory_space<hbm>> -> memref<80xi32, #tpu.memory_space<hbm>>
      %dma_wait3A_137 = tpu.memref_slice %arg3[%multiple_of3A_135] : memref<320000xi32, #tpu.memory_space<hbm>> -> memref<80xi32, #tpu.memory_space<hbm>>
      tpu.wait_dma2 semaphore(%arg22 : memref<!tpu.dma_semaphore, #tpu.memory_space<semaphore_mem>>) src(%dma_wait3A_137 : memref<80xi32, #tpu.memory_space<hbm>>) dst(%arg10 : memref<80xi32, #tpu.memory_space<vmem>>)
      %dma_wait3A_138 = tpu.memref_slice %arg4[%multiple_of3A_135] : memref<320000xi32, #tpu.memory_space<hbm>> -> memref<80xi32, #tpu.memory_space<hbm>>
      %dma_wait3A_139 = tpu.memref_slice %arg4[%multiple_of3A_135] : memref<320000xi32, #tpu.memory_space<hbm>> -> memref<80xi32, #tpu.memory_space<hbm>>
      tpu.wait_dma2 semaphore(%arg22 : memref<!tpu.dma_semaphore, #tpu.memory_space<semaphore_mem>>) src(%dma_wait3A_139 : memref<80xi32, #tpu.memory_space<hbm>>) dst(%arg14 : memref<80xi32, #tpu.memory_space<vmem>>)
      %dma_start3A_140 = arith.constant 0 : i32
      %dma_start3A_141 = arith.constant 0 : i32
      %dma_start3A_142 = tpu.memref_slice %arg2[%dma_start3A_140, %dma_start3A_141] : memref<10000x128xf32, #tpu.memory_space<hbm>> -> memref<10000x128xf32, #tpu.memory_space<hbm>>
      tpu.enqueue_indirect_dma source(%dma_start3A_142 : memref<10000x128xf32, #tpu.memory_space<hbm>>) target(%arg18 : memref<80x128xf32, #tpu.memory_space<vmem>>) offsets(%arg10 : memref<80xi32, #tpu.memory_space<vmem>>) semaphore(%arg26 : memref<!tpu.dma_semaphore, #tpu.memory_space<semaphore_mem>>)
      %mul3A_143 = arith.constant 4 : i32
      %mul3A_144 = arith.muli %mul3A_143, %scan3A_108 : i32
      %add3A_145 = arith.constant 1 : i32
      %add3A_146 = arith.addi %mul3A_144, %add3A_145 : i32
      %dma_wait3A_147 = arith.constant 0 : i32
      %dma_wait3A_148 = arith.constant 0 : i32
      %dma_wait3A_149 = tpu.memref_slice %arg2[%dma_wait3A_147, %dma_wait3A_148] : memref<10000x128xf32, #tpu.memory_space<hbm>> -> memref<10000x128xf32, #tpu.memory_space<hbm>>
      tpu.wait_indirect_dma semaphore(%arg25 : memref<!tpu.dma_semaphore, #tpu.memory_space<semaphore_mem>>) src(%dma_wait3A_149 : memref<10000x128xf32, #tpu.memory_space<hbm>>) dst(%arg17 : memref<80x128xf32, #tpu.memory_space<vmem>>)
      "tpu.region"() ({
        %run_scoped3A = tpu.sem_alloc : memref<!tpu.dma_semaphore, #tpu.memory_space<semaphore_mem>>
        %dma_start3A_245 = arith.constant 0 : i32
        %dma_start3A_246 = arith.constant 0 : i32
        %dma_start3A_247 = tpu.memref_slice %arg7[%dma_start3A_245, %dma_start3A_246] : memref<10112x128xf32, #tpu.memory_space<vmem_shared>> -> memref<10112x128xf32, #tpu.memory_space<vmem_shared>>
        tpu.enqueue_indirect_dma source(%arg17 : memref<80x128xf32, #tpu.memory_space<vmem>>) target(%dma_start3A_247 : memref<10112x128xf32, #tpu.memory_space<vmem_shared>>) offsets(%arg13 : memref<80xi32, #tpu.memory_space<vmem>>) semaphore(%run_scoped3A : memref<!tpu.dma_semaphore, #tpu.memory_space<semaphore_mem>>) {add = true}
        %dma_wait3A_248 = arith.constant 0 : i32
        %dma_wait3A_249 = arith.constant 0 : i32
        %dma_wait3A_250 = tpu.memref_slice %arg7[%dma_wait3A_248, %dma_wait3A_249] : memref<10112x128xf32, #tpu.memory_space<vmem_shared>> -> memref<10112x128xf32, #tpu.memory_space<vmem_shared>>
        tpu.wait_indirect_dma semaphore(%run_scoped3A : memref<!tpu.dma_semaphore, #tpu.memory_space<semaphore_mem>>) src(%arg17 : memref<80x128xf32, #tpu.memory_space<vmem>>) dst(%dma_wait3A_250 : memref<10112x128xf32, #tpu.memory_space<vmem_shared>>)
        tpu.yield
      }) : () -> ()
      %add3A_150 = arith.constant 4 : i32
      %add3A_151 = arith.addi %add3A_146, %add3A_150 : i32
      %min3A_152 = arith.constant 124 : i32
      %min3A_153 = arith.minsi %add3A_151, %min3A_152 : i32
      %mul3A_154 = arith.constant 80 : i32
      %mul3A_155 = arith.muli %min3A_153, %mul3A_154 : i32
      %add3A_156 = arith.addi %add3A, %mul3A_155 : i32
      %multiple_of3A_157 = tpu.assume_multiple %add3A_156, 8 : i32
      %dma_start3A_158 = tpu.memref_slice %arg3[%multiple_of3A_157] : memref<320000xi32, #tpu.memory_space<hbm>> -> memref<80xi32, #tpu.memory_space<hbm>>
      %dma_start3A_159 = tpu.memref_slice %arg3[%multiple_of3A_157] : memref<320000xi32, #tpu.memory_space<hbm>> -> memref<80xi32, #tpu.memory_space<hbm>>
      tpu.enqueue_dma source(%dma_start3A_159 : memref<80xi32, #tpu.memory_space<hbm>>) target(%arg9 : memref<80xi32, #tpu.memory_space<vmem>>) target_semaphore(%arg21 : memref<!tpu.dma_semaphore, #tpu.memory_space<semaphore_mem>>)
      %dma_start3A_160 = tpu.memref_slice %arg4[%multiple_of3A_157] : memref<320000xi32, #tpu.memory_space<hbm>> -> memref<80xi32, #tpu.memory_space<hbm>>
      %dma_start3A_161 = tpu.memref_slice %arg4[%multiple_of3A_157] : memref<320000xi32, #tpu.memory_space<hbm>> -> memref<80xi32, #tpu.memory_space<hbm>>
      tpu.enqueue_dma source(%dma_start3A_161 : memref<80xi32, #tpu.memory_space<hbm>>) target(%arg13 : memref<80xi32, #tpu.memory_space<vmem>>) target_semaphore(%arg21 : memref<!tpu.dma_semaphore, #tpu.memory_space<semaphore_mem>>)
      %add3A_162 = arith.constant 2 : i32
      %add3A_163 = arith.addi %add3A_146, %add3A_162 : i32
      %min3A_164 = arith.constant 124 : i32
      %min3A_165 = arith.minsi %add3A_163, %min3A_164 : i32
      %mul3A_166 = arith.constant 80 : i32
      %mul3A_167 = arith.muli %min3A_165, %mul3A_166 : i32
      %add3A_168 = arith.addi %add3A, %mul3A_167 : i32
      %multiple_of3A_169 = tpu.assume_multiple %add3A_168, 8 : i32
      %dma_wait3A_170 = tpu.memref_slice %arg3[%multiple_of3A_169] : memref<320000xi32, #tpu.memory_space<hbm>> -> memref<80xi32, #tpu.memory_space<hbm>>
      %dma_wait3A_171 = tpu.memref_slice %arg3[%multiple_of3A_169] : memref<320000xi32, #tpu.memory_space<hbm>> -> memref<80xi32, #tpu.memory_space<hbm>>
      tpu.wait_dma2 semaphore(%arg23 : memref<!tpu.dma_semaphore, #tpu.memory_space<semaphore_mem>>) src(%dma_wait3A_171 : memref<80xi32, #tpu.memory_space<hbm>>) dst(%arg11 : memref<80xi32, #tpu.memory_space<vmem>>)
      %dma_wait3A_172 = tpu.memref_slice %arg4[%multiple_of3A_169] : memref<320000xi32, #tpu.memory_space<hbm>> -> memref<80xi32, #tpu.memory_space<hbm>>
      %dma_wait3A_173 = tpu.memref_slice %arg4[%multiple_of3A_169] : memref<320000xi32, #tpu.memory_space<hbm>> -> memref<80xi32, #tpu.memory_space<hbm>>
      tpu.wait_dma2 semaphore(%arg23 : memref<!tpu.dma_semaphore, #tpu.memory_space<semaphore_mem>>) src(%dma_wait3A_173 : memref<80xi32, #tpu.memory_space<hbm>>) dst(%arg15 : memref<80xi32, #tpu.memory_space<vmem>>)
      %dma_start3A_174 = arith.constant 0 : i32
      %dma_start3A_175 = arith.constant 0 : i32
      %dma_start3A_176 = tpu.memref_slice %arg2[%dma_start3A_174, %dma_start3A_175] : memref<10000x128xf32, #tpu.memory_space<hbm>> -> memref<10000x128xf32, #tpu.memory_space<hbm>>
      tpu.enqueue_indirect_dma source(%dma_start3A_176 : memref<10000x128xf32, #tpu.memory_space<hbm>>) target(%arg19 : memref<80x128xf32, #tpu.memory_space<vmem>>) offsets(%arg11 : memref<80xi32, #tpu.memory_space<vmem>>) semaphore(%arg27 : memref<!tpu.dma_semaphore, #tpu.memory_space<semaphore_mem>>)
      %mul3A_177 = arith.constant 4 : i32
      %mul3A_178 = arith.muli %mul3A_177, %scan3A_108 : i32
      %add3A_179 = arith.constant 2 : i32
      %add3A_180 = arith.addi %mul3A_178, %add3A_179 : i32
      %dma_wait3A_181 = arith.constant 0 : i32
      %dma_wait3A_182 = arith.constant 0 : i32
      %dma_wait3A_183 = tpu.memref_slice %arg2[%dma_wait3A_181, %dma_wait3A_182] : memref<10000x128xf32, #tpu.memory_space<hbm>> -> memref<10000x128xf32, #tpu.memory_space<hbm>>
      tpu.wait_indirect_dma semaphore(%arg26 : memref<!tpu.dma_semaphore, #tpu.memory_space<semaphore_mem>>) src(%dma_wait3A_183 : memref<10000x128xf32, #tpu.memory_space<hbm>>) dst(%arg18 : memref<80x128xf32, #tpu.memory_space<vmem>>)
      "tpu.region"() ({
        %run_scoped3A = tpu.sem_alloc : memref<!tpu.dma_semaphore, #tpu.memory_space<semaphore_mem>>
        %dma_start3A_245 = arith.constant 0 : i32
        %dma_start3A_246 = arith.constant 0 : i32
        %dma_start3A_247 = tpu.memref_slice %arg7[%dma_start3A_245, %dma_start3A_246] : memref<10112x128xf32, #tpu.memory_space<vmem_shared>> -> memref<10112x128xf32, #tpu.memory_space<vmem_shared>>
        tpu.enqueue_indirect_dma source(%arg18 : memref<80x128xf32, #tpu.memory_space<vmem>>) target(%dma_start3A_247 : memref<10112x128xf32, #tpu.memory_space<vmem_shared>>) offsets(%arg14 : memref<80xi32, #tpu.memory_space<vmem>>) semaphore(%run_scoped3A : memref<!tpu.dma_semaphore, #tpu.memory_space<semaphore_mem>>) {add = true}
        %dma_wait3A_248 = arith.constant 0 : i32
        %dma_wait3A_249 = arith.constant 0 : i32
        %dma_wait3A_250 = tpu.memref_slice %arg7[%dma_wait3A_248, %dma_wait3A_249] : memref<10112x128xf32, #tpu.memory_space<vmem_shared>> -> memref<10112x128xf32, #tpu.memory_space<vmem_shared>>
        tpu.wait_indirect_dma semaphore(%run_scoped3A : memref<!tpu.dma_semaphore, #tpu.memory_space<semaphore_mem>>) src(%arg18 : memref<80x128xf32, #tpu.memory_space<vmem>>) dst(%dma_wait3A_250 : memref<10112x128xf32, #tpu.memory_space<vmem_shared>>)
        tpu.yield
      }) : () -> ()
      %add3A_184 = arith.constant 4 : i32
      %add3A_185 = arith.addi %add3A_180, %add3A_184 : i32
      %min3A_186 = arith.constant 124 : i32
      %min3A_187 = arith.minsi %add3A_185, %min3A_186 : i32
      %mul3A_188 = arith.constant 80 : i32
      %mul3A_189 = arith.muli %min3A_187, %mul3A_188 : i32
      %add3A_190 = arith.addi %add3A, %mul3A_189 : i32
      %multiple_of3A_191 = tpu.assume_multiple %add3A_190, 8 : i32
      %dma_start3A_192 = tpu.memref_slice %arg3[%multiple_of3A_191] : memref<320000xi32, #tpu.memory_space<hbm>> -> memref<80xi32, #tpu.memory_space<hbm>>
      %dma_start3A_193 = tpu.memref_slice %arg3[%multiple_of3A_191] : memref<320000xi32, #tpu.memory_space<hbm>> -> memref<80xi32, #tpu.memory_space<hbm>>
      tpu.enqueue_dma source(%dma_start3A_193 : memref<80xi32, #tpu.memory_space<hbm>>) target(%arg10 : memref<80xi32, #tpu.memory_space<vmem>>) target_semaphore(%arg22 : memref<!tpu.dma_semaphore, #tpu.memory_space<semaphore_mem>>)
      %dma_start3A_194 = tpu.memref_slice %arg4[%multiple_of3A_191] : memref<320000xi32, #tpu.memory_space<hbm>> -> memref<80xi32, #tpu.memory_space<hbm>>
      %dma_start3A_195 = tpu.memref_slice %arg4[%multiple_of3A_191] : memref<320000xi32, #tpu.memory_space<hbm>> -> memref<80xi32, #tpu.memory_space<hbm>>
      tpu.enqueue_dma source(%dma_start3A_195 : memref<80xi32, #tpu.memory_space<hbm>>) target(%arg14 : memref<80xi32, #tpu.memory_space<vmem>>) target_semaphore(%arg22 : memref<!tpu.dma_semaphore, #tpu.memory_space<semaphore_mem>>)
      %add3A_196 = arith.constant 2 : i32
      %add3A_197 = arith.addi %add3A_180, %add3A_196 : i32
      %min3A_198 = arith.constant 124 : i32
      %min3A_199 = arith.minsi %add3A_197, %min3A_198 : i32
      %mul3A_200 = arith.constant 80 : i32
      %mul3A_201 = arith.muli %min3A_199, %mul3A_200 : i32
      %add3A_202 = arith.addi %add3A, %mul3A_201 : i32
      %multiple_of3A_203 = tpu.assume_multiple %add3A_202, 8 : i32
      %dma_wait3A_204 = tpu.memref_slice %arg3[%multiple_of3A_203] : memref<320000xi32, #tpu.memory_space<hbm>> -> memref<80xi32, #tpu.memory_space<hbm>>
      %dma_wait3A_205 = tpu.memref_slice %arg3[%multiple_of3A_203] : memref<320000xi32, #tpu.memory_space<hbm>> -> memref<80xi32, #tpu.memory_space<hbm>>
      tpu.wait_dma2 semaphore(%arg20 : memref<!tpu.dma_semaphore, #tpu.memory_space<semaphore_mem>>) src(%dma_wait3A_205 : memref<80xi32, #tpu.memory_space<hbm>>) dst(%arg8 : memref<80xi32, #tpu.memory_space<vmem>>)
      %dma_wait3A_206 = tpu.memref_slice %arg4[%multiple_of3A_203] : memref<320000xi32, #tpu.memory_space<hbm>> -> memref<80xi32, #tpu.memory_space<hbm>>
      %dma_wait3A_207 = tpu.memref_slice %arg4[%multiple_of3A_203] : memref<320000xi32, #tpu.memory_space<hbm>> -> memref<80xi32, #tpu.memory_space<hbm>>
      tpu.wait_dma2 semaphore(%arg20 : memref<!tpu.dma_semaphore, #tpu.memory_space<semaphore_mem>>) src(%dma_wait3A_207 : memref<80xi32, #tpu.memory_space<hbm>>) dst(%arg12 : memref<80xi32, #tpu.memory_space<vmem>>)
      %dma_start3A_208 = arith.constant 0 : i32
      %dma_start3A_209 = arith.constant 0 : i32
      %dma_start3A_210 = tpu.memref_slice %arg2[%dma_start3A_208, %dma_start3A_209] : memref<10000x128xf32, #tpu.memory_space<hbm>> -> memref<10000x128xf32, #tpu.memory_space<hbm>>
      tpu.enqueue_indirect_dma source(%dma_start3A_210 : memref<10000x128xf32, #tpu.memory_space<hbm>>) target(%arg16 : memref<80x128xf32, #tpu.memory_space<vmem>>) offsets(%arg8 : memref<80xi32, #tpu.memory_space<vmem>>) semaphore(%arg24 : memref<!tpu.dma_semaphore, #tpu.memory_space<semaphore_mem>>)
      %mul3A_211 = arith.constant 4 : i32
      %mul3A_212 = arith.muli %mul3A_211, %scan3A_108 : i32
      %add3A_213 = arith.constant 3 : i32
      %add3A_214 = arith.addi %mul3A_212, %add3A_213 : i32
      %dma_wait3A_215 = arith.constant 0 : i32
      %dma_wait3A_216 = arith.constant 0 : i32
      %dma_wait3A_217 = tpu.memref_slice %arg2[%dma_wait3A_215, %dma_wait3A_216] : memref<10000x128xf32, #tpu.memory_space<hbm>> -> memref<10000x128xf32, #tpu.memory_space<hbm>>
      tpu.wait_indirect_dma semaphore(%arg27 : memref<!tpu.dma_semaphore, #tpu.memory_space<semaphore_mem>>) src(%dma_wait3A_217 : memref<10000x128xf32, #tpu.memory_space<hbm>>) dst(%arg19 : memref<80x128xf32, #tpu.memory_space<vmem>>)
      "tpu.region"() ({
        %run_scoped3A = tpu.sem_alloc : memref<!tpu.dma_semaphore, #tpu.memory_space<semaphore_mem>>
        %dma_start3A_245 = arith.constant 0 : i32
        %dma_start3A_246 = arith.constant 0 : i32
        %dma_start3A_247 = tpu.memref_slice %arg7[%dma_start3A_245, %dma_start3A_246] : memref<10112x128xf32, #tpu.memory_space<vmem_shared>> -> memref<10112x128xf32, #tpu.memory_space<vmem_shared>>
        tpu.enqueue_indirect_dma source(%arg19 : memref<80x128xf32, #tpu.memory_space<vmem>>) target(%dma_start3A_247 : memref<10112x128xf32, #tpu.memory_space<vmem_shared>>) offsets(%arg15 : memref<80xi32, #tpu.memory_space<vmem>>) semaphore(%run_scoped3A : memref<!tpu.dma_semaphore, #tpu.memory_space<semaphore_mem>>) {add = true}
        %dma_wait3A_248 = arith.constant 0 : i32
        %dma_wait3A_249 = arith.constant 0 : i32
        %dma_wait3A_250 = tpu.memref_slice %arg7[%dma_wait3A_248, %dma_wait3A_249] : memref<10112x128xf32, #tpu.memory_space<vmem_shared>> -> memref<10112x128xf32, #tpu.memory_space<vmem_shared>>
        tpu.wait_indirect_dma semaphore(%run_scoped3A : memref<!tpu.dma_semaphore, #tpu.memory_space<semaphore_mem>>) src(%arg19 : memref<80x128xf32, #tpu.memory_space<vmem>>) dst(%dma_wait3A_250 : memref<10112x128xf32, #tpu.memory_space<vmem_shared>>)
        tpu.yield
      }) : () -> ()
      %add3A_218 = arith.constant 4 : i32
      %add3A_219 = arith.addi %add3A_214, %add3A_218 : i32
      %min3A_220 = arith.constant 124 : i32
      %min3A_221 = arith.minsi %add3A_219, %min3A_220 : i32
      %mul3A_222 = arith.constant 80 : i32
      %mul3A_223 = arith.muli %min3A_221, %mul3A_222 : i32
      %add3A_224 = arith.addi %add3A, %mul3A_223 : i32
      %multiple_of3A_225 = tpu.assume_multiple %add3A_224, 8 : i32
      %dma_start3A_226 = tpu.memref_slice %arg3[%multiple_of3A_225] : memref<320000xi32, #tpu.memory_space<hbm>> -> memref<80xi32, #tpu.memory_space<hbm>>
      %dma_start3A_227 = tpu.memref_slice %arg3[%multiple_of3A_225] : memref<320000xi32, #tpu.memory_space<hbm>> -> memref<80xi32, #tpu.memory_space<hbm>>
      tpu.enqueue_dma source(%dma_start3A_227 : memref<80xi32, #tpu.memory_space<hbm>>) target(%arg11 : memref<80xi32, #tpu.memory_space<vmem>>) target_semaphore(%arg23 : memref<!tpu.dma_semaphore, #tpu.memory_space<semaphore_mem>>)
      %dma_start3A_228 = tpu.memref_slice %arg4[%multiple_of3A_225] : memref<320000xi32, #tpu.memory_space<hbm>> -> memref<80xi32, #tpu.memory_space<hbm>>
      %dma_start3A_229 = tpu.memref_slice %arg4[%multiple_of3A_225] : memref<320000xi32, #tpu.memory_space<hbm>> -> memref<80xi32, #tpu.memory_space<hbm>>
      tpu.enqueue_dma source(%dma_start3A_229 : memref<80xi32, #tpu.memory_space<hbm>>) target(%arg15 : memref<80xi32, #tpu.memory_space<vmem>>) target_semaphore(%arg23 : memref<!tpu.dma_semaphore, #tpu.memory_space<semaphore_mem>>)
      %add3A_230 = arith.constant 2 : i32
      %add3A_231 = arith.addi %add3A_214, %add3A_230 : i32
      %min3A_232 = arith.constant 124 : i32
      %min3A_233 = arith.minsi %add3A_231, %min3A_232 : i32
      %mul3A_234 = arith.constant 80 : i32
      %mul3A_235 = arith.muli %min3A_233, %mul3A_234 : i32
      %add3A_236 = arith.addi %add3A, %mul3A_235 : i32
      %multiple_of3A_237 = tpu.assume_multiple %add3A_236, 8 : i32
      %dma_wait3A_238 = tpu.memref_slice %arg3[%multiple_of3A_237] : memref<320000xi32, #tpu.memory_space<hbm>> -> memref<80xi32, #tpu.memory_space<hbm>>
      %dma_wait3A_239 = tpu.memref_slice %arg3[%multiple_of3A_237] : memref<320000xi32, #tpu.memory_space<hbm>> -> memref<80xi32, #tpu.memory_space<hbm>>
      tpu.wait_dma2 semaphore(%arg21 : memref<!tpu.dma_semaphore, #tpu.memory_space<semaphore_mem>>) src(%dma_wait3A_239 : memref<80xi32, #tpu.memory_space<hbm>>) dst(%arg9 : memref<80xi32, #tpu.memory_space<vmem>>)
      %dma_wait3A_240 = tpu.memref_slice %arg4[%multiple_of3A_237] : memref<320000xi32, #tpu.memory_space<hbm>> -> memref<80xi32, #tpu.memory_space<hbm>>
      %dma_wait3A_241 = tpu.memref_slice %arg4[%multiple_of3A_237] : memref<320000xi32, #tpu.memory_space<hbm>> -> memref<80xi32, #tpu.memory_space<hbm>>
      tpu.wait_dma2 semaphore(%arg21 : memref<!tpu.dma_semaphore, #tpu.memory_space<semaphore_mem>>) src(%dma_wait3A_241 : memref<80xi32, #tpu.memory_space<hbm>>) dst(%arg13 : memref<80xi32, #tpu.memory_space<vmem>>)
      %dma_start3A_242 = arith.constant 0 : i32
      %dma_start3A_243 = arith.constant 0 : i32
      %dma_start3A_244 = tpu.memref_slice %arg2[%dma_start3A_242, %dma_start3A_243] : memref<10000x128xf32, #tpu.memory_space<hbm>> -> memref<10000x128xf32, #tpu.memory_space<hbm>>
      tpu.enqueue_indirect_dma source(%dma_start3A_244 : memref<10000x128xf32, #tpu.memory_space<hbm>>) target(%arg17 : memref<80x128xf32, #tpu.memory_space<vmem>>) offsets(%arg9 : memref<80xi32, #tpu.memory_space<vmem>>) semaphore(%arg25 : memref<!tpu.dma_semaphore, #tpu.memory_space<semaphore_mem>>)
    }
    %scan3A_78 = arith.constant 31 : i32
    %dma_wait3A_79 = arith.constant 0 : i32
    %dma_wait3A_80 = arith.constant 0 : i32
    %dma_wait3A_81 = tpu.memref_slice %arg2[%dma_wait3A_79, %dma_wait3A_80] : memref<10000x128xf32, #tpu.memory_space<hbm>> -> memref<10000x128xf32, #tpu.memory_space<hbm>>
    tpu.wait_indirect_dma semaphore(%arg24 : memref<!tpu.dma_semaphore, #tpu.memory_space<semaphore_mem>>) src(%dma_wait3A_81 : memref<10000x128xf32, #tpu.memory_space<hbm>>) dst(%arg16 : memref<80x128xf32, #tpu.memory_space<vmem>>)
    "tpu.region"() ({
      %run_scoped3A = tpu.sem_alloc : memref<!tpu.dma_semaphore, #tpu.memory_space<semaphore_mem>>
      %dma_start3A_108 = arith.constant 0 : i32
      %dma_start3A_109 = arith.constant 0 : i32
      %dma_start3A_110 = tpu.memref_slice %arg7[%dma_start3A_108, %dma_start3A_109] : memref<10112x128xf32, #tpu.memory_space<vmem_shared>> -> memref<10112x128xf32, #tpu.memory_space<vmem_shared>>
      tpu.enqueue_indirect_dma source(%arg16 : memref<80x128xf32, #tpu.memory_space<vmem>>) target(%dma_start3A_110 : memref<10112x128xf32, #tpu.memory_space<vmem_shared>>) offsets(%arg12 : memref<80xi32, #tpu.memory_space<vmem>>) semaphore(%run_scoped3A : memref<!tpu.dma_semaphore, #tpu.memory_space<semaphore_mem>>) {add = true}
      %dma_wait3A_111 = arith.constant 0 : i32
      %dma_wait3A_112 = arith.constant 0 : i32
      %dma_wait3A_113 = tpu.memref_slice %arg7[%dma_wait3A_111, %dma_wait3A_112] : memref<10112x128xf32, #tpu.memory_space<vmem_shared>> -> memref<10112x128xf32, #tpu.memory_space<vmem_shared>>
      tpu.wait_indirect_dma semaphore(%run_scoped3A : memref<!tpu.dma_semaphore, #tpu.memory_space<semaphore_mem>>) src(%arg16 : memref<80x128xf32, #tpu.memory_space<vmem>>) dst(%dma_wait3A_113 : memref<10112x128xf32, #tpu.memory_space<vmem_shared>>)
      tpu.yield
    }) : () -> ()
    %dma_wait3A_82 = arith.constant 0 : i32
    %dma_wait3A_83 = arith.constant 0 : i32
    %dma_wait3A_84 = tpu.memref_slice %arg2[%dma_wait3A_82, %dma_wait3A_83] : memref<10000x128xf32, #tpu.memory_space<hbm>> -> memref<10000x128xf32, #tpu.memory_space<hbm>>
    tpu.wait_indirect_dma semaphore(%arg25 : memref<!tpu.dma_semaphore, #tpu.memory_space<semaphore_mem>>) src(%dma_wait3A_84 : memref<10000x128xf32, #tpu.memory_space<hbm>>) dst(%arg17 : memref<80x128xf32, #tpu.memory_space<vmem>>)
    %min3A_85 = arith.constant 124 : i32
    %min3A_86 = arith.constant 124 : i32
    %min3A_87 = arith.minsi %min3A_85, %min3A_86 : i32
    %mul3A_88 = arith.constant 80 : i32
    %mul3A_89 = arith.muli %min3A_87, %mul3A_88 : i32
    %add3A_90 = arith.addi %add3A, %mul3A_89 : i32
    %multiple_of3A_91 = tpu.assume_multiple %add3A_90, 8 : i32
    %dma_wait3A_92 = tpu.memref_slice %arg3[%multiple_of3A_91] : memref<320000xi32, #tpu.memory_space<hbm>> -> memref<80xi32, #tpu.memory_space<hbm>>
    %dma_wait3A_93 = tpu.memref_slice %arg3[%multiple_of3A_91] : memref<320000xi32, #tpu.memory_space<hbm>> -> memref<80xi32, #tpu.memory_space<hbm>>
    tpu.wait_dma2 semaphore(%arg22 : memref<!tpu.dma_semaphore, #tpu.memory_space<semaphore_mem>>) src(%dma_wait3A_93 : memref<80xi32, #tpu.memory_space<hbm>>) dst(%arg10 : memref<80xi32, #tpu.memory_space<vmem>>)
    %dma_wait3A_94 = tpu.memref_slice %arg4[%multiple_of3A_91] : memref<320000xi32, #tpu.memory_space<hbm>> -> memref<80xi32, #tpu.memory_space<hbm>>
    %dma_wait3A_95 = tpu.memref_slice %arg4[%multiple_of3A_91] : memref<320000xi32, #tpu.memory_space<hbm>> -> memref<80xi32, #tpu.memory_space<hbm>>
    tpu.wait_dma2 semaphore(%arg22 : memref<!tpu.dma_semaphore, #tpu.memory_space<semaphore_mem>>) src(%dma_wait3A_95 : memref<80xi32, #tpu.memory_space<hbm>>) dst(%arg14 : memref<80xi32, #tpu.memory_space<vmem>>)
    %min3A_96 = arith.constant 124 : i32
    %min3A_97 = arith.constant 124 : i32
    %min3A_98 = arith.minsi %min3A_96, %min3A_97 : i32
    %mul3A_99 = arith.constant 80 : i32
    %mul3A_100 = arith.muli %min3A_98, %mul3A_99 : i32
    %add3A_101 = arith.addi %add3A, %mul3A_100 : i32
    %multiple_of3A_102 = tpu.assume_multiple %add3A_101, 8 : i32
    %dma_wait3A_103 = tpu.memref_slice %arg3[%multiple_of3A_102] : memref<320000xi32, #tpu.memory_space<hbm>> -> memref<80xi32, #tpu.memory_space<hbm>>
    %dma_wait3A_104 = tpu.memref_slice %arg3[%multiple_of3A_102] : memref<320000xi32, #tpu.memory_space<hbm>> -> memref<80xi32, #tpu.memory_space<hbm>>
    tpu.wait_dma2 semaphore(%arg23 : memref<!tpu.dma_semaphore, #tpu.memory_space<semaphore_mem>>) src(%dma_wait3A_104 : memref<80xi32, #tpu.memory_space<hbm>>) dst(%arg11 : memref<80xi32, #tpu.memory_space<vmem>>)
    %dma_wait3A_105 = tpu.memref_slice %arg4[%multiple_of3A_102] : memref<320000xi32, #tpu.memory_space<hbm>> -> memref<80xi32, #tpu.memory_space<hbm>>
    %dma_wait3A_106 = tpu.memref_slice %arg4[%multiple_of3A_102] : memref<320000xi32, #tpu.memory_space<hbm>> -> memref<80xi32, #tpu.memory_space<hbm>>
    tpu.wait_dma2 semaphore(%arg23 : memref<!tpu.dma_semaphore, #tpu.memory_space<semaphore_mem>>) src(%dma_wait3A_106 : memref<80xi32, #tpu.memory_space<hbm>>) dst(%arg15 : memref<80xi32, #tpu.memory_space<vmem>>)
    %barrier3A_107 = arith.constant 0 : index
    tpu.barrier barrier_id(%barrier3A_107)
    "tpu.region"() ({
      %run_scoped3A = tpu.sem_alloc : memref<!tpu.dma_semaphore, #tpu.memory_space<semaphore_mem>>
      %dma_start3A_108 = arith.constant 0 : i32
      %dma_start3A_109 = tpu.memref_slice %arg6[%arg0, %multiple_of3A, %dma_start3A_108] : memref<2x10112x128xf32, #tpu.memory_space<hbm>> -> memref<1x632x128xf32, #tpu.memory_space<hbm>>
      %dma_start3A_110 = tpu.memref_squeeze %dma_start3A_109 : memref<1x632x128xf32, #tpu.memory_space<hbm>> -> memref<632x128xf32, #tpu.memory_space<hbm>>
      %dma_start3A_111 = arith.constant 0 : i32
      %dma_start3A_112 = tpu.memref_slice %arg7[%multiple_of3A, %dma_start3A_111] : memref<10112x128xf32, #tpu.memory_space<vmem_shared>> -> memref<632x128xf32, #tpu.memory_space<vmem_shared>>
      tpu.enqueue_dma source(%dma_start3A_112 : memref<632x128xf32, #tpu.memory_space<vmem_shared>>) target(%dma_start3A_110 : memref<632x128xf32, #tpu.memory_space<hbm>>) target_semaphore(%run_scoped3A : memref<!tpu.dma_semaphore, #tpu.memory_space<semaphore_mem>>)
      %dma_wait3A_113 = arith.constant 0 : i32
      %dma_wait3A_114 = tpu.memref_slice %arg6[%arg0, %multiple_of3A, %dma_wait3A_113] : memref<2x10112x128xf32, #tpu.memory_space<hbm>> -> memref<1x632x128xf32, #tpu.memory_space<hbm>>
      %dma_wait3A_115 = tpu.memref_squeeze %dma_wait3A_114 : memref<1x632x128xf32, #tpu.memory_space<hbm>> -> memref<632x128xf32, #tpu.memory_space<hbm>>
      %dma_wait3A_116 = arith.constant 0 : i32
      %dma_wait3A_117 = tpu.memref_slice %arg7[%multiple_of3A, %dma_wait3A_116] : memref<10112x128xf32, #tpu.memory_space<vmem_shared>> -> memref<632x128xf32, #tpu.memory_space<vmem_shared>>
      tpu.wait_dma2 semaphore(%run_scoped3A : memref<!tpu.dma_semaphore, #tpu.memory_space<semaphore_mem>>) src(%dma_wait3A_117 : memref<632x128xf32, #tpu.memory_space<vmem_shared>>) dst(%dma_wait3A_115 : memref<632x128xf32, #tpu.memory_space<hbm>>)
      tpu.yield
    }) : () -> ()
    return
  }
}

#map = affine_map<(d0, d1) -> (0, 0)>
#map1 = affine_map<(d0, d1) -> (0)>
#map2 = affine_map<(d0, d1) -> (0, 0, 0)>
module attributes {stable_mosaic.version = 14 : i64} {
  func.func @agg_kernel(%arg0: i32, %arg1: i32, %arg2: memref<10000x128xf32, #tpu.memory_space<hbm>>, %arg3: memref<320000xi32, #tpu.memory_space<hbm>>, %arg4: memref<320000xi32, #tpu.memory_space<hbm>>, %arg5: memref<10112x128xf32, #tpu.memory_space<hbm>>, %arg6: memref<2x10112x128xf32, #tpu.memory_space<hbm>>, %arg7: memref<10112x128xf32, #tpu.memory_space<vmem_shared>>, %arg8: memref<80xi32, #tpu.memory_space<vmem>>, %arg9: memref<80xi32, #tpu.memory_space<vmem>>, %arg10: memref<80xi32, #tpu.memory_space<vmem>>, %arg11: memref<80xi32, #tpu.memory_space<vmem>>, %arg12: memref<80xi32, #tpu.memory_space<vmem>>, %arg13: memref<80xi32, #tpu.memory_space<vmem>>, %arg14: memref<80xi32, #tpu.memory_space<vmem>>, %arg15: memref<80xi32, #tpu.memory_space<vmem>>, %arg16: memref<80x128xf32, #tpu.memory_space<vmem>>, %arg17: memref<80x128xf32, #tpu.memory_space<vmem>>, %arg18: memref<80x128xf32, #tpu.memory_space<vmem>>, %arg19: memref<80x128xf32, #tpu.memory_space<vmem>>, %arg20: memref<!tpu.dma_semaphore, #tpu.memory_space<semaphore_mem>>, %arg21: memref<!tpu.dma_semaphore, #tpu.memory_space<semaphore_mem>>, %arg22: memref<!tpu.dma_semaphore, #tpu.memory_space<semaphore_mem>>, %arg23: memref<!tpu.dma_semaphore, #tpu.memory_space<semaphore_mem>>, %arg24: memref<!tpu.dma_semaphore, #tpu.memory_space<semaphore_mem>>, %arg25: memref<!tpu.dma_semaphore, #tpu.memory_space<semaphore_mem>>, %arg26: memref<!tpu.dma_semaphore, #tpu.memory_space<semaphore_mem>>, %arg27: memref<!tpu.dma_semaphore, #tpu.memory_space<semaphore_mem>>) attributes {dimension_semantics = [#tpu.dimension_semantics<core_parallel>, #tpu.dimension_semantics<subcore_parallel>], iteration_bounds = array<i64: 2, 16>, scalar_prefetch = 0 : i64, scratch_operands = 21 : i64, tpu.core_type = #tpu.core_type<sc_vector_subcore>, window_params = [{transform_indices = #map}, {transform_indices = #map1}, {transform_indices = #map1}, {transform_indices = #map}, {transform_indices = #map2}]} {
    %mul3A = arith.constant 632 : i32
    %mul3A_0 = arith.muli %arg1, %mul3A : i32
    %multiple_of3A = tpu.assume_multiple %mul3A_0, 8 : i32
    "tpu.region"() ({
      %run_scoped3A = tpu.sem_alloc : memref<!tpu.dma_semaphore, #tpu.memory_space<semaphore_mem>>
      %dma_start3A_108 = arith.constant 0 : i32
      %dma_start3A_109 = tpu.memref_slice %arg7[%multiple_of3A, %dma_start3A_108] : memref<10112x128xf32, #tpu.memory_space<vmem_shared>> -> memref<632x128xf32, #tpu.memory_space<vmem_shared>>
      %dma_start3A_110 = arith.constant 0 : i32
      %dma_start3A_111 = tpu.memref_slice %arg5[%multiple_of3A, %dma_start3A_110] : memref<10112x128xf32, #tpu.memory_space<hbm>> -> memref<632x128xf32, #tpu.memory_space<hbm>>
      tpu.enqueue_dma source(%dma_start3A_111 : memref<632x128xf32, #tpu.memory_space<hbm>>) target(%dma_start3A_109 : memref<632x128xf32, #tpu.memory_space<vmem_shared>>) target_semaphore(%run_scoped3A : memref<!tpu.dma_semaphore, #tpu.memory_space<semaphore_mem>>)
      %dma_wait3A_112 = arith.constant 0 : i32
      %dma_wait3A_113 = tpu.memref_slice %arg7[%multiple_of3A, %dma_wait3A_112] : memref<10112x128xf32, #tpu.memory_space<vmem_shared>> -> memref<632x128xf32, #tpu.memory_space<vmem_shared>>
      %dma_wait3A_114 = arith.constant 0 : i32
      %dma_wait3A_115 = tpu.memref_slice %arg5[%multiple_of3A, %dma_wait3A_114] : memref<10112x128xf32, #tpu.memory_space<hbm>> -> memref<632x128xf32, #tpu.memory_space<hbm>>
      tpu.wait_dma2 semaphore(%run_scoped3A : memref<!tpu.dma_semaphore, #tpu.memory_space<semaphore_mem>>) src(%dma_wait3A_115 : memref<632x128xf32, #tpu.memory_space<hbm>>) dst(%dma_wait3A_113 : memref<632x128xf32, #tpu.memory_space<vmem_shared>>)
      tpu.yield
    }) : () -> ()
    %mul3A_1 = arith.constant 160000 : i32
    %mul3A_2 = arith.muli %arg0, %mul3A_1 : i32
    %mul3A_3 = arith.constant 10000 : i32
    %mul3A_4 = arith.muli %arg1, %mul3A_3 : i32
    %add3A = arith.addi %mul3A_2, %mul3A_4 : i32
    %barrier3A = arith.constant 0 : index
    tpu.barrier barrier_id(%barrier3A)
    %min3A = arith.constant 0 : i32
    %min3A_5 = arith.constant 124 : i32
    %min3A_6 = arith.minsi %min3A, %min3A_5 : i32
    %mul3A_7 = arith.constant 80 : i32
    %mul3A_8 = arith.muli %min3A_6, %mul3A_7 : i32
    %add3A_9 = arith.addi %add3A, %mul3A_8 : i32
    %multiple_of3A_10 = tpu.assume_multiple %add3A_9, 8 : i32
    %dma_start3A = tpu.memref_slice %arg3[%multiple_of3A_10] : memref<320000xi32, #tpu.memory_space<hbm>> -> memref<80xi32, #tpu.memory_space<hbm>>
    %dma_start3A_11 = tpu.memref_slice %arg3[%multiple_of3A_10] : memref<320000xi32, #tpu.memory_space<hbm>> -> memref<80xi32, #tpu.memory_space<hbm>>
    tpu.enqueue_dma source(%dma_start3A_11 : memref<80xi32, #tpu.memory_space<hbm>>) target(%arg8 : memref<80xi32, #tpu.memory_space<vmem>>) target_semaphore(%arg20 : memref<!tpu.dma_semaphore, #tpu.memory_space<semaphore_mem>>)
    %dma_start3A_12 = tpu.memref_slice %arg4[%multiple_of3A_10] : memref<320000xi32, #tpu.memory_space<hbm>> -> memref<80xi32, #tpu.memory_space<hbm>>
    %dma_start3A_13 = tpu.memref_slice %arg4[%multiple_of3A_10] : memref<320000xi32, #tpu.memory_space<hbm>> -> memref<80xi32, #tpu.memory_space<hbm>>
    tpu.enqueue_dma source(%dma_start3A_13 : memref<80xi32, #tpu.memory_space<hbm>>) target(%arg12 : memref<80xi32, #tpu.memory_space<vmem>>) target_semaphore(%arg20 : memref<!tpu.dma_semaphore, #tpu.memory_space<semaphore_mem>>)
    %min3A_14 = arith.constant 1 : i32
    %min3A_15 = arith.constant 124 : i32
    %min3A_16 = arith.minsi %min3A_14, %min3A_15 : i32
    %mul3A_17 = arith.constant 80 : i32
    %mul3A_18 = arith.muli %min3A_16, %mul3A_17 : i32
    %add3A_19 = arith.addi %add3A, %mul3A_18 : i32
    %multiple_of3A_20 = tpu.assume_multiple %add3A_19, 8 : i32
    %dma_start3A_21 = tpu.memref_slice %arg3[%multiple_of3A_20] : memref<320000xi32, #tpu.memory_space<hbm>> -> memref<80xi32, #tpu.memory_space<hbm>>
    %dma_start3A_22 = tpu.memref_slice %arg3[%multiple_of3A_20] : memref<320000xi32, #tpu.memory_space<hbm>> -> memref<80xi32, #tpu.memory_space<hbm>>
    tpu.enqueue_dma source(%dma_start3A_22 : memref<80xi32, #tpu.memory_space<hbm>>) target(%arg9 : memref<80xi32, #tpu.memory_space<vmem>>) target_semaphore(%arg21 : memref<!tpu.dma_semaphore, #tpu.memory_space<semaphore_mem>>)
    %dma_start3A_23 = tpu.memref_slice %arg4[%multiple_of3A_20] : memref<320000xi32, #tpu.memory_space<hbm>> -> memref<80xi32, #tpu.memory_space<hbm>>
    %dma_start3A_24 = tpu.memref_slice %arg4[%multiple_of3A_20] : memref<320000xi32, #tpu.memory_space<hbm>> -> memref<80xi32, #tpu.memory_space<hbm>>
    tpu.enqueue_dma source(%dma_start3A_24 : memref<80xi32, #tpu.memory_space<hbm>>) target(%arg13 : memref<80xi32, #tpu.memory_space<vmem>>) target_semaphore(%arg21 : memref<!tpu.dma_semaphore, #tpu.memory_space<semaphore_mem>>)
    %min3A_25 = arith.constant 2 : i32
    %min3A_26 = arith.constant 124 : i32
    %min3A_27 = arith.minsi %min3A_25, %min3A_26 : i32
    %mul3A_28 = arith.constant 80 : i32
    %mul3A_29 = arith.muli %min3A_27, %mul3A_28 : i32
    %add3A_30 = arith.addi %add3A, %mul3A_29 : i32
    %multiple_of3A_31 = tpu.assume_multiple %add3A_30, 8 : i32
    %dma_start3A_32 = tpu.memref_slice %arg3[%multiple_of3A_31] : memref<320000xi32, #tpu.memory_space<hbm>> -> memref<80xi32, #tpu.memory_space<hbm>>
    %dma_start3A_33 = tpu.memref_slice %arg3[%multiple_of3A_31] : memref<320000xi32, #tpu.memory_space<hbm>> -> memref<80xi32, #tpu.memory_space<hbm>>
    tpu.enqueue_dma source(%dma_start3A_33 : memref<80xi32, #tpu.memory_space<hbm>>) target(%arg10 : memref<80xi32, #tpu.memory_space<vmem>>) target_semaphore(%arg22 : memref<!tpu.dma_semaphore, #tpu.memory_space<semaphore_mem>>)
    %dma_start3A_34 = tpu.memref_slice %arg4[%multiple_of3A_31] : memref<320000xi32, #tpu.memory_space<hbm>> -> memref<80xi32, #tpu.memory_space<hbm>>
    %dma_start3A_35 = tpu.memref_slice %arg4[%multiple_of3A_31] : memref<320000xi32, #tpu.memory_space<hbm>> -> memref<80xi32, #tpu.memory_space<hbm>>
    tpu.enqueue_dma source(%dma_start3A_35 : memref<80xi32, #tpu.memory_space<hbm>>) target(%arg14 : memref<80xi32, #tpu.memory_space<vmem>>) target_semaphore(%arg22 : memref<!tpu.dma_semaphore, #tpu.memory_space<semaphore_mem>>)
    %min3A_36 = arith.constant 3 : i32
    %min3A_37 = arith.constant 124 : i32
    %min3A_38 = arith.minsi %min3A_36, %min3A_37 : i32
    %mul3A_39 = arith.constant 80 : i32
    %mul3A_40 = arith.muli %min3A_38, %mul3A_39 : i32
    %add3A_41 = arith.addi %add3A, %mul3A_40 : i32
    %multiple_of3A_42 = tpu.assume_multiple %add3A_41, 8 : i32
    %dma_start3A_43 = tpu.memref_slice %arg3[%multiple_of3A_42] : memref<320000xi32, #tpu.memory_space<hbm>> -> memref<80xi32, #tpu.memory_space<hbm>>
    %dma_start3A_44 = tpu.memref_slice %arg3[%multiple_of3A_42] : memref<320000xi32, #tpu.memory_space<hbm>> -> memref<80xi32, #tpu.memory_space<hbm>>
    tpu.enqueue_dma source(%dma_start3A_44 : memref<80xi32, #tpu.memory_space<hbm>>) target(%arg11 : memref<80xi32, #tpu.memory_space<vmem>>) target_semaphore(%arg23 : memref<!tpu.dma_semaphore, #tpu.memory_space<semaphore_mem>>)
    %dma_start3A_45 = tpu.memref_slice %arg4[%multiple_of3A_42] : memref<320000xi32, #tpu.memory_space<hbm>> -> memref<80xi32, #tpu.memory_space<hbm>>
    %dma_start3A_46 = tpu.memref_slice %arg4[%multiple_of3A_42] : memref<320000xi32, #tpu.memory_space<hbm>> -> memref<80xi32, #tpu.memory_space<hbm>>
    tpu.enqueue_dma source(%dma_start3A_46 : memref<80xi32, #tpu.memory_space<hbm>>) target(%arg15 : memref<80xi32, #tpu.memory_space<vmem>>) target_semaphore(%arg23 : memref<!tpu.dma_semaphore, #tpu.memory_space<semaphore_mem>>)
    %min3A_47 = arith.constant 0 : i32
    %min3A_48 = arith.constant 124 : i32
    %min3A_49 = arith.minsi %min3A_47, %min3A_48 : i32
    %mul3A_50 = arith.constant 80 : i32
    %mul3A_51 = arith.muli %min3A_49, %mul3A_50 : i32
    %add3A_52 = arith.addi %add3A, %mul3A_51 : i32
    %multiple_of3A_53 = tpu.assume_multiple %add3A_52, 8 : i32
    %dma_wait3A = tpu.memref_slice %arg3[%multiple_of3A_53] : memref<320000xi32, #tpu.memory_space<hbm>> -> memref<80xi32, #tpu.memory_space<hbm>>
    %dma_wait3A_54 = tpu.memref_slice %arg3[%multiple_of3A_53] : memref<320000xi32, #tpu.memory_space<hbm>> -> memref<80xi32, #tpu.memory_space<hbm>>
    tpu.wait_dma2 semaphore(%arg20 : memref<!tpu.dma_semaphore, #tpu.memory_space<semaphore_mem>>) src(%dma_wait3A_54 : memref<80xi32, #tpu.memory_space<hbm>>) dst(%arg8 : memref<80xi32, #tpu.memory_space<vmem>>)
    %dma_wait3A_55 = tpu.memref_slice %arg4[%multiple_of3A_53] : memref<320000xi32, #tpu.memory_space<hbm>> -> memref<80xi32, #tpu.memory_space<hbm>>
    %dma_wait3A_56 = tpu.memref_slice %arg4[%multiple_of3A_53] : memref<320000xi32, #tpu.memory_space<hbm>> -> memref<80xi32, #tpu.memory_space<hbm>>
    tpu.wait_dma2 semaphore(%arg20 : memref<!tpu.dma_semaphore, #tpu.memory_space<semaphore_mem>>) src(%dma_wait3A_56 : memref<80xi32, #tpu.memory_space<hbm>>) dst(%arg12 : memref<80xi32, #tpu.memory_space<vmem>>)
    %dma_start3A_57 = arith.constant 0 : i32
    %dma_start3A_58 = arith.constant 0 : i32
    %dma_start3A_59 = tpu.memref_slice %arg2[%dma_start3A_57, %dma_start3A_58] : memref<10000x128xf32, #tpu.memory_space<hbm>> -> memref<10000x128xf32, #tpu.memory_space<hbm>>
    tpu.enqueue_indirect_dma source(%dma_start3A_59 : memref<10000x128xf32, #tpu.memory_space<hbm>>) target(%arg16 : memref<80x128xf32, #tpu.memory_space<vmem>>) offsets(%arg8 : memref<80xi32, #tpu.memory_space<vmem>>) semaphore(%arg24 : memref<!tpu.dma_semaphore, #tpu.memory_space<semaphore_mem>>)
    %min3A_60 = arith.constant 1 : i32
    %min3A_61 = arith.constant 124 : i32
    %min3A_62 = arith.minsi %min3A_60, %min3A_61 : i32
    %mul3A_63 = arith.constant 80 : i32
    %mul3A_64 = arith.muli %min3A_62, %mul3A_63 : i32
    %add3A_65 = arith.addi %add3A, %mul3A_64 : i32
    %multiple_of3A_66 = tpu.assume_multiple %add3A_65, 8 : i32
    %dma_wait3A_67 = tpu.memref_slice %arg3[%multiple_of3A_66] : memref<320000xi32, #tpu.memory_space<hbm>> -> memref<80xi32, #tpu.memory_space<hbm>>
    %dma_wait3A_68 = tpu.memref_slice %arg3[%multiple_of3A_66] : memref<320000xi32, #tpu.memory_space<hbm>> -> memref<80xi32, #tpu.memory_space<hbm>>
    tpu.wait_dma2 semaphore(%arg21 : memref<!tpu.dma_semaphore, #tpu.memory_space<semaphore_mem>>) src(%dma_wait3A_68 : memref<80xi32, #tpu.memory_space<hbm>>) dst(%arg9 : memref<80xi32, #tpu.memory_space<vmem>>)
    %dma_wait3A_69 = tpu.memref_slice %arg4[%multiple_of3A_66] : memref<320000xi32, #tpu.memory_space<hbm>> -> memref<80xi32, #tpu.memory_space<hbm>>
    %dma_wait3A_70 = tpu.memref_slice %arg4[%multiple_of3A_66] : memref<320000xi32, #tpu.memory_space<hbm>> -> memref<80xi32, #tpu.memory_space<hbm>>
    tpu.wait_dma2 semaphore(%arg21 : memref<!tpu.dma_semaphore, #tpu.memory_space<semaphore_mem>>) src(%dma_wait3A_70 : memref<80xi32, #tpu.memory_space<hbm>>) dst(%arg13 : memref<80xi32, #tpu.memory_space<vmem>>)
    %dma_start3A_71 = arith.constant 0 : i32
    %dma_start3A_72 = arith.constant 0 : i32
    %dma_start3A_73 = tpu.memref_slice %arg2[%dma_start3A_71, %dma_start3A_72] : memref<10000x128xf32, #tpu.memory_space<hbm>> -> memref<10000x128xf32, #tpu.memory_space<hbm>>
    tpu.enqueue_indirect_dma source(%dma_start3A_73 : memref<10000x128xf32, #tpu.memory_space<hbm>>) target(%arg17 : memref<80x128xf32, #tpu.memory_space<vmem>>) offsets(%arg9 : memref<80xi32, #tpu.memory_space<vmem>>) semaphore(%arg25 : memref<!tpu.dma_semaphore, #tpu.memory_space<semaphore_mem>>)
    %scan3A = arith.constant 0 : i32
    %scan3A_74 = arith.constant 0 : i32
    %scan3A_75 = arith.constant 31 : i32
    %scan3A_76 = arith.addi %scan3A_74, %scan3A_75 : i32
    %scan3A_77 = arith.constant 1 : i32
    scf.for %scan3A_108 = %scan3A_74 to %scan3A_76 step %scan3A_77  : i32 {
      %mul3A_109 = arith.constant 4 : i32
      %mul3A_110 = arith.muli %mul3A_109, %scan3A_108 : i32
      %add3A_111 = arith.constant 0 : i32
      %add3A_112 = arith.addi %mul3A_110, %add3A_111 : i32
      %dma_wait3A_113 = arith.constant 0 : i32
      %dma_wait3A_114 = arith.constant 0 : i32
      %dma_wait3A_115 = tpu.memref_slice %arg2[%dma_wait3A_113, %dma_wait3A_114] : memref<10000x128xf32, #tpu.memory_space<hbm>> -> memref<10000x128xf32, #tpu.memory_space<hbm>>
      tpu.wait_indirect_dma semaphore(%arg24 : memref<!tpu.dma_semaphore, #tpu.memory_space<semaphore_mem>>) src(%dma_wait3A_115 : memref<10000x128xf32, #tpu.memory_space<hbm>>) dst(%arg16 : memref<80x128xf32, #tpu.memory_space<vmem>>)
      "tpu.region"() ({
        %run_scoped3A = tpu.sem_alloc : memref<!tpu.dma_semaphore, #tpu.memory_space<semaphore_mem>>
        %dma_start3A_245 = arith.constant 0 : i32
        %dma_start3A_246 = arith.constant 0 : i32
        %dma_start3A_247 = tpu.memref_slice %arg7[%dma_start3A_245, %dma_start3A_246] : memref<10112x128xf32, #tpu.memory_space<vmem_shared>> -> memref<10112x128xf32, #tpu.memory_space<vmem_shared>>
        tpu.enqueue_indirect_dma source(%arg16 : memref<80x128xf32, #tpu.memory_space<vmem>>) target(%dma_start3A_247 : memref<10112x128xf32, #tpu.memory_space<vmem_shared>>) offsets(%arg12 : memref<80xi32, #tpu.memory_space<vmem>>) semaphore(%run_scoped3A : memref<!tpu.dma_semaphore, #tpu.memory_space<semaphore_mem>>) {add = true}
        %dma_wait3A_248 = arith.constant 0 : i32
        %dma_wait3A_249 = arith.constant 0 : i32
        %dma_wait3A_250 = tpu.memref_slice %arg7[%dma_wait3A_248, %dma_wait3A_249] : memref<10112x128xf32, #tpu.memory_space<vmem_shared>> -> memref<10112x128xf32, #tpu.memory_space<vmem_shared>>
        tpu.wait_indirect_dma semaphore(%run_scoped3A : memref<!tpu.dma_semaphore, #tpu.memory_space<semaphore_mem>>) src(%arg16 : memref<80x128xf32, #tpu.memory_space<vmem>>) dst(%dma_wait3A_250 : memref<10112x128xf32, #tpu.memory_space<vmem_shared>>)
        tpu.yield
      }) : () -> ()
      %add3A_116 = arith.constant 4 : i32
      %add3A_117 = arith.addi %add3A_112, %add3A_116 : i32
      %min3A_118 = arith.constant 124 : i32
      %min3A_119 = arith.minsi %add3A_117, %min3A_118 : i32
      %mul3A_120 = arith.constant 80 : i32
      %mul3A_121 = arith.muli %min3A_119, %mul3A_120 : i32
      %add3A_122 = arith.addi %add3A, %mul3A_121 : i32
      %multiple_of3A_123 = tpu.assume_multiple %add3A_122, 8 : i32
      %dma_start3A_124 = tpu.memref_slice %arg3[%multiple_of3A_123] : memref<320000xi32, #tpu.memory_space<hbm>> -> memref<80xi32, #tpu.memory_space<hbm>>
      %dma_start3A_125 = tpu.memref_slice %arg3[%multiple_of3A_123] : memref<320000xi32, #tpu.memory_space<hbm>> -> memref<80xi32, #tpu.memory_space<hbm>>
      tpu.enqueue_dma source(%dma_start3A_125 : memref<80xi32, #tpu.memory_space<hbm>>) target(%arg8 : memref<80xi32, #tpu.memory_space<vmem>>) target_semaphore(%arg20 : memref<!tpu.dma_semaphore, #tpu.memory_space<semaphore_mem>>)
      %dma_start3A_126 = tpu.memref_slice %arg4[%multiple_of3A_123] : memref<320000xi32, #tpu.memory_space<hbm>> -> memref<80xi32, #tpu.memory_space<hbm>>
      %dma_start3A_127 = tpu.memref_slice %arg4[%multiple_of3A_123] : memref<320000xi32, #tpu.memory_space<hbm>> -> memref<80xi32, #tpu.memory_space<hbm>>
      tpu.enqueue_dma source(%dma_start3A_127 : memref<80xi32, #tpu.memory_space<hbm>>) target(%arg12 : memref<80xi32, #tpu.memory_space<vmem>>) target_semaphore(%arg20 : memref<!tpu.dma_semaphore, #tpu.memory_space<semaphore_mem>>)
      %add3A_128 = arith.constant 2 : i32
      %add3A_129 = arith.addi %add3A_112, %add3A_128 : i32
      %min3A_130 = arith.constant 124 : i32
      %min3A_131 = arith.minsi %add3A_129, %min3A_130 : i32
      %mul3A_132 = arith.constant 80 : i32
      %mul3A_133 = arith.muli %min3A_131, %mul3A_132 : i32
      %add3A_134 = arith.addi %add3A, %mul3A_133 : i32
      %multiple_of3A_135 = tpu.assume_multiple %add3A_134, 8 : i32
      %dma_wait3A_136 = tpu.memref_slice %arg3[%multiple_of3A_135] : memref<320000xi32, #tpu.memory_space<hbm>> -> memref<80xi32, #tpu.memory_space<hbm>>
      %dma_wait3A_137 = tpu.memref_slice %arg3[%multiple_of3A_135] : memref<320000xi32, #tpu.memory_space<hbm>> -> memref<80xi32, #tpu.memory_space<hbm>>
      tpu.wait_dma2 semaphore(%arg22 : memref<!tpu.dma_semaphore, #tpu.memory_space<semaphore_mem>>) src(%dma_wait3A_137 : memref<80xi32, #tpu.memory_space<hbm>>) dst(%arg10 : memref<80xi32, #tpu.memory_space<vmem>>)
      %dma_wait3A_138 = tpu.memref_slice %arg4[%multiple_of3A_135] : memref<320000xi32, #tpu.memory_space<hbm>> -> memref<80xi32, #tpu.memory_space<hbm>>
      %dma_wait3A_139 = tpu.memref_slice %arg4[%multiple_of3A_135] : memref<320000xi32, #tpu.memory_space<hbm>> -> memref<80xi32, #tpu.memory_space<hbm>>
      tpu.wait_dma2 semaphore(%arg22 : memref<!tpu.dma_semaphore, #tpu.memory_space<semaphore_mem>>) src(%dma_wait3A_139 : memref<80xi32, #tpu.memory_space<hbm>>) dst(%arg14 : memref<80xi32, #tpu.memory_space<vmem>>)
      %dma_start3A_140 = arith.constant 0 : i32
      %dma_start3A_141 = arith.constant 0 : i32
      %dma_start3A_142 = tpu.memref_slice %arg2[%dma_start3A_140, %dma_start3A_141] : memref<10000x128xf32, #tpu.memory_space<hbm>> -> memref<10000x128xf32, #tpu.memory_space<hbm>>
      tpu.enqueue_indirect_dma source(%dma_start3A_142 : memref<10000x128xf32, #tpu.memory_space<hbm>>) target(%arg18 : memref<80x128xf32, #tpu.memory_space<vmem>>) offsets(%arg10 : memref<80xi32, #tpu.memory_space<vmem>>) semaphore(%arg26 : memref<!tpu.dma_semaphore, #tpu.memory_space<semaphore_mem>>)
      %mul3A_143 = arith.constant 4 : i32
      %mul3A_144 = arith.muli %mul3A_143, %scan3A_108 : i32
      %add3A_145 = arith.constant 1 : i32
      %add3A_146 = arith.addi %mul3A_144, %add3A_145 : i32
      %dma_wait3A_147 = arith.constant 0 : i32
      %dma_wait3A_148 = arith.constant 0 : i32
      %dma_wait3A_149 = tpu.memref_slice %arg2[%dma_wait3A_147, %dma_wait3A_148] : memref<10000x128xf32, #tpu.memory_space<hbm>> -> memref<10000x128xf32, #tpu.memory_space<hbm>>
      tpu.wait_indirect_dma semaphore(%arg25 : memref<!tpu.dma_semaphore, #tpu.memory_space<semaphore_mem>>) src(%dma_wait3A_149 : memref<10000x128xf32, #tpu.memory_space<hbm>>) dst(%arg17 : memref<80x128xf32, #tpu.memory_space<vmem>>)
      "tpu.region"() ({
        %run_scoped3A = tpu.sem_alloc : memref<!tpu.dma_semaphore, #tpu.memory_space<semaphore_mem>>
        %dma_start3A_245 = arith.constant 0 : i32
        %dma_start3A_246 = arith.constant 0 : i32
        %dma_start3A_247 = tpu.memref_slice %arg7[%dma_start3A_245, %dma_start3A_246] : memref<10112x128xf32, #tpu.memory_space<vmem_shared>> -> memref<10112x128xf32, #tpu.memory_space<vmem_shared>>
        tpu.enqueue_indirect_dma source(%arg17 : memref<80x128xf32, #tpu.memory_space<vmem>>) target(%dma_start3A_247 : memref<10112x128xf32, #tpu.memory_space<vmem_shared>>) offsets(%arg13 : memref<80xi32, #tpu.memory_space<vmem>>) semaphore(%run_scoped3A : memref<!tpu.dma_semaphore, #tpu.memory_space<semaphore_mem>>) {add = true}
        %dma_wait3A_248 = arith.constant 0 : i32
        %dma_wait3A_249 = arith.constant 0 : i32
        %dma_wait3A_250 = tpu.memref_slice %arg7[%dma_wait3A_248, %dma_wait3A_249] : memref<10112x128xf32, #tpu.memory_space<vmem_shared>> -> memref<10112x128xf32, #tpu.memory_space<vmem_shared>>
        tpu.wait_indirect_dma semaphore(%run_scoped3A : memref<!tpu.dma_semaphore, #tpu.memory_space<semaphore_mem>>) src(%arg17 : memref<80x128xf32, #tpu.memory_space<vmem>>) dst(%dma_wait3A_250 : memref<10112x128xf32, #tpu.memory_space<vmem_shared>>)
        tpu.yield
      }) : () -> ()
      %add3A_150 = arith.constant 4 : i32
      %add3A_151 = arith.addi %add3A_146, %add3A_150 : i32
      %min3A_152 = arith.constant 124 : i32
      %min3A_153 = arith.minsi %add3A_151, %min3A_152 : i32
      %mul3A_154 = arith.constant 80 : i32
      %mul3A_155 = arith.muli %min3A_153, %mul3A_154 : i32
      %add3A_156 = arith.addi %add3A, %mul3A_155 : i32
      %multiple_of3A_157 = tpu.assume_multiple %add3A_156, 8 : i32
      %dma_start3A_158 = tpu.memref_slice %arg3[%multiple_of3A_157] : memref<320000xi32, #tpu.memory_space<hbm>> -> memref<80xi32, #tpu.memory_space<hbm>>
      %dma_start3A_159 = tpu.memref_slice %arg3[%multiple_of3A_157] : memref<320000xi32, #tpu.memory_space<hbm>> -> memref<80xi32, #tpu.memory_space<hbm>>
      tpu.enqueue_dma source(%dma_start3A_159 : memref<80xi32, #tpu.memory_space<hbm>>) target(%arg9 : memref<80xi32, #tpu.memory_space<vmem>>) target_semaphore(%arg21 : memref<!tpu.dma_semaphore, #tpu.memory_space<semaphore_mem>>)
      %dma_start3A_160 = tpu.memref_slice %arg4[%multiple_of3A_157] : memref<320000xi32, #tpu.memory_space<hbm>> -> memref<80xi32, #tpu.memory_space<hbm>>
      %dma_start3A_161 = tpu.memref_slice %arg4[%multiple_of3A_157] : memref<320000xi32, #tpu.memory_space<hbm>> -> memref<80xi32, #tpu.memory_space<hbm>>
      tpu.enqueue_dma source(%dma_start3A_161 : memref<80xi32, #tpu.memory_space<hbm>>) target(%arg13 : memref<80xi32, #tpu.memory_space<vmem>>) target_semaphore(%arg21 : memref<!tpu.dma_semaphore, #tpu.memory_space<semaphore_mem>>)
      %add3A_162 = arith.constant 2 : i32
      %add3A_163 = arith.addi %add3A_146, %add3A_162 : i32
      %min3A_164 = arith.constant 124 : i32
      %min3A_165 = arith.minsi %add3A_163, %min3A_164 : i32
      %mul3A_166 = arith.constant 80 : i32
      %mul3A_167 = arith.muli %min3A_165, %mul3A_166 : i32
      %add3A_168 = arith.addi %add3A, %mul3A_167 : i32
      %multiple_of3A_169 = tpu.assume_multiple %add3A_168, 8 : i32
      %dma_wait3A_170 = tpu.memref_slice %arg3[%multiple_of3A_169] : memref<320000xi32, #tpu.memory_space<hbm>> -> memref<80xi32, #tpu.memory_space<hbm>>
      %dma_wait3A_171 = tpu.memref_slice %arg3[%multiple_of3A_169] : memref<320000xi32, #tpu.memory_space<hbm>> -> memref<80xi32, #tpu.memory_space<hbm>>
      tpu.wait_dma2 semaphore(%arg23 : memref<!tpu.dma_semaphore, #tpu.memory_space<semaphore_mem>>) src(%dma_wait3A_171 : memref<80xi32, #tpu.memory_space<hbm>>) dst(%arg11 : memref<80xi32, #tpu.memory_space<vmem>>)
      %dma_wait3A_172 = tpu.memref_slice %arg4[%multiple_of3A_169] : memref<320000xi32, #tpu.memory_space<hbm>> -> memref<80xi32, #tpu.memory_space<hbm>>
      %dma_wait3A_173 = tpu.memref_slice %arg4[%multiple_of3A_169] : memref<320000xi32, #tpu.memory_space<hbm>> -> memref<80xi32, #tpu.memory_space<hbm>>
      tpu.wait_dma2 semaphore(%arg23 : memref<!tpu.dma_semaphore, #tpu.memory_space<semaphore_mem>>) src(%dma_wait3A_173 : memref<80xi32, #tpu.memory_space<hbm>>) dst(%arg15 : memref<80xi32, #tpu.memory_space<vmem>>)
      %dma_start3A_174 = arith.constant 0 : i32
      %dma_start3A_175 = arith.constant 0 : i32
      %dma_start3A_176 = tpu.memref_slice %arg2[%dma_start3A_174, %dma_start3A_175] : memref<10000x128xf32, #tpu.memory_space<hbm>> -> memref<10000x128xf32, #tpu.memory_space<hbm>>
      tpu.enqueue_indirect_dma source(%dma_start3A_176 : memref<10000x128xf32, #tpu.memory_space<hbm>>) target(%arg19 : memref<80x128xf32, #tpu.memory_space<vmem>>) offsets(%arg11 : memref<80xi32, #tpu.memory_space<vmem>>) semaphore(%arg27 : memref<!tpu.dma_semaphore, #tpu.memory_space<semaphore_mem>>)
      %mul3A_177 = arith.constant 4 : i32
      %mul3A_178 = arith.muli %mul3A_177, %scan3A_108 : i32
      %add3A_179 = arith.constant 2 : i32
      %add3A_180 = arith.addi %mul3A_178, %add3A_179 : i32
      %dma_wait3A_181 = arith.constant 0 : i32
      %dma_wait3A_182 = arith.constant 0 : i32
      %dma_wait3A_183 = tpu.memref_slice %arg2[%dma_wait3A_181, %dma_wait3A_182] : memref<10000x128xf32, #tpu.memory_space<hbm>> -> memref<10000x128xf32, #tpu.memory_space<hbm>>
      tpu.wait_indirect_dma semaphore(%arg26 : memref<!tpu.dma_semaphore, #tpu.memory_space<semaphore_mem>>) src(%dma_wait3A_183 : memref<10000x128xf32, #tpu.memory_space<hbm>>) dst(%arg18 : memref<80x128xf32, #tpu.memory_space<vmem>>)
      "tpu.region"() ({
        %run_scoped3A = tpu.sem_alloc : memref<!tpu.dma_semaphore, #tpu.memory_space<semaphore_mem>>
        %dma_start3A_245 = arith.constant 0 : i32
        %dma_start3A_246 = arith.constant 0 : i32
        %dma_start3A_247 = tpu.memref_slice %arg7[%dma_start3A_245, %dma_start3A_246] : memref<10112x128xf32, #tpu.memory_space<vmem_shared>> -> memref<10112x128xf32, #tpu.memory_space<vmem_shared>>
        tpu.enqueue_indirect_dma source(%arg18 : memref<80x128xf32, #tpu.memory_space<vmem>>) target(%dma_start3A_247 : memref<10112x128xf32, #tpu.memory_space<vmem_shared>>) offsets(%arg14 : memref<80xi32, #tpu.memory_space<vmem>>) semaphore(%run_scoped3A : memref<!tpu.dma_semaphore, #tpu.memory_space<semaphore_mem>>) {add = true}
        %dma_wait3A_248 = arith.constant 0 : i32
        %dma_wait3A_249 = arith.constant 0 : i32
        %dma_wait3A_250 = tpu.memref_slice %arg7[%dma_wait3A_248, %dma_wait3A_249] : memref<10112x128xf32, #tpu.memory_space<vmem_shared>> -> memref<10112x128xf32, #tpu.memory_space<vmem_shared>>
        tpu.wait_indirect_dma semaphore(%run_scoped3A : memref<!tpu.dma_semaphore, #tpu.memory_space<semaphore_mem>>) src(%arg18 : memref<80x128xf32, #tpu.memory_space<vmem>>) dst(%dma_wait3A_250 : memref<10112x128xf32, #tpu.memory_space<vmem_shared>>)
        tpu.yield
      }) : () -> ()
      %add3A_184 = arith.constant 4 : i32
      %add3A_185 = arith.addi %add3A_180, %add3A_184 : i32
      %min3A_186 = arith.constant 124 : i32
      %min3A_187 = arith.minsi %add3A_185, %min3A_186 : i32
      %mul3A_188 = arith.constant 80 : i32
      %mul3A_189 = arith.muli %min3A_187, %mul3A_188 : i32
      %add3A_190 = arith.addi %add3A, %mul3A_189 : i32
      %multiple_of3A_191 = tpu.assume_multiple %add3A_190, 8 : i32
      %dma_start3A_192 = tpu.memref_slice %arg3[%multiple_of3A_191] : memref<320000xi32, #tpu.memory_space<hbm>> -> memref<80xi32, #tpu.memory_space<hbm>>
      %dma_start3A_193 = tpu.memref_slice %arg3[%multiple_of3A_191] : memref<320000xi32, #tpu.memory_space<hbm>> -> memref<80xi32, #tpu.memory_space<hbm>>
      tpu.enqueue_dma source(%dma_start3A_193 : memref<80xi32, #tpu.memory_space<hbm>>) target(%arg10 : memref<80xi32, #tpu.memory_space<vmem>>) target_semaphore(%arg22 : memref<!tpu.dma_semaphore, #tpu.memory_space<semaphore_mem>>)
      %dma_start3A_194 = tpu.memref_slice %arg4[%multiple_of3A_191] : memref<320000xi32, #tpu.memory_space<hbm>> -> memref<80xi32, #tpu.memory_space<hbm>>
      %dma_start3A_195 = tpu.memref_slice %arg4[%multiple_of3A_191] : memref<320000xi32, #tpu.memory_space<hbm>> -> memref<80xi32, #tpu.memory_space<hbm>>
      tpu.enqueue_dma source(%dma_start3A_195 : memref<80xi32, #tpu.memory_space<hbm>>) target(%arg14 : memref<80xi32, #tpu.memory_space<vmem>>) target_semaphore(%arg22 : memref<!tpu.dma_semaphore, #tpu.memory_space<semaphore_mem>>)
      %add3A_196 = arith.constant 2 : i32
      %add3A_197 = arith.addi %add3A_180, %add3A_196 : i32
      %min3A_198 = arith.constant 124 : i32
      %min3A_199 = arith.minsi %add3A_197, %min3A_198 : i32
      %mul3A_200 = arith.constant 80 : i32
      %mul3A_201 = arith.muli %min3A_199, %mul3A_200 : i32
      %add3A_202 = arith.addi %add3A, %mul3A_201 : i32
      %multiple_of3A_203 = tpu.assume_multiple %add3A_202, 8 : i32
      %dma_wait3A_204 = tpu.memref_slice %arg3[%multiple_of3A_203] : memref<320000xi32, #tpu.memory_space<hbm>> -> memref<80xi32, #tpu.memory_space<hbm>>
      %dma_wait3A_205 = tpu.memref_slice %arg3[%multiple_of3A_203] : memref<320000xi32, #tpu.memory_space<hbm>> -> memref<80xi32, #tpu.memory_space<hbm>>
      tpu.wait_dma2 semaphore(%arg20 : memref<!tpu.dma_semaphore, #tpu.memory_space<semaphore_mem>>) src(%dma_wait3A_205 : memref<80xi32, #tpu.memory_space<hbm>>) dst(%arg8 : memref<80xi32, #tpu.memory_space<vmem>>)
      %dma_wait3A_206 = tpu.memref_slice %arg4[%multiple_of3A_203] : memref<320000xi32, #tpu.memory_space<hbm>> -> memref<80xi32, #tpu.memory_space<hbm>>
      %dma_wait3A_207 = tpu.memref_slice %arg4[%multiple_of3A_203] : memref<320000xi32, #tpu.memory_space<hbm>> -> memref<80xi32, #tpu.memory_space<hbm>>
      tpu.wait_dma2 semaphore(%arg20 : memref<!tpu.dma_semaphore, #tpu.memory_space<semaphore_mem>>) src(%dma_wait3A_207 : memref<80xi32, #tpu.memory_space<hbm>>) dst(%arg12 : memref<80xi32, #tpu.memory_space<vmem>>)
      %dma_start3A_208 = arith.constant 0 : i32
      %dma_start3A_209 = arith.constant 0 : i32
      %dma_start3A_210 = tpu.memref_slice %arg2[%dma_start3A_208, %dma_start3A_209] : memref<10000x128xf32, #tpu.memory_space<hbm>> -> memref<10000x128xf32, #tpu.memory_space<hbm>>
      tpu.enqueue_indirect_dma source(%dma_start3A_210 : memref<10000x128xf32, #tpu.memory_space<hbm>>) target(%arg16 : memref<80x128xf32, #tpu.memory_space<vmem>>) offsets(%arg8 : memref<80xi32, #tpu.memory_space<vmem>>) semaphore(%arg24 : memref<!tpu.dma_semaphore, #tpu.memory_space<semaphore_mem>>)
      %mul3A_211 = arith.constant 4 : i32
      %mul3A_212 = arith.muli %mul3A_211, %scan3A_108 : i32
      %add3A_213 = arith.constant 3 : i32
      %add3A_214 = arith.addi %mul3A_212, %add3A_213 : i32
      %dma_wait3A_215 = arith.constant 0 : i32
      %dma_wait3A_216 = arith.constant 0 : i32
      %dma_wait3A_217 = tpu.memref_slice %arg2[%dma_wait3A_215, %dma_wait3A_216] : memref<10000x128xf32, #tpu.memory_space<hbm>> -> memref<10000x128xf32, #tpu.memory_space<hbm>>
      tpu.wait_indirect_dma semaphore(%arg27 : memref<!tpu.dma_semaphore, #tpu.memory_space<semaphore_mem>>) src(%dma_wait3A_217 : memref<10000x128xf32, #tpu.memory_space<hbm>>) dst(%arg19 : memref<80x128xf32, #tpu.memory_space<vmem>>)
      "tpu.region"() ({
        %run_scoped3A = tpu.sem_alloc : memref<!tpu.dma_semaphore, #tpu.memory_space<semaphore_mem>>
        %dma_start3A_245 = arith.constant 0 : i32
        %dma_start3A_246 = arith.constant 0 : i32
        %dma_start3A_247 = tpu.memref_slice %arg7[%dma_start3A_245, %dma_start3A_246] : memref<10112x128xf32, #tpu.memory_space<vmem_shared>> -> memref<10112x128xf32, #tpu.memory_space<vmem_shared>>
        tpu.enqueue_indirect_dma source(%arg19 : memref<80x128xf32, #tpu.memory_space<vmem>>) target(%dma_start3A_247 : memref<10112x128xf32, #tpu.memory_space<vmem_shared>>) offsets(%arg15 : memref<80xi32, #tpu.memory_space<vmem>>) semaphore(%run_scoped3A : memref<!tpu.dma_semaphore, #tpu.memory_space<semaphore_mem>>) {add = true}
        %dma_wait3A_248 = arith.constant 0 : i32
        %dma_wait3A_249 = arith.constant 0 : i32
        %dma_wait3A_250 = tpu.memref_slice %arg7[%dma_wait3A_248, %dma_wait3A_249] : memref<10112x128xf32, #tpu.memory_space<vmem_shared>> -> memref<10112x128xf32, #tpu.memory_space<vmem_shared>>
        tpu.wait_indirect_dma semaphore(%run_scoped3A : memref<!tpu.dma_semaphore, #tpu.memory_space<semaphore_mem>>) src(%arg19 : memref<80x128xf32, #tpu.memory_space<vmem>>) dst(%dma_wait3A_250 : memref<10112x128xf32, #tpu.memory_space<vmem_shared>>)
        tpu.yield
      }) : () -> ()
      %add3A_218 = arith.constant 4 : i32
      %add3A_219 = arith.addi %add3A_214, %add3A_218 : i32
      %min3A_220 = arith.constant 124 : i32
      %min3A_221 = arith.minsi %add3A_219, %min3A_220 : i32
      %mul3A_222 = arith.constant 80 : i32
      %mul3A_223 = arith.muli %min3A_221, %mul3A_222 : i32
      %add3A_224 = arith.addi %add3A, %mul3A_223 : i32
      %multiple_of3A_225 = tpu.assume_multiple %add3A_224, 8 : i32
      %dma_start3A_226 = tpu.memref_slice %arg3[%multiple_of3A_225] : memref<320000xi32, #tpu.memory_space<hbm>> -> memref<80xi32, #tpu.memory_space<hbm>>
      %dma_start3A_227 = tpu.memref_slice %arg3[%multiple_of3A_225] : memref<320000xi32, #tpu.memory_space<hbm>> -> memref<80xi32, #tpu.memory_space<hbm>>
      tpu.enqueue_dma source(%dma_start3A_227 : memref<80xi32, #tpu.memory_space<hbm>>) target(%arg11 : memref<80xi32, #tpu.memory_space<vmem>>) target_semaphore(%arg23 : memref<!tpu.dma_semaphore, #tpu.memory_space<semaphore_mem>>)
      %dma_start3A_228 = tpu.memref_slice %arg4[%multiple_of3A_225] : memref<320000xi32, #tpu.memory_space<hbm>> -> memref<80xi32, #tpu.memory_space<hbm>>
      %dma_start3A_229 = tpu.memref_slice %arg4[%multiple_of3A_225] : memref<320000xi32, #tpu.memory_space<hbm>> -> memref<80xi32, #tpu.memory_space<hbm>>
      tpu.enqueue_dma source(%dma_start3A_229 : memref<80xi32, #tpu.memory_space<hbm>>) target(%arg15 : memref<80xi32, #tpu.memory_space<vmem>>) target_semaphore(%arg23 : memref<!tpu.dma_semaphore, #tpu.memory_space<semaphore_mem>>)
      %add3A_230 = arith.constant 2 : i32
      %add3A_231 = arith.addi %add3A_214, %add3A_230 : i32
      %min3A_232 = arith.constant 124 : i32
      %min3A_233 = arith.minsi %add3A_231, %min3A_232 : i32
      %mul3A_234 = arith.constant 80 : i32
      %mul3A_235 = arith.muli %min3A_233, %mul3A_234 : i32
      %add3A_236 = arith.addi %add3A, %mul3A_235 : i32
      %multiple_of3A_237 = tpu.assume_multiple %add3A_236, 8 : i32
      %dma_wait3A_238 = tpu.memref_slice %arg3[%multiple_of3A_237] : memref<320000xi32, #tpu.memory_space<hbm>> -> memref<80xi32, #tpu.memory_space<hbm>>
      %dma_wait3A_239 = tpu.memref_slice %arg3[%multiple_of3A_237] : memref<320000xi32, #tpu.memory_space<hbm>> -> memref<80xi32, #tpu.memory_space<hbm>>
      tpu.wait_dma2 semaphore(%arg21 : memref<!tpu.dma_semaphore, #tpu.memory_space<semaphore_mem>>) src(%dma_wait3A_239 : memref<80xi32, #tpu.memory_space<hbm>>) dst(%arg9 : memref<80xi32, #tpu.memory_space<vmem>>)
      %dma_wait3A_240 = tpu.memref_slice %arg4[%multiple_of3A_237] : memref<320000xi32, #tpu.memory_space<hbm>> -> memref<80xi32, #tpu.memory_space<hbm>>
      %dma_wait3A_241 = tpu.memref_slice %arg4[%multiple_of3A_237] : memref<320000xi32, #tpu.memory_space<hbm>> -> memref<80xi32, #tpu.memory_space<hbm>>
      tpu.wait_dma2 semaphore(%arg21 : memref<!tpu.dma_semaphore, #tpu.memory_space<semaphore_mem>>) src(%dma_wait3A_241 : memref<80xi32, #tpu.memory_space<hbm>>) dst(%arg13 : memref<80xi32, #tpu.memory_space<vmem>>)
      %dma_start3A_242 = arith.constant 0 : i32
      %dma_start3A_243 = arith.constant 0 : i32
      %dma_start3A_244 = tpu.memref_slice %arg2[%dma_start3A_242, %dma_start3A_243] : memref<10000x128xf32, #tpu.memory_space<hbm>> -> memref<10000x128xf32, #tpu.memory_space<hbm>>
      tpu.enqueue_indirect_dma source(%dma_start3A_244 : memref<10000x128xf32, #tpu.memory_space<hbm>>) target(%arg17 : memref<80x128xf32, #tpu.memory_space<vmem>>) offsets(%arg9 : memref<80xi32, #tpu.memory_space<vmem>>) semaphore(%arg25 : memref<!tpu.dma_semaphore, #tpu.memory_space<semaphore_mem>>)
    }
    %scan3A_78 = arith.constant 31 : i32
    %dma_wait3A_79 = arith.constant 0 : i32
    %dma_wait3A_80 = arith.constant 0 : i32
    %dma_wait3A_81 = tpu.memref_slice %arg2[%dma_wait3A_79, %dma_wait3A_80] : memref<10000x128xf32, #tpu.memory_space<hbm>> -> memref<10000x128xf32, #tpu.memory_space<hbm>>
    tpu.wait_indirect_dma semaphore(%arg24 : memref<!tpu.dma_semaphore, #tpu.memory_space<semaphore_mem>>) src(%dma_wait3A_81 : memref<10000x128xf32, #tpu.memory_space<hbm>>) dst(%arg16 : memref<80x128xf32, #tpu.memory_space<vmem>>)
    "tpu.region"() ({
      %run_scoped3A = tpu.sem_alloc : memref<!tpu.dma_semaphore, #tpu.memory_space<semaphore_mem>>
      %dma_start3A_108 = arith.constant 0 : i32
      %dma_start3A_109 = arith.constant 0 : i32
      %dma_start3A_110 = tpu.memref_slice %arg7[%dma_start3A_108, %dma_start3A_109] : memref<10112x128xf32, #tpu.memory_space<vmem_shared>> -> memref<10112x128xf32, #tpu.memory_space<vmem_shared>>
      tpu.enqueue_indirect_dma source(%arg16 : memref<80x128xf32, #tpu.memory_space<vmem>>) target(%dma_start3A_110 : memref<10112x128xf32, #tpu.memory_space<vmem_shared>>) offsets(%arg12 : memref<80xi32, #tpu.memory_space<vmem>>) semaphore(%run_scoped3A : memref<!tpu.dma_semaphore, #tpu.memory_space<semaphore_mem>>) {add = true}
      %dma_wait3A_111 = arith.constant 0 : i32
      %dma_wait3A_112 = arith.constant 0 : i32
      %dma_wait3A_113 = tpu.memref_slice %arg7[%dma_wait3A_111, %dma_wait3A_112] : memref<10112x128xf32, #tpu.memory_space<vmem_shared>> -> memref<10112x128xf32, #tpu.memory_space<vmem_shared>>
      tpu.wait_indirect_dma semaphore(%run_scoped3A : memref<!tpu.dma_semaphore, #tpu.memory_space<semaphore_mem>>) src(%arg16 : memref<80x128xf32, #tpu.memory_space<vmem>>) dst(%dma_wait3A_113 : memref<10112x128xf32, #tpu.memory_space<vmem_shared>>)
      tpu.yield
    }) : () -> ()
    %dma_wait3A_82 = arith.constant 0 : i32
    %dma_wait3A_83 = arith.constant 0 : i32
    %dma_wait3A_84 = tpu.memref_slice %arg2[%dma_wait3A_82, %dma_wait3A_83] : memref<10000x128xf32, #tpu.memory_space<hbm>> -> memref<10000x128xf32, #tpu.memory_space<hbm>>
    tpu.wait_indirect_dma semaphore(%arg25 : memref<!tpu.dma_semaphore, #tpu.memory_space<semaphore_mem>>) src(%dma_wait3A_84 : memref<10000x128xf32, #tpu.memory_space<hbm>>) dst(%arg17 : memref<80x128xf32, #tpu.memory_space<vmem>>)
    %min3A_85 = arith.constant 124 : i32
    %min3A_86 = arith.constant 124 : i32
    %min3A_87 = arith.minsi %min3A_85, %min3A_86 : i32
    %mul3A_88 = arith.constant 80 : i32
    %mul3A_89 = arith.muli %min3A_87, %mul3A_88 : i32
    %add3A_90 = arith.addi %add3A, %mul3A_89 : i32
    %multiple_of3A_91 = tpu.assume_multiple %add3A_90, 8 : i32
    %dma_wait3A_92 = tpu.memref_slice %arg3[%multiple_of3A_91] : memref<320000xi32, #tpu.memory_space<hbm>> -> memref<80xi32, #tpu.memory_space<hbm>>
    %dma_wait3A_93 = tpu.memref_slice %arg3[%multiple_of3A_91] : memref<320000xi32, #tpu.memory_space<hbm>> -> memref<80xi32, #tpu.memory_space<hbm>>
    tpu.wait_dma2 semaphore(%arg22 : memref<!tpu.dma_semaphore, #tpu.memory_space<semaphore_mem>>) src(%dma_wait3A_93 : memref<80xi32, #tpu.memory_space<hbm>>) dst(%arg10 : memref<80xi32, #tpu.memory_space<vmem>>)
    %dma_wait3A_94 = tpu.memref_slice %arg4[%multiple_of3A_91] : memref<320000xi32, #tpu.memory_space<hbm>> -> memref<80xi32, #tpu.memory_space<hbm>>
    %dma_wait3A_95 = tpu.memref_slice %arg4[%multiple_of3A_91] : memref<320000xi32, #tpu.memory_space<hbm>> -> memref<80xi32, #tpu.memory_space<hbm>>
    tpu.wait_dma2 semaphore(%arg22 : memref<!tpu.dma_semaphore, #tpu.memory_space<semaphore_mem>>) src(%dma_wait3A_95 : memref<80xi32, #tpu.memory_space<hbm>>) dst(%arg14 : memref<80xi32, #tpu.memory_space<vmem>>)
    %min3A_96 = arith.constant 124 : i32
    %min3A_97 = arith.constant 124 : i32
    %min3A_98 = arith.minsi %min3A_96, %min3A_97 : i32
    %mul3A_99 = arith.constant 80 : i32
    %mul3A_100 = arith.muli %min3A_98, %mul3A_99 : i32
    %add3A_101 = arith.addi %add3A, %mul3A_100 : i32
    %multiple_of3A_102 = tpu.assume_multiple %add3A_101, 8 : i32
    %dma_wait3A_103 = tpu.memref_slice %arg3[%multiple_of3A_102] : memref<320000xi32, #tpu.memory_space<hbm>> -> memref<80xi32, #tpu.memory_space<hbm>>
    %dma_wait3A_104 = tpu.memref_slice %arg3[%multiple_of3A_102] : memref<320000xi32, #tpu.memory_space<hbm>> -> memref<80xi32, #tpu.memory_space<hbm>>
    tpu.wait_dma2 semaphore(%arg23 : memref<!tpu.dma_semaphore, #tpu.memory_space<semaphore_mem>>) src(%dma_wait3A_104 : memref<80xi32, #tpu.memory_space<hbm>>) dst(%arg11 : memref<80xi32, #tpu.memory_space<vmem>>)
    %dma_wait3A_105 = tpu.memref_slice %arg4[%multiple_of3A_102] : memref<320000xi32, #tpu.memory_space<hbm>> -> memref<80xi32, #tpu.memory_space<hbm>>
    %dma_wait3A_106 = tpu.memref_slice %arg4[%multiple_of3A_102] : memref<320000xi32, #tpu.memory_space<hbm>> -> memref<80xi32, #tpu.memory_space<hbm>>
    tpu.wait_dma2 semaphore(%arg23 : memref<!tpu.dma_semaphore, #tpu.memory_space<semaphore_mem>>) src(%dma_wait3A_106 : memref<80xi32, #tpu.memory_space<hbm>>) dst(%arg15 : memref<80xi32, #tpu.memory_space<vmem>>)
    %barrier3A_107 = arith.constant 0 : index
    tpu.barrier barrier_id(%barrier3A_107)
    "tpu.region"() ({
      %run_scoped3A = tpu.sem_alloc : memref<!tpu.dma_semaphore, #tpu.memory_space<semaphore_mem>>
      %dma_start3A_108 = arith.constant 0 : i32
      %dma_start3A_109 = tpu.memref_slice %arg6[%arg0, %multiple_of3A, %dma_start3A_108] : memref<2x10112x128xf32, #tpu.memory_space<hbm>> -> memref<1x632x128xf32, #tpu.memory_space<hbm>>
      %dma_start3A_110 = tpu.memref_squeeze %dma_start3A_109 : memref<1x632x128xf32, #tpu.memory_space<hbm>> -> memref<632x128xf32, #tpu.memory_space<hbm>>
      %dma_start3A_111 = arith.constant 0 : i32
      %dma_start3A_112 = tpu.memref_slice %arg7[%multiple_of3A, %dma_start3A_111] : memref<10112x128xf32, #tpu.memory_space<vmem_shared>> -> memref<632x128xf32, #tpu.memory_space<vmem_shared>>
      tpu.enqueue_dma source(%dma_start3A_112 : memref<632x128xf32, #tpu.memory_space<vmem_shared>>) target(%dma_start3A_110 : memref<632x128xf32, #tpu.memory_space<hbm>>) target_semaphore(%run_scoped3A : memref<!tpu.dma_semaphore, #tpu.memory_space<semaphore_mem>>)
      %dma_wait3A_113 = arith.constant 0 : i32
      %dma_wait3A_114 = tpu.memref_slice %arg6[%arg0, %multiple_of3A, %dma_wait3A_113] : memref<2x10112x128xf32, #tpu.memory_space<hbm>> -> memref<1x632x128xf32, #tpu.memory_space<hbm>>
      %dma_wait3A_115 = tpu.memref_squeeze %dma_wait3A_114 : memref<1x632x128xf32, #tpu.memory_space<hbm>> -> memref<632x128xf32, #tpu.memory_space<hbm>>
      %dma_wait3A_116 = arith.constant 0 : i32
      %dma_wait3A_117 = tpu.memref_slice %arg7[%multiple_of3A, %dma_wait3A_116] : memref<10112x128xf32, #tpu.memory_space<vmem_shared>> -> memref<632x128xf32, #tpu.memory_space<vmem_shared>>
      tpu.wait_dma2 semaphore(%run_scoped3A : memref<!tpu.dma_semaphore, #tpu.memory_space<semaphore_mem>>) src(%dma_wait3A_117 : memref<632x128xf32, #tpu.memory_space<vmem_shared>>) dst(%dma_wait3A_115 : memref<632x128xf32, #tpu.memory_space<hbm>>)
      tpu.yield
    }) : () -> ()
    return
  }
}

#map = affine_map<(d0, d1) -> (0, 0)>
#map1 = affine_map<(d0, d1) -> (0)>
#map2 = affine_map<(d0, d1) -> (0, 0, 0)>
module attributes {stable_mosaic.version = 14 : i64} {
  func.func @agg_kernel(%arg0: i32, %arg1: i32, %arg2: memref<10000x128xf32, #tpu.memory_space<hbm>>, %arg3: memref<320000xi32, #tpu.memory_space<hbm>>, %arg4: memref<320000xi32, #tpu.memory_space<hbm>>, %arg5: memref<10112x128xf32, #tpu.memory_space<hbm>>, %arg6: memref<2x10112x128xf32, #tpu.memory_space<hbm>>, %arg7: memref<10112x128xf32, #tpu.memory_space<vmem_shared>>, %arg8: memref<80xi32, #tpu.memory_space<vmem>>, %arg9: memref<80xi32, #tpu.memory_space<vmem>>, %arg10: memref<80xi32, #tpu.memory_space<vmem>>, %arg11: memref<80xi32, #tpu.memory_space<vmem>>, %arg12: memref<80xi32, #tpu.memory_space<vmem>>, %arg13: memref<80xi32, #tpu.memory_space<vmem>>, %arg14: memref<80xi32, #tpu.memory_space<vmem>>, %arg15: memref<80xi32, #tpu.memory_space<vmem>>, %arg16: memref<80x128xf32, #tpu.memory_space<vmem>>, %arg17: memref<80x128xf32, #tpu.memory_space<vmem>>, %arg18: memref<80x128xf32, #tpu.memory_space<vmem>>, %arg19: memref<80x128xf32, #tpu.memory_space<vmem>>, %arg20: memref<!tpu.dma_semaphore, #tpu.memory_space<semaphore_mem>>, %arg21: memref<!tpu.dma_semaphore, #tpu.memory_space<semaphore_mem>>, %arg22: memref<!tpu.dma_semaphore, #tpu.memory_space<semaphore_mem>>, %arg23: memref<!tpu.dma_semaphore, #tpu.memory_space<semaphore_mem>>, %arg24: memref<!tpu.dma_semaphore, #tpu.memory_space<semaphore_mem>>, %arg25: memref<!tpu.dma_semaphore, #tpu.memory_space<semaphore_mem>>, %arg26: memref<!tpu.dma_semaphore, #tpu.memory_space<semaphore_mem>>, %arg27: memref<!tpu.dma_semaphore, #tpu.memory_space<semaphore_mem>>) attributes {dimension_semantics = [#tpu.dimension_semantics<core_parallel>, #tpu.dimension_semantics<subcore_parallel>], iteration_bounds = array<i64: 2, 16>, scalar_prefetch = 0 : i64, scratch_operands = 21 : i64, tpu.core_type = #tpu.core_type<sc_vector_subcore>, window_params = [{transform_indices = #map}, {transform_indices = #map1}, {transform_indices = #map1}, {transform_indices = #map}, {transform_indices = #map2}]} {
    %mul3A = arith.constant 632 : i32
    %mul3A_0 = arith.muli %arg1, %mul3A : i32
    %multiple_of3A = tpu.assume_multiple %mul3A_0, 8 : i32
    "tpu.region"() ({
      %run_scoped3A = tpu.sem_alloc : memref<!tpu.dma_semaphore, #tpu.memory_space<semaphore_mem>>
      %dma_start3A_108 = arith.constant 0 : i32
      %dma_start3A_109 = tpu.memref_slice %arg7[%multiple_of3A, %dma_start3A_108] : memref<10112x128xf32, #tpu.memory_space<vmem_shared>> -> memref<632x128xf32, #tpu.memory_space<vmem_shared>>
      %dma_start3A_110 = arith.constant 0 : i32
      %dma_start3A_111 = tpu.memref_slice %arg5[%multiple_of3A, %dma_start3A_110] : memref<10112x128xf32, #tpu.memory_space<hbm>> -> memref<632x128xf32, #tpu.memory_space<hbm>>
      tpu.enqueue_dma source(%dma_start3A_111 : memref<632x128xf32, #tpu.memory_space<hbm>>) target(%dma_start3A_109 : memref<632x128xf32, #tpu.memory_space<vmem_shared>>) target_semaphore(%run_scoped3A : memref<!tpu.dma_semaphore, #tpu.memory_space<semaphore_mem>>)
      %dma_wait3A_112 = arith.constant 0 : i32
      %dma_wait3A_113 = tpu.memref_slice %arg7[%multiple_of3A, %dma_wait3A_112] : memref<10112x128xf32, #tpu.memory_space<vmem_shared>> -> memref<632x128xf32, #tpu.memory_space<vmem_shared>>
      %dma_wait3A_114 = arith.constant 0 : i32
      %dma_wait3A_115 = tpu.memref_slice %arg5[%multiple_of3A, %dma_wait3A_114] : memref<10112x128xf32, #tpu.memory_space<hbm>> -> memref<632x128xf32, #tpu.memory_space<hbm>>
      tpu.wait_dma2 semaphore(%run_scoped3A : memref<!tpu.dma_semaphore, #tpu.memory_space<semaphore_mem>>) src(%dma_wait3A_115 : memref<632x128xf32, #tpu.memory_space<hbm>>) dst(%dma_wait3A_113 : memref<632x128xf32, #tpu.memory_space<vmem_shared>>)
      tpu.yield
    }) : () -> ()
    %mul3A_1 = arith.constant 160000 : i32
    %mul3A_2 = arith.muli %arg0, %mul3A_1 : i32
    %mul3A_3 = arith.constant 10000 : i32
    %mul3A_4 = arith.muli %arg1, %mul3A_3 : i32
    %add3A = arith.addi %mul3A_2, %mul3A_4 : i32
    %barrier3A = arith.constant 0 : index
    tpu.barrier barrier_id(%barrier3A)
    %min3A = arith.constant 0 : i32
    %min3A_5 = arith.constant 124 : i32
    %min3A_6 = arith.minsi %min3A, %min3A_5 : i32
    %mul3A_7 = arith.constant 80 : i32
    %mul3A_8 = arith.muli %min3A_6, %mul3A_7 : i32
    %add3A_9 = arith.addi %add3A, %mul3A_8 : i32
    %multiple_of3A_10 = tpu.assume_multiple %add3A_9, 8 : i32
    %dma_start3A = tpu.memref_slice %arg3[%multiple_of3A_10] : memref<320000xi32, #tpu.memory_space<hbm>> -> memref<80xi32, #tpu.memory_space<hbm>>
    %dma_start3A_11 = tpu.memref_slice %arg3[%multiple_of3A_10] : memref<320000xi32, #tpu.memory_space<hbm>> -> memref<80xi32, #tpu.memory_space<hbm>>
    tpu.enqueue_dma source(%dma_start3A_11 : memref<80xi32, #tpu.memory_space<hbm>>) target(%arg8 : memref<80xi32, #tpu.memory_space<vmem>>) target_semaphore(%arg20 : memref<!tpu.dma_semaphore, #tpu.memory_space<semaphore_mem>>)
    %dma_start3A_12 = tpu.memref_slice %arg4[%multiple_of3A_10] : memref<320000xi32, #tpu.memory_space<hbm>> -> memref<80xi32, #tpu.memory_space<hbm>>
    %dma_start3A_13 = tpu.memref_slice %arg4[%multiple_of3A_10] : memref<320000xi32, #tpu.memory_space<hbm>> -> memref<80xi32, #tpu.memory_space<hbm>>
    tpu.enqueue_dma source(%dma_start3A_13 : memref<80xi32, #tpu.memory_space<hbm>>) target(%arg12 : memref<80xi32, #tpu.memory_space<vmem>>) target_semaphore(%arg20 : memref<!tpu.dma_semaphore, #tpu.memory_space<semaphore_mem>>)
    %min3A_14 = arith.constant 1 : i32
    %min3A_15 = arith.constant 124 : i32
    %min3A_16 = arith.minsi %min3A_14, %min3A_15 : i32
    %mul3A_17 = arith.constant 80 : i32
    %mul3A_18 = arith.muli %min3A_16, %mul3A_17 : i32
    %add3A_19 = arith.addi %add3A, %mul3A_18 : i32
    %multiple_of3A_20 = tpu.assume_multiple %add3A_19, 8 : i32
    %dma_start3A_21 = tpu.memref_slice %arg3[%multiple_of3A_20] : memref<320000xi32, #tpu.memory_space<hbm>> -> memref<80xi32, #tpu.memory_space<hbm>>
    %dma_start3A_22 = tpu.memref_slice %arg3[%multiple_of3A_20] : memref<320000xi32, #tpu.memory_space<hbm>> -> memref<80xi32, #tpu.memory_space<hbm>>
    tpu.enqueue_dma source(%dma_start3A_22 : memref<80xi32, #tpu.memory_space<hbm>>) target(%arg9 : memref<80xi32, #tpu.memory_space<vmem>>) target_semaphore(%arg21 : memref<!tpu.dma_semaphore, #tpu.memory_space<semaphore_mem>>)
    %dma_start3A_23 = tpu.memref_slice %arg4[%multiple_of3A_20] : memref<320000xi32, #tpu.memory_space<hbm>> -> memref<80xi32, #tpu.memory_space<hbm>>
    %dma_start3A_24 = tpu.memref_slice %arg4[%multiple_of3A_20] : memref<320000xi32, #tpu.memory_space<hbm>> -> memref<80xi32, #tpu.memory_space<hbm>>
    tpu.enqueue_dma source(%dma_start3A_24 : memref<80xi32, #tpu.memory_space<hbm>>) target(%arg13 : memref<80xi32, #tpu.memory_space<vmem>>) target_semaphore(%arg21 : memref<!tpu.dma_semaphore, #tpu.memory_space<semaphore_mem>>)
    %min3A_25 = arith.constant 2 : i32
    %min3A_26 = arith.constant 124 : i32
    %min3A_27 = arith.minsi %min3A_25, %min3A_26 : i32
    %mul3A_28 = arith.constant 80 : i32
    %mul3A_29 = arith.muli %min3A_27, %mul3A_28 : i32
    %add3A_30 = arith.addi %add3A, %mul3A_29 : i32
    %multiple_of3A_31 = tpu.assume_multiple %add3A_30, 8 : i32
    %dma_start3A_32 = tpu.memref_slice %arg3[%multiple_of3A_31] : memref<320000xi32, #tpu.memory_space<hbm>> -> memref<80xi32, #tpu.memory_space<hbm>>
    %dma_start3A_33 = tpu.memref_slice %arg3[%multiple_of3A_31] : memref<320000xi32, #tpu.memory_space<hbm>> -> memref<80xi32, #tpu.memory_space<hbm>>
    tpu.enqueue_dma source(%dma_start3A_33 : memref<80xi32, #tpu.memory_space<hbm>>) target(%arg10 : memref<80xi32, #tpu.memory_space<vmem>>) target_semaphore(%arg22 : memref<!tpu.dma_semaphore, #tpu.memory_space<semaphore_mem>>)
    %dma_start3A_34 = tpu.memref_slice %arg4[%multiple_of3A_31] : memref<320000xi32, #tpu.memory_space<hbm>> -> memref<80xi32, #tpu.memory_space<hbm>>
    %dma_start3A_35 = tpu.memref_slice %arg4[%multiple_of3A_31] : memref<320000xi32, #tpu.memory_space<hbm>> -> memref<80xi32, #tpu.memory_space<hbm>>
    tpu.enqueue_dma source(%dma_start3A_35 : memref<80xi32, #tpu.memory_space<hbm>>) target(%arg14 : memref<80xi32, #tpu.memory_space<vmem>>) target_semaphore(%arg22 : memref<!tpu.dma_semaphore, #tpu.memory_space<semaphore_mem>>)
    %min3A_36 = arith.constant 3 : i32
    %min3A_37 = arith.constant 124 : i32
    %min3A_38 = arith.minsi %min3A_36, %min3A_37 : i32
    %mul3A_39 = arith.constant 80 : i32
    %mul3A_40 = arith.muli %min3A_38, %mul3A_39 : i32
    %add3A_41 = arith.addi %add3A, %mul3A_40 : i32
    %multiple_of3A_42 = tpu.assume_multiple %add3A_41, 8 : i32
    %dma_start3A_43 = tpu.memref_slice %arg3[%multiple_of3A_42] : memref<320000xi32, #tpu.memory_space<hbm>> -> memref<80xi32, #tpu.memory_space<hbm>>
    %dma_start3A_44 = tpu.memref_slice %arg3[%multiple_of3A_42] : memref<320000xi32, #tpu.memory_space<hbm>> -> memref<80xi32, #tpu.memory_space<hbm>>
    tpu.enqueue_dma source(%dma_start3A_44 : memref<80xi32, #tpu.memory_space<hbm>>) target(%arg11 : memref<80xi32, #tpu.memory_space<vmem>>) target_semaphore(%arg23 : memref<!tpu.dma_semaphore, #tpu.memory_space<semaphore_mem>>)
    %dma_start3A_45 = tpu.memref_slice %arg4[%multiple_of3A_42] : memref<320000xi32, #tpu.memory_space<hbm>> -> memref<80xi32, #tpu.memory_space<hbm>>
    %dma_start3A_46 = tpu.memref_slice %arg4[%multiple_of3A_42] : memref<320000xi32, #tpu.memory_space<hbm>> -> memref<80xi32, #tpu.memory_space<hbm>>
    tpu.enqueue_dma source(%dma_start3A_46 : memref<80xi32, #tpu.memory_space<hbm>>) target(%arg15 : memref<80xi32, #tpu.memory_space<vmem>>) target_semaphore(%arg23 : memref<!tpu.dma_semaphore, #tpu.memory_space<semaphore_mem>>)
    %min3A_47 = arith.constant 0 : i32
    %min3A_48 = arith.constant 124 : i32
    %min3A_49 = arith.minsi %min3A_47, %min3A_48 : i32
    %mul3A_50 = arith.constant 80 : i32
    %mul3A_51 = arith.muli %min3A_49, %mul3A_50 : i32
    %add3A_52 = arith.addi %add3A, %mul3A_51 : i32
    %multiple_of3A_53 = tpu.assume_multiple %add3A_52, 8 : i32
    %dma_wait3A = tpu.memref_slice %arg3[%multiple_of3A_53] : memref<320000xi32, #tpu.memory_space<hbm>> -> memref<80xi32, #tpu.memory_space<hbm>>
    %dma_wait3A_54 = tpu.memref_slice %arg3[%multiple_of3A_53] : memref<320000xi32, #tpu.memory_space<hbm>> -> memref<80xi32, #tpu.memory_space<hbm>>
    tpu.wait_dma2 semaphore(%arg20 : memref<!tpu.dma_semaphore, #tpu.memory_space<semaphore_mem>>) src(%dma_wait3A_54 : memref<80xi32, #tpu.memory_space<hbm>>) dst(%arg8 : memref<80xi32, #tpu.memory_space<vmem>>)
    %dma_wait3A_55 = tpu.memref_slice %arg4[%multiple_of3A_53] : memref<320000xi32, #tpu.memory_space<hbm>> -> memref<80xi32, #tpu.memory_space<hbm>>
    %dma_wait3A_56 = tpu.memref_slice %arg4[%multiple_of3A_53] : memref<320000xi32, #tpu.memory_space<hbm>> -> memref<80xi32, #tpu.memory_space<hbm>>
    tpu.wait_dma2 semaphore(%arg20 : memref<!tpu.dma_semaphore, #tpu.memory_space<semaphore_mem>>) src(%dma_wait3A_56 : memref<80xi32, #tpu.memory_space<hbm>>) dst(%arg12 : memref<80xi32, #tpu.memory_space<vmem>>)
    %dma_start3A_57 = arith.constant 0 : i32
    %dma_start3A_58 = arith.constant 0 : i32
    %dma_start3A_59 = tpu.memref_slice %arg2[%dma_start3A_57, %dma_start3A_58] : memref<10000x128xf32, #tpu.memory_space<hbm>> -> memref<10000x128xf32, #tpu.memory_space<hbm>>
    tpu.enqueue_indirect_dma source(%dma_start3A_59 : memref<10000x128xf32, #tpu.memory_space<hbm>>) target(%arg16 : memref<80x128xf32, #tpu.memory_space<vmem>>) offsets(%arg8 : memref<80xi32, #tpu.memory_space<vmem>>) semaphore(%arg24 : memref<!tpu.dma_semaphore, #tpu.memory_space<semaphore_mem>>)
    %min3A_60 = arith.constant 1 : i32
    %min3A_61 = arith.constant 124 : i32
    %min3A_62 = arith.minsi %min3A_60, %min3A_61 : i32
    %mul3A_63 = arith.constant 80 : i32
    %mul3A_64 = arith.muli %min3A_62, %mul3A_63 : i32
    %add3A_65 = arith.addi %add3A, %mul3A_64 : i32
    %multiple_of3A_66 = tpu.assume_multiple %add3A_65, 8 : i32
    %dma_wait3A_67 = tpu.memref_slice %arg3[%multiple_of3A_66] : memref<320000xi32, #tpu.memory_space<hbm>> -> memref<80xi32, #tpu.memory_space<hbm>>
    %dma_wait3A_68 = tpu.memref_slice %arg3[%multiple_of3A_66] : memref<320000xi32, #tpu.memory_space<hbm>> -> memref<80xi32, #tpu.memory_space<hbm>>
    tpu.wait_dma2 semaphore(%arg21 : memref<!tpu.dma_semaphore, #tpu.memory_space<semaphore_mem>>) src(%dma_wait3A_68 : memref<80xi32, #tpu.memory_space<hbm>>) dst(%arg9 : memref<80xi32, #tpu.memory_space<vmem>>)
    %dma_wait3A_69 = tpu.memref_slice %arg4[%multiple_of3A_66] : memref<320000xi32, #tpu.memory_space<hbm>> -> memref<80xi32, #tpu.memory_space<hbm>>
    %dma_wait3A_70 = tpu.memref_slice %arg4[%multiple_of3A_66] : memref<320000xi32, #tpu.memory_space<hbm>> -> memref<80xi32, #tpu.memory_space<hbm>>
    tpu.wait_dma2 semaphore(%arg21 : memref<!tpu.dma_semaphore, #tpu.memory_space<semaphore_mem>>) src(%dma_wait3A_70 : memref<80xi32, #tpu.memory_space<hbm>>) dst(%arg13 : memref<80xi32, #tpu.memory_space<vmem>>)
    %dma_start3A_71 = arith.constant 0 : i32
    %dma_start3A_72 = arith.constant 0 : i32
    %dma_start3A_73 = tpu.memref_slice %arg2[%dma_start3A_71, %dma_start3A_72] : memref<10000x128xf32, #tpu.memory_space<hbm>> -> memref<10000x128xf32, #tpu.memory_space<hbm>>
    tpu.enqueue_indirect_dma source(%dma_start3A_73 : memref<10000x128xf32, #tpu.memory_space<hbm>>) target(%arg17 : memref<80x128xf32, #tpu.memory_space<vmem>>) offsets(%arg9 : memref<80xi32, #tpu.memory_space<vmem>>) semaphore(%arg25 : memref<!tpu.dma_semaphore, #tpu.memory_space<semaphore_mem>>)
    %scan3A = arith.constant 0 : i32
    %scan3A_74 = arith.constant 0 : i32
    %scan3A_75 = arith.constant 31 : i32
    %scan3A_76 = arith.addi %scan3A_74, %scan3A_75 : i32
    %scan3A_77 = arith.constant 1 : i32
    scf.for %scan3A_108 = %scan3A_74 to %scan3A_76 step %scan3A_77  : i32 {
      %mul3A_109 = arith.constant 4 : i32
      %mul3A_110 = arith.muli %mul3A_109, %scan3A_108 : i32
      %add3A_111 = arith.constant 0 : i32
      %add3A_112 = arith.addi %mul3A_110, %add3A_111 : i32
      %dma_wait3A_113 = arith.constant 0 : i32
      %dma_wait3A_114 = arith.constant 0 : i32
      %dma_wait3A_115 = tpu.memref_slice %arg2[%dma_wait3A_113, %dma_wait3A_114] : memref<10000x128xf32, #tpu.memory_space<hbm>> -> memref<10000x128xf32, #tpu.memory_space<hbm>>
      tpu.wait_indirect_dma semaphore(%arg24 : memref<!tpu.dma_semaphore, #tpu.memory_space<semaphore_mem>>) src(%dma_wait3A_115 : memref<10000x128xf32, #tpu.memory_space<hbm>>) dst(%arg16 : memref<80x128xf32, #tpu.memory_space<vmem>>)
      "tpu.region"() ({
        %run_scoped3A = tpu.sem_alloc : memref<!tpu.dma_semaphore, #tpu.memory_space<semaphore_mem>>
        %dma_start3A_245 = arith.constant 0 : i32
        %dma_start3A_246 = arith.constant 0 : i32
        %dma_start3A_247 = tpu.memref_slice %arg7[%dma_start3A_245, %dma_start3A_246] : memref<10112x128xf32, #tpu.memory_space<vmem_shared>> -> memref<10112x128xf32, #tpu.memory_space<vmem_shared>>
        tpu.enqueue_indirect_dma source(%arg16 : memref<80x128xf32, #tpu.memory_space<vmem>>) target(%dma_start3A_247 : memref<10112x128xf32, #tpu.memory_space<vmem_shared>>) offsets(%arg12 : memref<80xi32, #tpu.memory_space<vmem>>) semaphore(%run_scoped3A : memref<!tpu.dma_semaphore, #tpu.memory_space<semaphore_mem>>) {add = true}
        %dma_wait3A_248 = arith.constant 0 : i32
        %dma_wait3A_249 = arith.constant 0 : i32
        %dma_wait3A_250 = tpu.memref_slice %arg7[%dma_wait3A_248, %dma_wait3A_249] : memref<10112x128xf32, #tpu.memory_space<vmem_shared>> -> memref<10112x128xf32, #tpu.memory_space<vmem_shared>>
        tpu.wait_indirect_dma semaphore(%run_scoped3A : memref<!tpu.dma_semaphore, #tpu.memory_space<semaphore_mem>>) src(%arg16 : memref<80x128xf32, #tpu.memory_space<vmem>>) dst(%dma_wait3A_250 : memref<10112x128xf32, #tpu.memory_space<vmem_shared>>)
        tpu.yield
      }) : () -> ()
      %add3A_116 = arith.constant 4 : i32
      %add3A_117 = arith.addi %add3A_112, %add3A_116 : i32
      %min3A_118 = arith.constant 124 : i32
      %min3A_119 = arith.minsi %add3A_117, %min3A_118 : i32
      %mul3A_120 = arith.constant 80 : i32
      %mul3A_121 = arith.muli %min3A_119, %mul3A_120 : i32
      %add3A_122 = arith.addi %add3A, %mul3A_121 : i32
      %multiple_of3A_123 = tpu.assume_multiple %add3A_122, 8 : i32
      %dma_start3A_124 = tpu.memref_slice %arg3[%multiple_of3A_123] : memref<320000xi32, #tpu.memory_space<hbm>> -> memref<80xi32, #tpu.memory_space<hbm>>
      %dma_start3A_125 = tpu.memref_slice %arg3[%multiple_of3A_123] : memref<320000xi32, #tpu.memory_space<hbm>> -> memref<80xi32, #tpu.memory_space<hbm>>
      tpu.enqueue_dma source(%dma_start3A_125 : memref<80xi32, #tpu.memory_space<hbm>>) target(%arg8 : memref<80xi32, #tpu.memory_space<vmem>>) target_semaphore(%arg20 : memref<!tpu.dma_semaphore, #tpu.memory_space<semaphore_mem>>)
      %dma_start3A_126 = tpu.memref_slice %arg4[%multiple_of3A_123] : memref<320000xi32, #tpu.memory_space<hbm>> -> memref<80xi32, #tpu.memory_space<hbm>>
      %dma_start3A_127 = tpu.memref_slice %arg4[%multiple_of3A_123] : memref<320000xi32, #tpu.memory_space<hbm>> -> memref<80xi32, #tpu.memory_space<hbm>>
      tpu.enqueue_dma source(%dma_start3A_127 : memref<80xi32, #tpu.memory_space<hbm>>) target(%arg12 : memref<80xi32, #tpu.memory_space<vmem>>) target_semaphore(%arg20 : memref<!tpu.dma_semaphore, #tpu.memory_space<semaphore_mem>>)
      %add3A_128 = arith.constant 2 : i32
      %add3A_129 = arith.addi %add3A_112, %add3A_128 : i32
      %min3A_130 = arith.constant 124 : i32
      %min3A_131 = arith.minsi %add3A_129, %min3A_130 : i32
      %mul3A_132 = arith.constant 80 : i32
      %mul3A_133 = arith.muli %min3A_131, %mul3A_132 : i32
      %add3A_134 = arith.addi %add3A, %mul3A_133 : i32
      %multiple_of3A_135 = tpu.assume_multiple %add3A_134, 8 : i32
      %dma_wait3A_136 = tpu.memref_slice %arg3[%multiple_of3A_135] : memref<320000xi32, #tpu.memory_space<hbm>> -> memref<80xi32, #tpu.memory_space<hbm>>
      %dma_wait3A_137 = tpu.memref_slice %arg3[%multiple_of3A_135] : memref<320000xi32, #tpu.memory_space<hbm>> -> memref<80xi32, #tpu.memory_space<hbm>>
      tpu.wait_dma2 semaphore(%arg22 : memref<!tpu.dma_semaphore, #tpu.memory_space<semaphore_mem>>) src(%dma_wait3A_137 : memref<80xi32, #tpu.memory_space<hbm>>) dst(%arg10 : memref<80xi32, #tpu.memory_space<vmem>>)
      %dma_wait3A_138 = tpu.memref_slice %arg4[%multiple_of3A_135] : memref<320000xi32, #tpu.memory_space<hbm>> -> memref<80xi32, #tpu.memory_space<hbm>>
      %dma_wait3A_139 = tpu.memref_slice %arg4[%multiple_of3A_135] : memref<320000xi32, #tpu.memory_space<hbm>> -> memref<80xi32, #tpu.memory_space<hbm>>
      tpu.wait_dma2 semaphore(%arg22 : memref<!tpu.dma_semaphore, #tpu.memory_space<semaphore_mem>>) src(%dma_wait3A_139 : memref<80xi32, #tpu.memory_space<hbm>>) dst(%arg14 : memref<80xi32, #tpu.memory_space<vmem>>)
      %dma_start3A_140 = arith.constant 0 : i32
      %dma_start3A_141 = arith.constant 0 : i32
      %dma_start3A_142 = tpu.memref_slice %arg2[%dma_start3A_140, %dma_start3A_141] : memref<10000x128xf32, #tpu.memory_space<hbm>> -> memref<10000x128xf32, #tpu.memory_space<hbm>>
      tpu.enqueue_indirect_dma source(%dma_start3A_142 : memref<10000x128xf32, #tpu.memory_space<hbm>>) target(%arg18 : memref<80x128xf32, #tpu.memory_space<vmem>>) offsets(%arg10 : memref<80xi32, #tpu.memory_space<vmem>>) semaphore(%arg26 : memref<!tpu.dma_semaphore, #tpu.memory_space<semaphore_mem>>)
      %mul3A_143 = arith.constant 4 : i32
      %mul3A_144 = arith.muli %mul3A_143, %scan3A_108 : i32
      %add3A_145 = arith.constant 1 : i32
      %add3A_146 = arith.addi %mul3A_144, %add3A_145 : i32
      %dma_wait3A_147 = arith.constant 0 : i32
      %dma_wait3A_148 = arith.constant 0 : i32
      %dma_wait3A_149 = tpu.memref_slice %arg2[%dma_wait3A_147, %dma_wait3A_148] : memref<10000x128xf32, #tpu.memory_space<hbm>> -> memref<10000x128xf32, #tpu.memory_space<hbm>>
      tpu.wait_indirect_dma semaphore(%arg25 : memref<!tpu.dma_semaphore, #tpu.memory_space<semaphore_mem>>) src(%dma_wait3A_149 : memref<10000x128xf32, #tpu.memory_space<hbm>>) dst(%arg17 : memref<80x128xf32, #tpu.memory_space<vmem>>)
      "tpu.region"() ({
        %run_scoped3A = tpu.sem_alloc : memref<!tpu.dma_semaphore, #tpu.memory_space<semaphore_mem>>
        %dma_start3A_245 = arith.constant 0 : i32
        %dma_start3A_246 = arith.constant 0 : i32
        %dma_start3A_247 = tpu.memref_slice %arg7[%dma_start3A_245, %dma_start3A_246] : memref<10112x128xf32, #tpu.memory_space<vmem_shared>> -> memref<10112x128xf32, #tpu.memory_space<vmem_shared>>
        tpu.enqueue_indirect_dma source(%arg17 : memref<80x128xf32, #tpu.memory_space<vmem>>) target(%dma_start3A_247 : memref<10112x128xf32, #tpu.memory_space<vmem_shared>>) offsets(%arg13 : memref<80xi32, #tpu.memory_space<vmem>>) semaphore(%run_scoped3A : memref<!tpu.dma_semaphore, #tpu.memory_space<semaphore_mem>>) {add = true}
        %dma_wait3A_248 = arith.constant 0 : i32
        %dma_wait3A_249 = arith.constant 0 : i32
        %dma_wait3A_250 = tpu.memref_slice %arg7[%dma_wait3A_248, %dma_wait3A_249] : memref<10112x128xf32, #tpu.memory_space<vmem_shared>> -> memref<10112x128xf32, #tpu.memory_space<vmem_shared>>
        tpu.wait_indirect_dma semaphore(%run_scoped3A : memref<!tpu.dma_semaphore, #tpu.memory_space<semaphore_mem>>) src(%arg17 : memref<80x128xf32, #tpu.memory_space<vmem>>) dst(%dma_wait3A_250 : memref<10112x128xf32, #tpu.memory_space<vmem_shared>>)
        tpu.yield
      }) : () -> ()
      %add3A_150 = arith.constant 4 : i32
      %add3A_151 = arith.addi %add3A_146, %add3A_150 : i32
      %min3A_152 = arith.constant 124 : i32
      %min3A_153 = arith.minsi %add3A_151, %min3A_152 : i32
      %mul3A_154 = arith.constant 80 : i32
      %mul3A_155 = arith.muli %min3A_153, %mul3A_154 : i32
      %add3A_156 = arith.addi %add3A, %mul3A_155 : i32
      %multiple_of3A_157 = tpu.assume_multiple %add3A_156, 8 : i32
      %dma_start3A_158 = tpu.memref_slice %arg3[%multiple_of3A_157] : memref<320000xi32, #tpu.memory_space<hbm>> -> memref<80xi32, #tpu.memory_space<hbm>>
      %dma_start3A_159 = tpu.memref_slice %arg3[%multiple_of3A_157] : memref<320000xi32, #tpu.memory_space<hbm>> -> memref<80xi32, #tpu.memory_space<hbm>>
      tpu.enqueue_dma source(%dma_start3A_159 : memref<80xi32, #tpu.memory_space<hbm>>) target(%arg9 : memref<80xi32, #tpu.memory_space<vmem>>) target_semaphore(%arg21 : memref<!tpu.dma_semaphore, #tpu.memory_space<semaphore_mem>>)
      %dma_start3A_160 = tpu.memref_slice %arg4[%multiple_of3A_157] : memref<320000xi32, #tpu.memory_space<hbm>> -> memref<80xi32, #tpu.memory_space<hbm>>
      %dma_start3A_161 = tpu.memref_slice %arg4[%multiple_of3A_157] : memref<320000xi32, #tpu.memory_space<hbm>> -> memref<80xi32, #tpu.memory_space<hbm>>
      tpu.enqueue_dma source(%dma_start3A_161 : memref<80xi32, #tpu.memory_space<hbm>>) target(%arg13 : memref<80xi32, #tpu.memory_space<vmem>>) target_semaphore(%arg21 : memref<!tpu.dma_semaphore, #tpu.memory_space<semaphore_mem>>)
      %add3A_162 = arith.constant 2 : i32
      %add3A_163 = arith.addi %add3A_146, %add3A_162 : i32
      %min3A_164 = arith.constant 124 : i32
      %min3A_165 = arith.minsi %add3A_163, %min3A_164 : i32
      %mul3A_166 = arith.constant 80 : i32
      %mul3A_167 = arith.muli %min3A_165, %mul3A_166 : i32
      %add3A_168 = arith.addi %add3A, %mul3A_167 : i32
      %multiple_of3A_169 = tpu.assume_multiple %add3A_168, 8 : i32
      %dma_wait3A_170 = tpu.memref_slice %arg3[%multiple_of3A_169] : memref<320000xi32, #tpu.memory_space<hbm>> -> memref<80xi32, #tpu.memory_space<hbm>>
      %dma_wait3A_171 = tpu.memref_slice %arg3[%multiple_of3A_169] : memref<320000xi32, #tpu.memory_space<hbm>> -> memref<80xi32, #tpu.memory_space<hbm>>
      tpu.wait_dma2 semaphore(%arg23 : memref<!tpu.dma_semaphore, #tpu.memory_space<semaphore_mem>>) src(%dma_wait3A_171 : memref<80xi32, #tpu.memory_space<hbm>>) dst(%arg11 : memref<80xi32, #tpu.memory_space<vmem>>)
      %dma_wait3A_172 = tpu.memref_slice %arg4[%multiple_of3A_169] : memref<320000xi32, #tpu.memory_space<hbm>> -> memref<80xi32, #tpu.memory_space<hbm>>
      %dma_wait3A_173 = tpu.memref_slice %arg4[%multiple_of3A_169] : memref<320000xi32, #tpu.memory_space<hbm>> -> memref<80xi32, #tpu.memory_space<hbm>>
      tpu.wait_dma2 semaphore(%arg23 : memref<!tpu.dma_semaphore, #tpu.memory_space<semaphore_mem>>) src(%dma_wait3A_173 : memref<80xi32, #tpu.memory_space<hbm>>) dst(%arg15 : memref<80xi32, #tpu.memory_space<vmem>>)
      %dma_start3A_174 = arith.constant 0 : i32
      %dma_start3A_175 = arith.constant 0 : i32
      %dma_start3A_176 = tpu.memref_slice %arg2[%dma_start3A_174, %dma_start3A_175] : memref<10000x128xf32, #tpu.memory_space<hbm>> -> memref<10000x128xf32, #tpu.memory_space<hbm>>
      tpu.enqueue_indirect_dma source(%dma_start3A_176 : memref<10000x128xf32, #tpu.memory_space<hbm>>) target(%arg19 : memref<80x128xf32, #tpu.memory_space<vmem>>) offsets(%arg11 : memref<80xi32, #tpu.memory_space<vmem>>) semaphore(%arg27 : memref<!tpu.dma_semaphore, #tpu.memory_space<semaphore_mem>>)
      %mul3A_177 = arith.constant 4 : i32
      %mul3A_178 = arith.muli %mul3A_177, %scan3A_108 : i32
      %add3A_179 = arith.constant 2 : i32
      %add3A_180 = arith.addi %mul3A_178, %add3A_179 : i32
      %dma_wait3A_181 = arith.constant 0 : i32
      %dma_wait3A_182 = arith.constant 0 : i32
      %dma_wait3A_183 = tpu.memref_slice %arg2[%dma_wait3A_181, %dma_wait3A_182] : memref<10000x128xf32, #tpu.memory_space<hbm>> -> memref<10000x128xf32, #tpu.memory_space<hbm>>
      tpu.wait_indirect_dma semaphore(%arg26 : memref<!tpu.dma_semaphore, #tpu.memory_space<semaphore_mem>>) src(%dma_wait3A_183 : memref<10000x128xf32, #tpu.memory_space<hbm>>) dst(%arg18 : memref<80x128xf32, #tpu.memory_space<vmem>>)
      "tpu.region"() ({
        %run_scoped3A = tpu.sem_alloc : memref<!tpu.dma_semaphore, #tpu.memory_space<semaphore_mem>>
        %dma_start3A_245 = arith.constant 0 : i32
        %dma_start3A_246 = arith.constant 0 : i32
        %dma_start3A_247 = tpu.memref_slice %arg7[%dma_start3A_245, %dma_start3A_246] : memref<10112x128xf32, #tpu.memory_space<vmem_shared>> -> memref<10112x128xf32, #tpu.memory_space<vmem_shared>>
        tpu.enqueue_indirect_dma source(%arg18 : memref<80x128xf32, #tpu.memory_space<vmem>>) target(%dma_start3A_247 : memref<10112x128xf32, #tpu.memory_space<vmem_shared>>) offsets(%arg14 : memref<80xi32, #tpu.memory_space<vmem>>) semaphore(%run_scoped3A : memref<!tpu.dma_semaphore, #tpu.memory_space<semaphore_mem>>) {add = true}
        %dma_wait3A_248 = arith.constant 0 : i32
        %dma_wait3A_249 = arith.constant 0 : i32
        %dma_wait3A_250 = tpu.memref_slice %arg7[%dma_wait3A_248, %dma_wait3A_249] : memref<10112x128xf32, #tpu.memory_space<vmem_shared>> -> memref<10112x128xf32, #tpu.memory_space<vmem_shared>>
        tpu.wait_indirect_dma semaphore(%run_scoped3A : memref<!tpu.dma_semaphore, #tpu.memory_space<semaphore_mem>>) src(%arg18 : memref<80x128xf32, #tpu.memory_space<vmem>>) dst(%dma_wait3A_250 : memref<10112x128xf32, #tpu.memory_space<vmem_shared>>)
        tpu.yield
      }) : () -> ()
      %add3A_184 = arith.constant 4 : i32
      %add3A_185 = arith.addi %add3A_180, %add3A_184 : i32
      %min3A_186 = arith.constant 124 : i32
      %min3A_187 = arith.minsi %add3A_185, %min3A_186 : i32
      %mul3A_188 = arith.constant 80 : i32
      %mul3A_189 = arith.muli %min3A_187, %mul3A_188 : i32
      %add3A_190 = arith.addi %add3A, %mul3A_189 : i32
      %multiple_of3A_191 = tpu.assume_multiple %add3A_190, 8 : i32
      %dma_start3A_192 = tpu.memref_slice %arg3[%multiple_of3A_191] : memref<320000xi32, #tpu.memory_space<hbm>> -> memref<80xi32, #tpu.memory_space<hbm>>
      %dma_start3A_193 = tpu.memref_slice %arg3[%multiple_of3A_191] : memref<320000xi32, #tpu.memory_space<hbm>> -> memref<80xi32, #tpu.memory_space<hbm>>
      tpu.enqueue_dma source(%dma_start3A_193 : memref<80xi32, #tpu.memory_space<hbm>>) target(%arg10 : memref<80xi32, #tpu.memory_space<vmem>>) target_semaphore(%arg22 : memref<!tpu.dma_semaphore, #tpu.memory_space<semaphore_mem>>)
      %dma_start3A_194 = tpu.memref_slice %arg4[%multiple_of3A_191] : memref<320000xi32, #tpu.memory_space<hbm>> -> memref<80xi32, #tpu.memory_space<hbm>>
      %dma_start3A_195 = tpu.memref_slice %arg4[%multiple_of3A_191] : memref<320000xi32, #tpu.memory_space<hbm>> -> memref<80xi32, #tpu.memory_space<hbm>>
      tpu.enqueue_dma source(%dma_start3A_195 : memref<80xi32, #tpu.memory_space<hbm>>) target(%arg14 : memref<80xi32, #tpu.memory_space<vmem>>) target_semaphore(%arg22 : memref<!tpu.dma_semaphore, #tpu.memory_space<semaphore_mem>>)
      %add3A_196 = arith.constant 2 : i32
      %add3A_197 = arith.addi %add3A_180, %add3A_196 : i32
      %min3A_198 = arith.constant 124 : i32
      %min3A_199 = arith.minsi %add3A_197, %min3A_198 : i32
      %mul3A_200 = arith.constant 80 : i32
      %mul3A_201 = arith.muli %min3A_199, %mul3A_200 : i32
      %add3A_202 = arith.addi %add3A, %mul3A_201 : i32
      %multiple_of3A_203 = tpu.assume_multiple %add3A_202, 8 : i32
      %dma_wait3A_204 = tpu.memref_slice %arg3[%multiple_of3A_203] : memref<320000xi32, #tpu.memory_space<hbm>> -> memref<80xi32, #tpu.memory_space<hbm>>
      %dma_wait3A_205 = tpu.memref_slice %arg3[%multiple_of3A_203] : memref<320000xi32, #tpu.memory_space<hbm>> -> memref<80xi32, #tpu.memory_space<hbm>>
      tpu.wait_dma2 semaphore(%arg20 : memref<!tpu.dma_semaphore, #tpu.memory_space<semaphore_mem>>) src(%dma_wait3A_205 : memref<80xi32, #tpu.memory_space<hbm>>) dst(%arg8 : memref<80xi32, #tpu.memory_space<vmem>>)
      %dma_wait3A_206 = tpu.memref_slice %arg4[%multiple_of3A_203] : memref<320000xi32, #tpu.memory_space<hbm>> -> memref<80xi32, #tpu.memory_space<hbm>>
      %dma_wait3A_207 = tpu.memref_slice %arg4[%multiple_of3A_203] : memref<320000xi32, #tpu.memory_space<hbm>> -> memref<80xi32, #tpu.memory_space<hbm>>
      tpu.wait_dma2 semaphore(%arg20 : memref<!tpu.dma_semaphore, #tpu.memory_space<semaphore_mem>>) src(%dma_wait3A_207 : memref<80xi32, #tpu.memory_space<hbm>>) dst(%arg12 : memref<80xi32, #tpu.memory_space<vmem>>)
      %dma_start3A_208 = arith.constant 0 : i32
      %dma_start3A_209 = arith.constant 0 : i32
      %dma_start3A_210 = tpu.memref_slice %arg2[%dma_start3A_208, %dma_start3A_209] : memref<10000x128xf32, #tpu.memory_space<hbm>> -> memref<10000x128xf32, #tpu.memory_space<hbm>>
      tpu.enqueue_indirect_dma source(%dma_start3A_210 : memref<10000x128xf32, #tpu.memory_space<hbm>>) target(%arg16 : memref<80x128xf32, #tpu.memory_space<vmem>>) offsets(%arg8 : memref<80xi32, #tpu.memory_space<vmem>>) semaphore(%arg24 : memref<!tpu.dma_semaphore, #tpu.memory_space<semaphore_mem>>)
      %mul3A_211 = arith.constant 4 : i32
      %mul3A_212 = arith.muli %mul3A_211, %scan3A_108 : i32
      %add3A_213 = arith.constant 3 : i32
      %add3A_214 = arith.addi %mul3A_212, %add3A_213 : i32
      %dma_wait3A_215 = arith.constant 0 : i32
      %dma_wait3A_216 = arith.constant 0 : i32
      %dma_wait3A_217 = tpu.memref_slice %arg2[%dma_wait3A_215, %dma_wait3A_216] : memref<10000x128xf32, #tpu.memory_space<hbm>> -> memref<10000x128xf32, #tpu.memory_space<hbm>>
      tpu.wait_indirect_dma semaphore(%arg27 : memref<!tpu.dma_semaphore, #tpu.memory_space<semaphore_mem>>) src(%dma_wait3A_217 : memref<10000x128xf32, #tpu.memory_space<hbm>>) dst(%arg19 : memref<80x128xf32, #tpu.memory_space<vmem>>)
      "tpu.region"() ({
        %run_scoped3A = tpu.sem_alloc : memref<!tpu.dma_semaphore, #tpu.memory_space<semaphore_mem>>
        %dma_start3A_245 = arith.constant 0 : i32
        %dma_start3A_246 = arith.constant 0 : i32
        %dma_start3A_247 = tpu.memref_slice %arg7[%dma_start3A_245, %dma_start3A_246] : memref<10112x128xf32, #tpu.memory_space<vmem_shared>> -> memref<10112x128xf32, #tpu.memory_space<vmem_shared>>
        tpu.enqueue_indirect_dma source(%arg19 : memref<80x128xf32, #tpu.memory_space<vmem>>) target(%dma_start3A_247 : memref<10112x128xf32, #tpu.memory_space<vmem_shared>>) offsets(%arg15 : memref<80xi32, #tpu.memory_space<vmem>>) semaphore(%run_scoped3A : memref<!tpu.dma_semaphore, #tpu.memory_space<semaphore_mem>>) {add = true}
        %dma_wait3A_248 = arith.constant 0 : i32
        %dma_wait3A_249 = arith.constant 0 : i32
        %dma_wait3A_250 = tpu.memref_slice %arg7[%dma_wait3A_248, %dma_wait3A_249] : memref<10112x128xf32, #tpu.memory_space<vmem_shared>> -> memref<10112x128xf32, #tpu.memory_space<vmem_shared>>
        tpu.wait_indirect_dma semaphore(%run_scoped3A : memref<!tpu.dma_semaphore, #tpu.memory_space<semaphore_mem>>) src(%arg19 : memref<80x128xf32, #tpu.memory_space<vmem>>) dst(%dma_wait3A_250 : memref<10112x128xf32, #tpu.memory_space<vmem_shared>>)
        tpu.yield
      }) : () -> ()
      %add3A_218 = arith.constant 4 : i32
      %add3A_219 = arith.addi %add3A_214, %add3A_218 : i32
      %min3A_220 = arith.constant 124 : i32
      %min3A_221 = arith.minsi %add3A_219, %min3A_220 : i32
      %mul3A_222 = arith.constant 80 : i32
      %mul3A_223 = arith.muli %min3A_221, %mul3A_222 : i32
      %add3A_224 = arith.addi %add3A, %mul3A_223 : i32
      %multiple_of3A_225 = tpu.assume_multiple %add3A_224, 8 : i32
      %dma_start3A_226 = tpu.memref_slice %arg3[%multiple_of3A_225] : memref<320000xi32, #tpu.memory_space<hbm>> -> memref<80xi32, #tpu.memory_space<hbm>>
      %dma_start3A_227 = tpu.memref_slice %arg3[%multiple_of3A_225] : memref<320000xi32, #tpu.memory_space<hbm>> -> memref<80xi32, #tpu.memory_space<hbm>>
      tpu.enqueue_dma source(%dma_start3A_227 : memref<80xi32, #tpu.memory_space<hbm>>) target(%arg11 : memref<80xi32, #tpu.memory_space<vmem>>) target_semaphore(%arg23 : memref<!tpu.dma_semaphore, #tpu.memory_space<semaphore_mem>>)
      %dma_start3A_228 = tpu.memref_slice %arg4[%multiple_of3A_225] : memref<320000xi32, #tpu.memory_space<hbm>> -> memref<80xi32, #tpu.memory_space<hbm>>
      %dma_start3A_229 = tpu.memref_slice %arg4[%multiple_of3A_225] : memref<320000xi32, #tpu.memory_space<hbm>> -> memref<80xi32, #tpu.memory_space<hbm>>
      tpu.enqueue_dma source(%dma_start3A_229 : memref<80xi32, #tpu.memory_space<hbm>>) target(%arg15 : memref<80xi32, #tpu.memory_space<vmem>>) target_semaphore(%arg23 : memref<!tpu.dma_semaphore, #tpu.memory_space<semaphore_mem>>)
      %add3A_230 = arith.constant 2 : i32
      %add3A_231 = arith.addi %add3A_214, %add3A_230 : i32
      %min3A_232 = arith.constant 124 : i32
      %min3A_233 = arith.minsi %add3A_231, %min3A_232 : i32
      %mul3A_234 = arith.constant 80 : i32
      %mul3A_235 = arith.muli %min3A_233, %mul3A_234 : i32
      %add3A_236 = arith.addi %add3A, %mul3A_235 : i32
      %multiple_of3A_237 = tpu.assume_multiple %add3A_236, 8 : i32
      %dma_wait3A_238 = tpu.memref_slice %arg3[%multiple_of3A_237] : memref<320000xi32, #tpu.memory_space<hbm>> -> memref<80xi32, #tpu.memory_space<hbm>>
      %dma_wait3A_239 = tpu.memref_slice %arg3[%multiple_of3A_237] : memref<320000xi32, #tpu.memory_space<hbm>> -> memref<80xi32, #tpu.memory_space<hbm>>
      tpu.wait_dma2 semaphore(%arg21 : memref<!tpu.dma_semaphore, #tpu.memory_space<semaphore_mem>>) src(%dma_wait3A_239 : memref<80xi32, #tpu.memory_space<hbm>>) dst(%arg9 : memref<80xi32, #tpu.memory_space<vmem>>)
      %dma_wait3A_240 = tpu.memref_slice %arg4[%multiple_of3A_237] : memref<320000xi32, #tpu.memory_space<hbm>> -> memref<80xi32, #tpu.memory_space<hbm>>
      %dma_wait3A_241 = tpu.memref_slice %arg4[%multiple_of3A_237] : memref<320000xi32, #tpu.memory_space<hbm>> -> memref<80xi32, #tpu.memory_space<hbm>>
      tpu.wait_dma2 semaphore(%arg21 : memref<!tpu.dma_semaphore, #tpu.memory_space<semaphore_mem>>) src(%dma_wait3A_241 : memref<80xi32, #tpu.memory_space<hbm>>) dst(%arg13 : memref<80xi32, #tpu.memory_space<vmem>>)
      %dma_start3A_242 = arith.constant 0 : i32
      %dma_start3A_243 = arith.constant 0 : i32
      %dma_start3A_244 = tpu.memref_slice %arg2[%dma_start3A_242, %dma_start3A_243] : memref<10000x128xf32, #tpu.memory_space<hbm>> -> memref<10000x128xf32, #tpu.memory_space<hbm>>
      tpu.enqueue_indirect_dma source(%dma_start3A_244 : memref<10000x128xf32, #tpu.memory_space<hbm>>) target(%arg17 : memref<80x128xf32, #tpu.memory_space<vmem>>) offsets(%arg9 : memref<80xi32, #tpu.memory_space<vmem>>) semaphore(%arg25 : memref<!tpu.dma_semaphore, #tpu.memory_space<semaphore_mem>>)
    }
    %scan3A_78 = arith.constant 31 : i32
    %dma_wait3A_79 = arith.constant 0 : i32
    %dma_wait3A_80 = arith.constant 0 : i32
    %dma_wait3A_81 = tpu.memref_slice %arg2[%dma_wait3A_79, %dma_wait3A_80] : memref<10000x128xf32, #tpu.memory_space<hbm>> -> memref<10000x128xf32, #tpu.memory_space<hbm>>
    tpu.wait_indirect_dma semaphore(%arg24 : memref<!tpu.dma_semaphore, #tpu.memory_space<semaphore_mem>>) src(%dma_wait3A_81 : memref<10000x128xf32, #tpu.memory_space<hbm>>) dst(%arg16 : memref<80x128xf32, #tpu.memory_space<vmem>>)
    "tpu.region"() ({
      %run_scoped3A = tpu.sem_alloc : memref<!tpu.dma_semaphore, #tpu.memory_space<semaphore_mem>>
      %dma_start3A_108 = arith.constant 0 : i32
      %dma_start3A_109 = arith.constant 0 : i32
      %dma_start3A_110 = tpu.memref_slice %arg7[%dma_start3A_108, %dma_start3A_109] : memref<10112x128xf32, #tpu.memory_space<vmem_shared>> -> memref<10112x128xf32, #tpu.memory_space<vmem_shared>>
      tpu.enqueue_indirect_dma source(%arg16 : memref<80x128xf32, #tpu.memory_space<vmem>>) target(%dma_start3A_110 : memref<10112x128xf32, #tpu.memory_space<vmem_shared>>) offsets(%arg12 : memref<80xi32, #tpu.memory_space<vmem>>) semaphore(%run_scoped3A : memref<!tpu.dma_semaphore, #tpu.memory_space<semaphore_mem>>) {add = true}
      %dma_wait3A_111 = arith.constant 0 : i32
      %dma_wait3A_112 = arith.constant 0 : i32
      %dma_wait3A_113 = tpu.memref_slice %arg7[%dma_wait3A_111, %dma_wait3A_112] : memref<10112x128xf32, #tpu.memory_space<vmem_shared>> -> memref<10112x128xf32, #tpu.memory_space<vmem_shared>>
      tpu.wait_indirect_dma semaphore(%run_scoped3A : memref<!tpu.dma_semaphore, #tpu.memory_space<semaphore_mem>>) src(%arg16 : memref<80x128xf32, #tpu.memory_space<vmem>>) dst(%dma_wait3A_113 : memref<10112x128xf32, #tpu.memory_space<vmem_shared>>)
      tpu.yield
    }) : () -> ()
    %dma_wait3A_82 = arith.constant 0 : i32
    %dma_wait3A_83 = arith.constant 0 : i32
    %dma_wait3A_84 = tpu.memref_slice %arg2[%dma_wait3A_82, %dma_wait3A_83] : memref<10000x128xf32, #tpu.memory_space<hbm>> -> memref<10000x128xf32, #tpu.memory_space<hbm>>
    tpu.wait_indirect_dma semaphore(%arg25 : memref<!tpu.dma_semaphore, #tpu.memory_space<semaphore_mem>>) src(%dma_wait3A_84 : memref<10000x128xf32, #tpu.memory_space<hbm>>) dst(%arg17 : memref<80x128xf32, #tpu.memory_space<vmem>>)
    %min3A_85 = arith.constant 124 : i32
    %min3A_86 = arith.constant 124 : i32
    %min3A_87 = arith.minsi %min3A_85, %min3A_86 : i32
    %mul3A_88 = arith.constant 80 : i32
    %mul3A_89 = arith.muli %min3A_87, %mul3A_88 : i32
    %add3A_90 = arith.addi %add3A, %mul3A_89 : i32
    %multiple_of3A_91 = tpu.assume_multiple %add3A_90, 8 : i32
    %dma_wait3A_92 = tpu.memref_slice %arg3[%multiple_of3A_91] : memref<320000xi32, #tpu.memory_space<hbm>> -> memref<80xi32, #tpu.memory_space<hbm>>
    %dma_wait3A_93 = tpu.memref_slice %arg3[%multiple_of3A_91] : memref<320000xi32, #tpu.memory_space<hbm>> -> memref<80xi32, #tpu.memory_space<hbm>>
    tpu.wait_dma2 semaphore(%arg22 : memref<!tpu.dma_semaphore, #tpu.memory_space<semaphore_mem>>) src(%dma_wait3A_93 : memref<80xi32, #tpu.memory_space<hbm>>) dst(%arg10 : memref<80xi32, #tpu.memory_space<vmem>>)
    %dma_wait3A_94 = tpu.memref_slice %arg4[%multiple_of3A_91] : memref<320000xi32, #tpu.memory_space<hbm>> -> memref<80xi32, #tpu.memory_space<hbm>>
    %dma_wait3A_95 = tpu.memref_slice %arg4[%multiple_of3A_91] : memref<320000xi32, #tpu.memory_space<hbm>> -> memref<80xi32, #tpu.memory_space<hbm>>
    tpu.wait_dma2 semaphore(%arg22 : memref<!tpu.dma_semaphore, #tpu.memory_space<semaphore_mem>>) src(%dma_wait3A_95 : memref<80xi32, #tpu.memory_space<hbm>>) dst(%arg14 : memref<80xi32, #tpu.memory_space<vmem>>)
    %min3A_96 = arith.constant 124 : i32
    %min3A_97 = arith.constant 124 : i32
    %min3A_98 = arith.minsi %min3A_96, %min3A_97 : i32
    %mul3A_99 = arith.constant 80 : i32
    %mul3A_100 = arith.muli %min3A_98, %mul3A_99 : i32
    %add3A_101 = arith.addi %add3A, %mul3A_100 : i32
    %multiple_of3A_102 = tpu.assume_multiple %add3A_101, 8 : i32
    %dma_wait3A_103 = tpu.memref_slice %arg3[%multiple_of3A_102] : memref<320000xi32, #tpu.memory_space<hbm>> -> memref<80xi32, #tpu.memory_space<hbm>>
    %dma_wait3A_104 = tpu.memref_slice %arg3[%multiple_of3A_102] : memref<320000xi32, #tpu.memory_space<hbm>> -> memref<80xi32, #tpu.memory_space<hbm>>
    tpu.wait_dma2 semaphore(%arg23 : memref<!tpu.dma_semaphore, #tpu.memory_space<semaphore_mem>>) src(%dma_wait3A_104 : memref<80xi32, #tpu.memory_space<hbm>>) dst(%arg11 : memref<80xi32, #tpu.memory_space<vmem>>)
    %dma_wait3A_105 = tpu.memref_slice %arg4[%multiple_of3A_102] : memref<320000xi32, #tpu.memory_space<hbm>> -> memref<80xi32, #tpu.memory_space<hbm>>
    %dma_wait3A_106 = tpu.memref_slice %arg4[%multiple_of3A_102] : memref<320000xi32, #tpu.memory_space<hbm>> -> memref<80xi32, #tpu.memory_space<hbm>>
    tpu.wait_dma2 semaphore(%arg23 : memref<!tpu.dma_semaphore, #tpu.memory_space<semaphore_mem>>) src(%dma_wait3A_106 : memref<80xi32, #tpu.memory_space<hbm>>) dst(%arg15 : memref<80xi32, #tpu.memory_space<vmem>>)
    %barrier3A_107 = arith.constant 0 : index
    tpu.barrier barrier_id(%barrier3A_107)
    "tpu.region"() ({
      %run_scoped3A = tpu.sem_alloc : memref<!tpu.dma_semaphore, #tpu.memory_space<semaphore_mem>>
      %dma_start3A_108 = arith.constant 0 : i32
      %dma_start3A_109 = tpu.memref_slice %arg6[%arg0, %multiple_of3A, %dma_start3A_108] : memref<2x10112x128xf32, #tpu.memory_space<hbm>> -> memref<1x632x128xf32, #tpu.memory_space<hbm>>
      %dma_start3A_110 = tpu.memref_squeeze %dma_start3A_109 : memref<1x632x128xf32, #tpu.memory_space<hbm>> -> memref<632x128xf32, #tpu.memory_space<hbm>>
      %dma_start3A_111 = arith.constant 0 : i32
      %dma_start3A_112 = tpu.memref_slice %arg7[%multiple_of3A, %dma_start3A_111] : memref<10112x128xf32, #tpu.memory_space<vmem_shared>> -> memref<632x128xf32, #tpu.memory_space<vmem_shared>>
      tpu.enqueue_dma source(%dma_start3A_112 : memref<632x128xf32, #tpu.memory_space<vmem_shared>>) target(%dma_start3A_110 : memref<632x128xf32, #tpu.memory_space<hbm>>) target_semaphore(%run_scoped3A : memref<!tpu.dma_semaphore, #tpu.memory_space<semaphore_mem>>)
      %dma_wait3A_113 = arith.constant 0 : i32
      %dma_wait3A_114 = tpu.memref_slice %arg6[%arg0, %multiple_of3A, %dma_wait3A_113] : memref<2x10112x128xf32, #tpu.memory_space<hbm>> -> memref<1x632x128xf32, #tpu.memory_space<hbm>>
      %dma_wait3A_115 = tpu.memref_squeeze %dma_wait3A_114 : memref<1x632x128xf32, #tpu.memory_space<hbm>> -> memref<632x128xf32, #tpu.memory_space<hbm>>
      %dma_wait3A_116 = arith.constant 0 : i32
      %dma_wait3A_117 = tpu.memref_slice %arg7[%multiple_of3A, %dma_wait3A_116] : memref<10112x128xf32, #tpu.memory_space<vmem_shared>> -> memref<632x128xf32, #tpu.memory_space<vmem_shared>>
      tpu.wait_dma2 semaphore(%run_scoped3A : memref<!tpu.dma_semaphore, #tpu.memory_space<semaphore_mem>>) src(%dma_wait3A_117 : memref<632x128xf32, #tpu.memory_space<vmem_shared>>) dst(%dma_wait3A_115 : memref<632x128xf32, #tpu.memory_space<hbm>>)
      tpu.yield
    }) : () -> ()
    return
  }
}

module attributes {stable_mosaic.version = 14 : i64} {
  func.func @_tc1_body(%arg0: i32, %arg1: memref<2x1000x128xf32, #tpu.memory_space<vmem>>, %arg2: memref<1000x128xf32, #tpu.memory_space<vmem>>, %arg3: memref<128x128xf32, #tpu.memory_space<vmem>>, %arg4: memref<1000x1xf32, #tpu.memory_space<vmem>>, %arg5: memref<1000x128xf32, #tpu.memory_space<vmem>>) attributes {dimension_semantics = [#tpu.dimension_semantics<arbitrary>], iteration_bounds = array<i64: 10>, scalar_prefetch = 0 : i64, scratch_operands = 0 : i64, tpu.core_type = #tpu.core_type<tc>, window_params = [{transform_indices = @transform_0, window_bounds = array<i64: 2, 1000, 128>}, {transform_indices = @transform_1, window_bounds = array<i64: 1000, 128>}, {pipeline_mode = #tpu.pipeline_mode<synchronous>, transform_indices = @transform_2, window_bounds = array<i64: 128, 128>}, {transform_indices = @transform_3, window_bounds = array<i64: 1000, 1>}, {transform_indices = @transform_4, window_bounds = array<i64: 1000, 128>}]} {
    %get3A = arith.constant 0 : index
    %get3A_0 = arith.constant 0 : index
    %get3A_1 = arith.constant 0 : index
    %get3A_2 = vector.load %arg1[%get3A, %get3A_0, %get3A_1] : memref<2x1000x128xf32, #tpu.memory_space<vmem>>, vector<1x1000x1xf32>
    %get3A_3 = vector.shape_cast %get3A_2 : vector<1x1000x1xf32> to vector<1000x1xf32>
    %get3A_4 = arith.constant 1 : index
    %get3A_5 = arith.constant 0 : index
    %get3A_6 = arith.constant 0 : index
    %get3A_7 = vector.load %arg1[%get3A_4, %get3A_5, %get3A_6] : memref<2x1000x128xf32, #tpu.memory_space<vmem>>, vector<1x1000x1xf32>
    %get3A_8 = vector.shape_cast %get3A_7 : vector<1x1000x1xf32> to vector<1000x1xf32>
    %add3A = arith.addf %get3A_3, %get3A_8 : vector<1000x1xf32>
    %add3A_9 = arith.constant 1.000000e+00 : f32
    %add3A_10 = vector.broadcast %add3A_9 : f32 to vector<1000x1xf32>
    %add3A_11 = arith.addf %add3A, %add3A_10 : vector<1000x1xf32>
    %rsqrt3A = math.rsqrt %add3A_11 : vector<1000x1xf32>
    %swap3A = arith.constant 0 : index
    %swap3A_12 = arith.constant 0 : index
    %swap3A_13 = vector.load %arg4[%swap3A, %swap3A_12] : memref<1000x1xf32, #tpu.memory_space<vmem>>, vector<1000x1xf32>
    tpu.vector_store %arg4[%swap3A, %swap3A_12], %rsqrt3A {strides = array<i32>} : memref<1000x1xf32, #tpu.memory_space<vmem>>, vector<1000x1xf32>,
    %get3A_14 = arith.constant 0 : index
    %get3A_15 = arith.constant 0 : index
    %get3A_16 = vector.load %arg2[%get3A_14, %get3A_15] : memref<1000x128xf32, #tpu.memory_space<vmem>>, vector<1000x128xf32>
    %get3A_17 = arith.constant 0 : index
    %get3A_18 = arith.constant 0 : index
    %get3A_19 = vector.load %arg3[%get3A_17, %get3A_18] : memref<128x128xf32, #tpu.memory_space<vmem>>, vector<128x128xf32>
    %dot_general3A = arith.constant dense<0.000000e+00> : vector<1000x128xf32>
    %dot_general3A_20 = tpu.matmul %get3A_16, %get3A_19, %dot_general3A {dimension_numbers = #tpu.dot_dimension_numbers<[1], [1], [0], [0], [0, 0, 1, 0], [], []>, transpose_lhs_hint = false} : vector<1000x128xf32>, vector<128x128xf32>, vector<1000x128xf32> -> vector<1000x128xf32>
    %mul3A = vector.broadcast %rsqrt3A : vector<1000x1xf32> to vector<1000x128xf32>
    %mul3A_21 = arith.mulf %dot_general3A_20, %mul3A : vector<1000x128xf32>
    %swap3A_22 = arith.constant 0 : index
    %swap3A_23 = arith.constant 0 : index
    %swap3A_24 = vector.load %arg5[%swap3A_22, %swap3A_23] : memref<1000x128xf32, #tpu.memory_space<vmem>>, vector<1000x128xf32>
    tpu.vector_store %arg5[%swap3A_22, %swap3A_23], %mul3A_21 {strides = array<i32>} : memref<1000x128xf32, #tpu.memory_space<vmem>>, vector<1000x128xf32>,
    return
  }
  func.func @transform_0(%arg0: i32) -> (i32, i32, i32) {
    %c0_i32 = arith.constant 0 : i32
    %c0_i32_0 = arith.constant 0 : i32
    %c0_i32_1 = arith.constant 0 : i32
    return %c0_i32, %arg0, %c0_i32_0 : i32, i32, i32
  }
  func.func @transform_1(%arg0: i32) -> (i32, i32) {
    %c0_i32 = arith.constant 0 : i32
    %c0_i32_0 = arith.constant 0 : i32
    return %arg0, %c0_i32 : i32, i32
  }
  func.func @transform_2(%arg0: i32) -> (i32, i32) {
    %c0_i32 = arith.constant 0 : i32
    %c0_i32_0 = arith.constant 0 : i32
    %c0_i32_1 = arith.constant 0 : i32
    return %c0_i32, %c0_i32_0 : i32, i32
  }
  func.func @transform_3(%arg0: i32) -> (i32, i32) {
    %c0_i32 = arith.constant 0 : i32
    %c0_i32_0 = arith.constant 0 : i32
    return %arg0, %c0_i32 : i32, i32
  }
  func.func @transform_4(%arg0: i32) -> (i32, i32) {
    %c0_i32 = arith.constant 0 : i32
    %c0_i32_0 = arith.constant 0 : i32
    return %arg0, %c0_i32 : i32, i32
  }
}

module attributes {stable_mosaic.version = 14 : i64} {
  func.func @_tc_mid_body(%arg0: i32, %arg1: memref<2x1000x128xf32, #tpu.memory_space<vmem>>, %arg2: memref<1000x128xf32, #tpu.memory_space<vmem>>, %arg3: memref<1000x128xf32, #tpu.memory_space<vmem>>, %arg4: memref<1000x1xf32, #tpu.memory_space<vmem>>, %arg5: memref<128xf32, #tpu.memory_space<vmem>>, %arg6: memref<128xf32, #tpu.memory_space<vmem>>, %arg7: memref<128xf32, #tpu.memory_space<vmem>>, %arg8: memref<128x128xf32, #tpu.memory_space<vmem>>, %arg9: memref<1000x128xf32, #tpu.memory_space<vmem>>, %arg10: memref<1000x128xf32, #tpu.memory_space<vmem>>) attributes {dimension_semantics = [#tpu.dimension_semantics<arbitrary>], iteration_bounds = array<i64: 10>, scalar_prefetch = 0 : i64, scratch_operands = 0 : i64, tpu.core_type = #tpu.core_type<tc>, window_params = [{transform_indices = @transform_0, window_bounds = array<i64: 2, 1000, 128>}, {transform_indices = @transform_1, window_bounds = array<i64: 1000, 128>}, {transform_indices = @transform_2, window_bounds = array<i64: 1000, 128>}, {transform_indices = @transform_3, window_bounds = array<i64: 1000, 1>}, {pipeline_mode = #tpu.pipeline_mode<synchronous>, transform_indices = @transform_4, window_bounds = array<i64: 128>}, {pipeline_mode = #tpu.pipeline_mode<synchronous>, transform_indices = @transform_5, window_bounds = array<i64: 128>}, {pipeline_mode = #tpu.pipeline_mode<synchronous>, transform_indices = @transform_6, window_bounds = array<i64: 128>}, {pipeline_mode = #tpu.pipeline_mode<synchronous>, transform_indices = @transform_7, window_bounds = array<i64: 128, 128>}, {transform_indices = @transform_8, window_bounds = array<i64: 1000, 128>}, {transform_indices = @transform_9, window_bounds = array<i64: 1000, 128>}]} {
    %get3A = arith.constant 0 : index
    %get3A_0 = arith.constant 0 : index
    %get3A_1 = arith.constant 0 : index
    %get3A_2 = vector.load %arg1[%get3A, %get3A_0, %get3A_1] : memref<2x1000x128xf32, #tpu.memory_space<vmem>>, vector<1x1000x128xf32>
    %get3A_3 = vector.shape_cast %get3A_2 : vector<1x1000x128xf32> to vector<1000x128xf32>
    %get3A_4 = arith.constant 1 : index
    %get3A_5 = arith.constant 0 : index
    %get3A_6 = arith.constant 0 : index
    %get3A_7 = vector.load %arg1[%get3A_4, %get3A_5, %get3A_6] : memref<2x1000x128xf32, #tpu.memory_space<vmem>>, vector<1x1000x128xf32>
    %get3A_8 = vector.shape_cast %get3A_7 : vector<1x1000x128xf32> to vector<1000x128xf32>
    %add3A = arith.addf %get3A_3, %get3A_8 : vector<1000x128xf32>
    %get3A_9 = arith.constant 0 : index
    %get3A_10 = arith.constant 0 : index
    %get3A_11 = vector.load %arg4[%get3A_9, %get3A_10] : memref<1000x1xf32, #tpu.memory_space<vmem>>, vector<1000x1xf32>
    %get3A_12 = arith.constant 0 : index
    %get3A_13 = arith.constant 0 : index
    %get3A_14 = vector.load %arg2[%get3A_12, %get3A_13] : memref<1000x128xf32, #tpu.memory_space<vmem>>, vector<1000x128xf32>
    %add3A_15 = arith.addf %add3A, %get3A_14 : vector<1000x128xf32>
    %mul3A = vector.broadcast %get3A_11 : vector<1000x1xf32> to vector<1000x128xf32>
    %mul3A_16 = arith.mulf %mul3A, %add3A_15 : vector<1000x128xf32>
    %get3A_17 = arith.constant 0 : index
    %get3A_18 = vector.load %arg5[%get3A_17] : memref<128xf32, #tpu.memory_space<vmem>>, vector<128xf32>
    %broadcast_in_dim3A = vector.shape_cast %get3A_18 : vector<128xf32> to vector<1x128xf32>
    %add3A_19 = vector.broadcast %broadcast_in_dim3A : vector<1x128xf32> to vector<1000x128xf32>
    %add3A_20 = arith.addf %mul3A_16, %add3A_19 : vector<1000x128xf32>
    %reduce_sum3A = arith.constant dense<0.000000e+00> : vector<1000xf32>
    %reduce_sum3A_21 = vector.multi_reduction <add>, %add3A_20, %reduce_sum3A [1] : vector<1000x128xf32> to vector<1000xf32>
    %broadcast_in_dim3A_22 = vector.shape_cast %reduce_sum3A_21 : vector<1000xf32> to vector<1000x1xf32>
    %div3A = arith.constant 1.280000e+02 : f32
    %div3A_23 = vector.broadcast %div3A : f32 to vector<1000x1xf32>
    %div3A_24 = arith.divf %broadcast_in_dim3A_22, %div3A_23 : vector<1000x1xf32>
    %sub3A = vector.broadcast %div3A_24 : vector<1000x1xf32> to vector<1000x128xf32>
    %sub3A_25 = arith.subf %add3A_20, %sub3A : vector<1000x128xf32>
    %integer_pow3A = arith.mulf %sub3A_25, %sub3A_25 : vector<1000x128xf32>
    %reduce_sum3A_26 = arith.constant dense<0.000000e+00> : vector<1000xf32>
    %reduce_sum3A_27 = vector.multi_reduction <add>, %integer_pow3A, %reduce_sum3A_26 [1] : vector<1000x128xf32> to vector<1000xf32>
    %broadcast_in_dim3A_28 = vector.shape_cast %reduce_sum3A_27 : vector<1000xf32> to vector<1000x1xf32>
    %div3A_29 = arith.constant 1.280000e+02 : f32
    %div3A_30 = vector.broadcast %div3A_29 : f32 to vector<1000x1xf32>
    %div3A_31 = arith.divf %broadcast_in_dim3A_28, %div3A_30 : vector<1000x1xf32>
    %sub3A_32 = vector.broadcast %div3A_24 : vector<1000x1xf32> to vector<1000x128xf32>
    %sub3A_33 = arith.subf %add3A_20, %sub3A_32 : vector<1000x128xf32>
    %add3A_34 = arith.constant 9.99999974E-6 : f32
    %add3A_35 = vector.broadcast %add3A_34 : f32 to vector<1000x1xf32>
    %add3A_36 = arith.addf %div3A_31, %add3A_35 : vector<1000x1xf32>
    %rsqrt3A = math.rsqrt %add3A_36 : vector<1000x1xf32>
    %mul3A_37 = vector.broadcast %rsqrt3A : vector<1000x1xf32> to vector<1000x128xf32>
    %mul3A_38 = arith.mulf %sub3A_33, %mul3A_37 : vector<1000x128xf32>
    %get3A_39 = arith.constant 0 : index
    %get3A_40 = vector.load %arg6[%get3A_39] : memref<128xf32, #tpu.memory_space<vmem>>, vector<128xf32>
    %broadcast_in_dim3A_41 = vector.shape_cast %get3A_40 : vector<128xf32> to vector<1x128xf32>
    %mul3A_42 = vector.broadcast %broadcast_in_dim3A_41 : vector<1x128xf32> to vector<1000x128xf32>
    %mul3A_43 = arith.mulf %mul3A_38, %mul3A_42 : vector<1000x128xf32>
    %get3A_44 = arith.constant 0 : index
    %get3A_45 = vector.load %arg7[%get3A_44] : memref<128xf32, #tpu.memory_space<vmem>>, vector<128xf32>
    %broadcast_in_dim3A_46 = vector.shape_cast %get3A_45 : vector<128xf32> to vector<1x128xf32>
    %add3A_47 = vector.broadcast %broadcast_in_dim3A_46 : vector<1x128xf32> to vector<1000x128xf32>
    %add3A_48 = arith.addf %mul3A_43, %add3A_47 : vector<1000x128xf32>
    %mul3A_49 = arith.constant 5.000000e-01 : f32
    %mul3A_50 = vector.broadcast %mul3A_49 : f32 to vector<1000x128xf32>
    %mul3A_51 = arith.mulf %mul3A_50, %add3A_48 : vector<1000x128xf32>
    %get3A_52 = arith.constant 0 : index
    %get3A_53 = arith.constant 0 : index
    %get3A_54 = vector.load %arg3[%get3A_52, %get3A_53] : memref<1000x128xf32, #tpu.memory_space<vmem>>, vector<1000x128xf32>
    %mul3A_55 = arith.constant 5.000000e-01 : f32
    %mul3A_56 = vector.broadcast %mul3A_55 : f32 to vector<1000x128xf32>
    %mul3A_57 = arith.mulf %mul3A_56, %get3A_54 : vector<1000x128xf32>
    %add3A_58 = arith.addf %mul3A_51, %mul3A_57 : vector<1000x128xf32>
    %max3A = arith.constant 0.000000e+00 : f32
    %max3A_59 = vector.broadcast %max3A : f32 to vector<1000x128xf32>
    %max3A_60 = arith.maximumf %add3A_58, %max3A_59 : vector<1000x128xf32>
    %swap3A = arith.constant 0 : index
    %swap3A_61 = arith.constant 0 : index
    %swap3A_62 = vector.load %arg9[%swap3A, %swap3A_61] : memref<1000x128xf32, #tpu.memory_space<vmem>>, vector<1000x128xf32>
    tpu.vector_store %arg9[%swap3A, %swap3A_61], %max3A_60 {strides = array<i32>} : memref<1000x128xf32, #tpu.memory_space<vmem>>, vector<1000x128xf32>,
    %get3A_63 = arith.constant 0 : index
    %get3A_64 = arith.constant 0 : index
    %get3A_65 = vector.load %arg8[%get3A_63, %get3A_64] : memref<128x128xf32, #tpu.memory_space<vmem>>, vector<128x128xf32>
    %dot_general3A = arith.constant dense<0.000000e+00> : vector<1000x128xf32>
    %dot_general3A_66 = tpu.matmul %max3A_60, %get3A_65, %dot_general3A {dimension_numbers = #tpu.dot_dimension_numbers<[1], [1], [0], [0], [0, 0, 1, 0], [], []>, transpose_lhs_hint = false} : vector<1000x128xf32>, vector<128x128xf32>, vector<1000x128xf32> -> vector<1000x128xf32>
    %mul3A_67 = vector.broadcast %get3A_11 : vector<1000x1xf32> to vector<1000x128xf32>
    %mul3A_68 = arith.mulf %dot_general3A_66, %mul3A_67 : vector<1000x128xf32>
    %swap3A_69 = arith.constant 0 : index
    %swap3A_70 = arith.constant 0 : index
    %swap3A_71 = vector.load %arg10[%swap3A_69, %swap3A_70] : memref<1000x128xf32, #tpu.memory_space<vmem>>, vector<1000x128xf32>
    tpu.vector_store %arg10[%swap3A_69, %swap3A_70], %mul3A_68 {strides = array<i32>} : memref<1000x128xf32, #tpu.memory_space<vmem>>, vector<1000x128xf32>,
    return
  }
  func.func @transform_0(%arg0: i32) -> (i32, i32, i32) {
    %c0_i32 = arith.constant 0 : i32
    %c0_i32_0 = arith.constant 0 : i32
    %c0_i32_1 = arith.constant 0 : i32
    return %c0_i32, %arg0, %c0_i32_0 : i32, i32, i32
  }
  func.func @transform_1(%arg0: i32) -> (i32, i32) {
    %c0_i32 = arith.constant 0 : i32
    %c0_i32_0 = arith.constant 0 : i32
    return %arg0, %c0_i32 : i32, i32
  }
  func.func @transform_2(%arg0: i32) -> (i32, i32) {
    %c0_i32 = arith.constant 0 : i32
    %c0_i32_0 = arith.constant 0 : i32
    return %arg0, %c0_i32 : i32, i32
  }
  func.func @transform_3(%arg0: i32) -> (i32, i32) {
    %c0_i32 = arith.constant 0 : i32
    %c0_i32_0 = arith.constant 0 : i32
    return %arg0, %c0_i32 : i32, i32
  }
  func.func @transform_4(%arg0: i32) -> i32 {
    %c0_i32 = arith.constant 0 : i32
    %c0_i32_0 = arith.constant 0 : i32
    return %c0_i32 : i32
  }
  func.func @transform_5(%arg0: i32) -> i32 {
    %c0_i32 = arith.constant 0 : i32
    %c0_i32_0 = arith.constant 0 : i32
    return %c0_i32 : i32
  }
  func.func @transform_6(%arg0: i32) -> i32 {
    %c0_i32 = arith.constant 0 : i32
    %c0_i32_0 = arith.constant 0 : i32
    return %c0_i32 : i32
  }
  func.func @transform_7(%arg0: i32) -> (i32, i32) {
    %c0_i32 = arith.constant 0 : i32
    %c0_i32_0 = arith.constant 0 : i32
    %c0_i32_1 = arith.constant 0 : i32
    return %c0_i32, %c0_i32_0 : i32, i32
  }
  func.func @transform_8(%arg0: i32) -> (i32, i32) {
    %c0_i32 = arith.constant 0 : i32
    %c0_i32_0 = arith.constant 0 : i32
    return %arg0, %c0_i32 : i32, i32
  }
  func.func @transform_9(%arg0: i32) -> (i32, i32) {
    %c0_i32 = arith.constant 0 : i32
    %c0_i32_0 = arith.constant 0 : i32
    return %arg0, %c0_i32 : i32, i32
  }
}

module attributes {stable_mosaic.version = 14 : i64} {
  func.func @_tc_mid_body(%arg0: i32, %arg1: memref<2x1000x128xf32, #tpu.memory_space<vmem>>, %arg2: memref<1000x128xf32, #tpu.memory_space<vmem>>, %arg3: memref<1000x128xf32, #tpu.memory_space<vmem>>, %arg4: memref<1000x1xf32, #tpu.memory_space<vmem>>, %arg5: memref<128xf32, #tpu.memory_space<vmem>>, %arg6: memref<128xf32, #tpu.memory_space<vmem>>, %arg7: memref<128xf32, #tpu.memory_space<vmem>>, %arg8: memref<128x128xf32, #tpu.memory_space<vmem>>, %arg9: memref<1000x128xf32, #tpu.memory_space<vmem>>, %arg10: memref<1000x128xf32, #tpu.memory_space<vmem>>) attributes {dimension_semantics = [#tpu.dimension_semantics<arbitrary>], iteration_bounds = array<i64: 10>, scalar_prefetch = 0 : i64, scratch_operands = 0 : i64, tpu.core_type = #tpu.core_type<tc>, window_params = [{transform_indices = @transform_0, window_bounds = array<i64: 2, 1000, 128>}, {transform_indices = @transform_1, window_bounds = array<i64: 1000, 128>}, {transform_indices = @transform_2, window_bounds = array<i64: 1000, 128>}, {transform_indices = @transform_3, window_bounds = array<i64: 1000, 1>}, {pipeline_mode = #tpu.pipeline_mode<synchronous>, transform_indices = @transform_4, window_bounds = array<i64: 128>}, {pipeline_mode = #tpu.pipeline_mode<synchronous>, transform_indices = @transform_5, window_bounds = array<i64: 128>}, {pipeline_mode = #tpu.pipeline_mode<synchronous>, transform_indices = @transform_6, window_bounds = array<i64: 128>}, {pipeline_mode = #tpu.pipeline_mode<synchronous>, transform_indices = @transform_7, window_bounds = array<i64: 128, 128>}, {transform_indices = @transform_8, window_bounds = array<i64: 1000, 128>}, {transform_indices = @transform_9, window_bounds = array<i64: 1000, 128>}]} {
    %get3A = arith.constant 0 : index
    %get3A_0 = arith.constant 0 : index
    %get3A_1 = arith.constant 0 : index
    %get3A_2 = vector.load %arg1[%get3A, %get3A_0, %get3A_1] : memref<2x1000x128xf32, #tpu.memory_space<vmem>>, vector<1x1000x128xf32>
    %get3A_3 = vector.shape_cast %get3A_2 : vector<1x1000x128xf32> to vector<1000x128xf32>
    %get3A_4 = arith.constant 1 : index
    %get3A_5 = arith.constant 0 : index
    %get3A_6 = arith.constant 0 : index
    %get3A_7 = vector.load %arg1[%get3A_4, %get3A_5, %get3A_6] : memref<2x1000x128xf32, #tpu.memory_space<vmem>>, vector<1x1000x128xf32>
    %get3A_8 = vector.shape_cast %get3A_7 : vector<1x1000x128xf32> to vector<1000x128xf32>
    %add3A = arith.addf %get3A_3, %get3A_8 : vector<1000x128xf32>
    %get3A_9 = arith.constant 0 : index
    %get3A_10 = arith.constant 0 : index
    %get3A_11 = vector.load %arg4[%get3A_9, %get3A_10] : memref<1000x1xf32, #tpu.memory_space<vmem>>, vector<1000x1xf32>
    %get3A_12 = arith.constant 0 : index
    %get3A_13 = arith.constant 0 : index
    %get3A_14 = vector.load %arg2[%get3A_12, %get3A_13] : memref<1000x128xf32, #tpu.memory_space<vmem>>, vector<1000x128xf32>
    %add3A_15 = arith.addf %add3A, %get3A_14 : vector<1000x128xf32>
    %mul3A = vector.broadcast %get3A_11 : vector<1000x1xf32> to vector<1000x128xf32>
    %mul3A_16 = arith.mulf %mul3A, %add3A_15 : vector<1000x128xf32>
    %get3A_17 = arith.constant 0 : index
    %get3A_18 = vector.load %arg5[%get3A_17] : memref<128xf32, #tpu.memory_space<vmem>>, vector<128xf32>
    %broadcast_in_dim3A = vector.shape_cast %get3A_18 : vector<128xf32> to vector<1x128xf32>
    %add3A_19 = vector.broadcast %broadcast_in_dim3A : vector<1x128xf32> to vector<1000x128xf32>
    %add3A_20 = arith.addf %mul3A_16, %add3A_19 : vector<1000x128xf32>
    %reduce_sum3A = arith.constant dense<0.000000e+00> : vector<1000xf32>
    %reduce_sum3A_21 = vector.multi_reduction <add>, %add3A_20, %reduce_sum3A [1] : vector<1000x128xf32> to vector<1000xf32>
    %broadcast_in_dim3A_22 = vector.shape_cast %reduce_sum3A_21 : vector<1000xf32> to vector<1000x1xf32>
    %div3A = arith.constant 1.280000e+02 : f32
    %div3A_23 = vector.broadcast %div3A : f32 to vector<1000x1xf32>
    %div3A_24 = arith.divf %broadcast_in_dim3A_22, %div3A_23 : vector<1000x1xf32>
    %sub3A = vector.broadcast %div3A_24 : vector<1000x1xf32> to vector<1000x128xf32>
    %sub3A_25 = arith.subf %add3A_20, %sub3A : vector<1000x128xf32>
    %integer_pow3A = arith.mulf %sub3A_25, %sub3A_25 : vector<1000x128xf32>
    %reduce_sum3A_26 = arith.constant dense<0.000000e+00> : vector<1000xf32>
    %reduce_sum3A_27 = vector.multi_reduction <add>, %integer_pow3A, %reduce_sum3A_26 [1] : vector<1000x128xf32> to vector<1000xf32>
    %broadcast_in_dim3A_28 = vector.shape_cast %reduce_sum3A_27 : vector<1000xf32> to vector<1000x1xf32>
    %div3A_29 = arith.constant 1.280000e+02 : f32
    %div3A_30 = vector.broadcast %div3A_29 : f32 to vector<1000x1xf32>
    %div3A_31 = arith.divf %broadcast_in_dim3A_28, %div3A_30 : vector<1000x1xf32>
    %sub3A_32 = vector.broadcast %div3A_24 : vector<1000x1xf32> to vector<1000x128xf32>
    %sub3A_33 = arith.subf %add3A_20, %sub3A_32 : vector<1000x128xf32>
    %add3A_34 = arith.constant 9.99999974E-6 : f32
    %add3A_35 = vector.broadcast %add3A_34 : f32 to vector<1000x1xf32>
    %add3A_36 = arith.addf %div3A_31, %add3A_35 : vector<1000x1xf32>
    %rsqrt3A = math.rsqrt %add3A_36 : vector<1000x1xf32>
    %mul3A_37 = vector.broadcast %rsqrt3A : vector<1000x1xf32> to vector<1000x128xf32>
    %mul3A_38 = arith.mulf %sub3A_33, %mul3A_37 : vector<1000x128xf32>
    %get3A_39 = arith.constant 0 : index
    %get3A_40 = vector.load %arg6[%get3A_39] : memref<128xf32, #tpu.memory_space<vmem>>, vector<128xf32>
    %broadcast_in_dim3A_41 = vector.shape_cast %get3A_40 : vector<128xf32> to vector<1x128xf32>
    %mul3A_42 = vector.broadcast %broadcast_in_dim3A_41 : vector<1x128xf32> to vector<1000x128xf32>
    %mul3A_43 = arith.mulf %mul3A_38, %mul3A_42 : vector<1000x128xf32>
    %get3A_44 = arith.constant 0 : index
    %get3A_45 = vector.load %arg7[%get3A_44] : memref<128xf32, #tpu.memory_space<vmem>>, vector<128xf32>
    %broadcast_in_dim3A_46 = vector.shape_cast %get3A_45 : vector<128xf32> to vector<1x128xf32>
    %add3A_47 = vector.broadcast %broadcast_in_dim3A_46 : vector<1x128xf32> to vector<1000x128xf32>
    %add3A_48 = arith.addf %mul3A_43, %add3A_47 : vector<1000x128xf32>
    %mul3A_49 = arith.constant 5.000000e-01 : f32
    %mul3A_50 = vector.broadcast %mul3A_49 : f32 to vector<1000x128xf32>
    %mul3A_51 = arith.mulf %mul3A_50, %add3A_48 : vector<1000x128xf32>
    %get3A_52 = arith.constant 0 : index
    %get3A_53 = arith.constant 0 : index
    %get3A_54 = vector.load %arg3[%get3A_52, %get3A_53] : memref<1000x128xf32, #tpu.memory_space<vmem>>, vector<1000x128xf32>
    %mul3A_55 = arith.constant 5.000000e-01 : f32
    %mul3A_56 = vector.broadcast %mul3A_55 : f32 to vector<1000x128xf32>
    %mul3A_57 = arith.mulf %mul3A_56, %get3A_54 : vector<1000x128xf32>
    %add3A_58 = arith.addf %mul3A_51, %mul3A_57 : vector<1000x128xf32>
    %max3A = arith.constant 0.000000e+00 : f32
    %max3A_59 = vector.broadcast %max3A : f32 to vector<1000x128xf32>
    %max3A_60 = arith.maximumf %add3A_58, %max3A_59 : vector<1000x128xf32>
    %swap3A = arith.constant 0 : index
    %swap3A_61 = arith.constant 0 : index
    %swap3A_62 = vector.load %arg9[%swap3A, %swap3A_61] : memref<1000x128xf32, #tpu.memory_space<vmem>>, vector<1000x128xf32>
    tpu.vector_store %arg9[%swap3A, %swap3A_61], %max3A_60 {strides = array<i32>} : memref<1000x128xf32, #tpu.memory_space<vmem>>, vector<1000x128xf32>,
    %get3A_63 = arith.constant 0 : index
    %get3A_64 = arith.constant 0 : index
    %get3A_65 = vector.load %arg8[%get3A_63, %get3A_64] : memref<128x128xf32, #tpu.memory_space<vmem>>, vector<128x128xf32>
    %dot_general3A = arith.constant dense<0.000000e+00> : vector<1000x128xf32>
    %dot_general3A_66 = tpu.matmul %max3A_60, %get3A_65, %dot_general3A {dimension_numbers = #tpu.dot_dimension_numbers<[1], [1], [0], [0], [0, 0, 1, 0], [], []>, transpose_lhs_hint = false} : vector<1000x128xf32>, vector<128x128xf32>, vector<1000x128xf32> -> vector<1000x128xf32>
    %mul3A_67 = vector.broadcast %get3A_11 : vector<1000x1xf32> to vector<1000x128xf32>
    %mul3A_68 = arith.mulf %dot_general3A_66, %mul3A_67 : vector<1000x128xf32>
    %swap3A_69 = arith.constant 0 : index
    %swap3A_70 = arith.constant 0 : index
    %swap3A_71 = vector.load %arg10[%swap3A_69, %swap3A_70] : memref<1000x128xf32, #tpu.memory_space<vmem>>, vector<1000x128xf32>
    tpu.vector_store %arg10[%swap3A_69, %swap3A_70], %mul3A_68 {strides = array<i32>} : memref<1000x128xf32, #tpu.memory_space<vmem>>, vector<1000x128xf32>,
    return
  }
  func.func @transform_0(%arg0: i32) -> (i32, i32, i32) {
    %c0_i32 = arith.constant 0 : i32
    %c0_i32_0 = arith.constant 0 : i32
    %c0_i32_1 = arith.constant 0 : i32
    return %c0_i32, %arg0, %c0_i32_0 : i32, i32, i32
  }
  func.func @transform_1(%arg0: i32) -> (i32, i32) {
    %c0_i32 = arith.constant 0 : i32
    %c0_i32_0 = arith.constant 0 : i32
    return %arg0, %c0_i32 : i32, i32
  }
  func.func @transform_2(%arg0: i32) -> (i32, i32) {
    %c0_i32 = arith.constant 0 : i32
    %c0_i32_0 = arith.constant 0 : i32
    return %arg0, %c0_i32 : i32, i32
  }
  func.func @transform_3(%arg0: i32) -> (i32, i32) {
    %c0_i32 = arith.constant 0 : i32
    %c0_i32_0 = arith.constant 0 : i32
    return %arg0, %c0_i32 : i32, i32
  }
  func.func @transform_4(%arg0: i32) -> i32 {
    %c0_i32 = arith.constant 0 : i32
    %c0_i32_0 = arith.constant 0 : i32
    return %c0_i32 : i32
  }
  func.func @transform_5(%arg0: i32) -> i32 {
    %c0_i32 = arith.constant 0 : i32
    %c0_i32_0 = arith.constant 0 : i32
    return %c0_i32 : i32
  }
  func.func @transform_6(%arg0: i32) -> i32 {
    %c0_i32 = arith.constant 0 : i32
    %c0_i32_0 = arith.constant 0 : i32
    return %c0_i32 : i32
  }
  func.func @transform_7(%arg0: i32) -> (i32, i32) {
    %c0_i32 = arith.constant 0 : i32
    %c0_i32_0 = arith.constant 0 : i32
    %c0_i32_1 = arith.constant 0 : i32
    return %c0_i32, %c0_i32_0 : i32, i32
  }
  func.func @transform_8(%arg0: i32) -> (i32, i32) {
    %c0_i32 = arith.constant 0 : i32
    %c0_i32_0 = arith.constant 0 : i32
    return %arg0, %c0_i32 : i32, i32
  }
  func.func @transform_9(%arg0: i32) -> (i32, i32) {
    %c0_i32 = arith.constant 0 : i32
    %c0_i32_0 = arith.constant 0 : i32
    return %arg0, %c0_i32 : i32, i32
  }
}

module attributes {stable_mosaic.version = 14 : i64} {
  func.func @_tc_out_body(%arg0: i32, %arg1: memref<2x1000x128xf32, #tpu.memory_space<vmem>>, %arg2: memref<1000x128xf32, #tpu.memory_space<vmem>>, %arg3: memref<1000x1xf32, #tpu.memory_space<vmem>>, %arg4: memref<128xf32, #tpu.memory_space<vmem>>, %arg5: memref<1000x128xf32, #tpu.memory_space<vmem>>) attributes {dimension_semantics = [#tpu.dimension_semantics<arbitrary>], iteration_bounds = array<i64: 10>, scalar_prefetch = 0 : i64, scratch_operands = 0 : i64, tpu.core_type = #tpu.core_type<tc>, window_params = [{transform_indices = @transform_0, window_bounds = array<i64: 2, 1000, 128>}, {transform_indices = @transform_1, window_bounds = array<i64: 1000, 128>}, {transform_indices = @transform_2, window_bounds = array<i64: 1000, 1>}, {pipeline_mode = #tpu.pipeline_mode<synchronous>, transform_indices = @transform_3, window_bounds = array<i64: 128>}, {transform_indices = @transform_4, window_bounds = array<i64: 1000, 128>}]} {
    %get3A = arith.constant 0 : index
    %get3A_0 = arith.constant 0 : index
    %get3A_1 = arith.constant 0 : index
    %get3A_2 = vector.load %arg1[%get3A, %get3A_0, %get3A_1] : memref<2x1000x128xf32, #tpu.memory_space<vmem>>, vector<1x1000x128xf32>
    %get3A_3 = vector.shape_cast %get3A_2 : vector<1x1000x128xf32> to vector<1000x128xf32>
    %get3A_4 = arith.constant 1 : index
    %get3A_5 = arith.constant 0 : index
    %get3A_6 = arith.constant 0 : index
    %get3A_7 = vector.load %arg1[%get3A_4, %get3A_5, %get3A_6] : memref<2x1000x128xf32, #tpu.memory_space<vmem>>, vector<1x1000x128xf32>
    %get3A_8 = vector.shape_cast %get3A_7 : vector<1x1000x128xf32> to vector<1000x128xf32>
    %add3A = arith.addf %get3A_3, %get3A_8 : vector<1000x128xf32>
    %get3A_9 = arith.constant 0 : index
    %get3A_10 = arith.constant 0 : index
    %get3A_11 = vector.load %arg3[%get3A_9, %get3A_10] : memref<1000x1xf32, #tpu.memory_space<vmem>>, vector<1000x1xf32>
    %get3A_12 = arith.constant 0 : index
    %get3A_13 = arith.constant 0 : index
    %get3A_14 = vector.load %arg2[%get3A_12, %get3A_13] : memref<1000x128xf32, #tpu.memory_space<vmem>>, vector<1000x128xf32>
    %add3A_15 = arith.addf %add3A, %get3A_14 : vector<1000x128xf32>
    %mul3A = vector.broadcast %get3A_11 : vector<1000x1xf32> to vector<1000x128xf32>
    %mul3A_16 = arith.mulf %mul3A, %add3A_15 : vector<1000x128xf32>
    %get3A_17 = arith.constant 0 : index
    %get3A_18 = vector.load %arg4[%get3A_17] : memref<128xf32, #tpu.memory_space<vmem>>, vector<128xf32>
    %broadcast_in_dim3A = vector.shape_cast %get3A_18 : vector<128xf32> to vector<1x128xf32>
    %add3A_19 = vector.broadcast %broadcast_in_dim3A : vector<1x128xf32> to vector<1000x128xf32>
    %add3A_20 = arith.addf %mul3A_16, %add3A_19 : vector<1000x128xf32>
    %swap3A = arith.constant 0 : index
    %swap3A_21 = arith.constant 0 : index
    %swap3A_22 = vector.load %arg5[%swap3A, %swap3A_21] : memref<1000x128xf32, #tpu.memory_space<vmem>>, vector<1000x128xf32>
    tpu.vector_store %arg5[%swap3A, %swap3A_21], %add3A_20 {strides = array<i32>} : memref<1000x128xf32, #tpu.memory_space<vmem>>, vector<1000x128xf32>,
    return
  }
  func.func @transform_0(%arg0: i32) -> (i32, i32, i32) {
    %c0_i32 = arith.constant 0 : i32
    %c0_i32_0 = arith.constant 0 : i32
    %c0_i32_1 = arith.constant 0 : i32
    return %c0_i32, %arg0, %c0_i32_0 : i32, i32, i32
  }
  func.func @transform_1(%arg0: i32) -> (i32, i32) {
    %c0_i32 = arith.constant 0 : i32
    %c0_i32_0 = arith.constant 0 : i32
    return %arg0, %c0_i32 : i32, i32
  }
  func.func @transform_2(%arg0: i32) -> (i32, i32) {
    %c0_i32 = arith.constant 0 : i32
    %c0_i32_0 = arith.constant 0 : i32
    return %arg0, %c0_i32 : i32, i32
  }
  func.func @transform_3(%arg0: i32) -> i32 {
    %c0_i32 = arith.constant 0 : i32
    %c0_i32_0 = arith.constant 0 : i32
    return %c0_i32 : i32
  }
  func.func @transform_4(%arg0: i32) -> (i32, i32) {
    %c0_i32 = arith.constant 0 : i32
    %c0_i32_0 = arith.constant 0 : i32
    return %arg0, %c0_i32 : i32, i32
  }
}

</mosaic_0001>

<sc_bundles>
// kernel: kernel.10.cloned.1.call-start
scs
__scs_entry_jumppad:
0x0: {  	(pc) =	sbr.rel $0x88, $3  }
0x1: {  	(tag) =	ssettag $0x0;
	lr =	simm.s32 $0x1  }
0x2: {  	[smem:$0x3F95] =	sst lr;
	_ =	strace $0xD0000000  }
0x3: {  	_ = 	snop  }
0x4: {  	_ = 	snop  }
0x5: {  	_ = 	snop  }
0x6: {  	_ = 	snop  }
0x7: {  	_ = 	snop  }
__scs_overlays_trampoline_lowered:
0x8: {  	[smem:$0x3FA4] =	sst s0  }
0x9: {  	[smem:$0x3FA5] =	sst s1  }
0xa: {  	[smem:$0x3FA6] =	sst s2  }
0xb: {  	[smem:$0x3FA7] =	sst s3  }
0xc: {  	[smem:$0x3FA8] =	sst s4  }
0xd: {  	[smem:$0x3FA9] =	sst s5  }
0xe: {  	[smem:$0x3FAA] =	sst s6  }
0xf: {  	[smem:$0x3FAB] =	sst s7  }
0x10: {  	[smem:$0x3FAC] =	sst s8  }
0x11: {  	[smem:$0x3FAD] =	sst s9;
	s0 =	simm.s32 @!p0 $0x0  }
0x12: {  	s1 =	sld [smem:$0x3F93];
	s0 =	simm.s32 @p0 $0x1  }
0x13: {  	[smem:$0x3FAE] =	sst s0;
	s0 =	simm.s32 @!p1 $0x0  }
0x14: {  	s2 =	sld [smem:$0x3F92];
	s0 =	simm.s32 @p1 $0x1  }
0x15: {  	[smem:$0x3FAF] =	sst s0;
	s0 =	simm.s32 @!p2 $0x0  }
0x16: {  	s3 =	sld [smem:$0x3FDB];
	s0 =	simm.s32 @p2 $0x1  }
0x17: {  	s4 =	simm.s32 $0x1BF5;
	[smem:$0x3FB1] =	sst s0  }
0x18: {  	s0 =	sld [smem:$0x3F94];
	_ =	swait.ge [sflag:s4], $0x0  }
0x19: {  	s7 =	sld [smem:$0x3F95]  }
0x1a: {  	s8 =	sadd.s32 $0xFFFFE003, lr  }
0x1b: {  	s9 =	sadd.s32 $0xFFFFFEF7, lr;
	s5 =	simm.s32 $0xFFFFFFFF;
	p2 =	slt.u32 s8, $0xFFFFF086  }
0x1c: {  	p1 =	slt.u32 s9, $0xF7A;
	s5 =	simm.s32 @!p2 $0x0  }
0x1d: {  	s5 =	simm.s32 @p1 $0x1;
	p0 =	seq.s32 s7, s2  }
0x1e: {  	s7 =	smul.u32 @!p0 $0xF7A, s2;
	p2 =	seq.s32 @!p0 s5, $0x0  }
0x1f: {  	s9 =	smul.u32 $0xF7A, s1;
	s8 =	simm.s32 @!p0 $0x1BF5;
	p2 =	por !p2, p0  }
0x20: {  	[sflag:s8] =	ssyncset.s32 @!p0 $0xFFFFF086;
	s6 =	sadd.s32 @!p0 s3, s7;
	s7 =	simm.s32 @!p0 $0x108  }
0x21: {  	s3 =	sadd.s32 s3, s9;
	s6 =	sadd.s32 @!p0 $0x88, s6;
	s7 =	simm.s32 @p2 $0x1082  }
0x22: {  	[simem:s7], [sflag:s8] =	dma.local @!p0 [hbm:s6], $0xF7A  }
0x23: {  	s9 =	sor.u32 $0xD0000000, s2;
	s6 =	simm.s32 $0x108;
	_ =	swait.ge @!p0 [sflag:s8], $0x0  }
0x24: {  	s3 =	sadd.s32 $0x88, s3;
	s6 =	simm.s32 @!p1 $0x1082;
	[sflag:s4] =	ssyncset.s32 $0xFFFFF086  }
0x25: {  	[simem:s6], [sflag:s4] =	dma.local [hbm:s3], $0xF7A  }
0x26: {  	[smem:$0x3F95] =	sst s1;
	(tag) =	ssettag s2;
	_ =	strace s9  }
0x27: {  	s1 =	sld [smem:$0x3FA5]  }
0x28: {  	s2 =	sld [smem:$0x3FA6]  }
0x29: {  	s4 =	sld [smem:$0x3FA8]  }
0x2a: {  	p0 =	seq.s32 s5, $0x0;
	s5 =	sld [smem:$0x3FA9]  }
0x2b: {  	s6 =	sld [smem:$0x3FAA]  }
0x2c: {  	s7 =	sld [smem:$0x3FAB]  }
0x2d: {  	s3 =	simm.s32 $0x108;
	s8 =	sld [smem:$0x3FAC]  }
0x2e: {  	s3 =	simm.s32 @!p0 $0x1082;
	s9 =	sld [smem:$0x3FAD]  }
0x2f: {  	lr =	sadd.s32 s0, s3;
	s0 =	sld [smem:$0x3FA4]  }
0x30: {  	s3 =	sld [smem:$0x3FA7]  }
0x31: {  	[smem:$0x3FB0] =	sst s10  }
0x32: {  	s10 =	sld [smem:$0x3FAE];
	_ =	sdelay $0x3  }
0x33: {  	p0 =	seq.s32 s10, $0x1;
	s10 =	sld [smem:$0x3FB0];
	_ =	sdelay $0x3  }
0x34: {  	[smem:$0x3FB0] =	sst s10  }
0x35: {  	s10 =	sld [smem:$0x3FAF];
	_ =	sdelay $0x3  }
0x36: {  	p1 =	seq.s32 s10, $0x1;
	s10 =	sld [smem:$0x3FB0];
	_ =	sdelay $0x3  }
0x37: {  	[smem:$0x3FB0] =	sst s10  }
0x38: {  	s10 =	sld [smem:$0x3FB1]  }
0x39: {  	_ = 	snop;
	(pc) =	sbr.ind lr, $3  }
0x3a: {  	_ = 	snop  }
0x3b: {  	_ = 	snop  }
0x3c: {  	p2 =	seq.s32 s10, $0x1;
	s10 =	sld [smem:$0x3FB0]  }
0x3d: {  	_ =	shalt  }
0x3e: {  	_ =	shalt  }
0x3f: {  	_ =	shalt  }
0x40: {  	_ =	shalt  }
0x41: {  	_ =	shalt  }
0x42: {  	_ =	shalt  }
0x43: {  	_ =	shalt  }
0x44: {  	_ =	shalt  }
0x45: {  	_ =	shalt  }
0x46: {  	_ =	shalt  }
0x47: {  	_ =	shalt  }
0x48: {  	_ =	shalt  }
0x49: {  	_ =	shalt  }
0x4a: {  	_ =	shalt  }
0x4b: {  	_ =	shalt  }
0x4c: {  	_ =	shalt  }
0x4d: {  	_ =	shalt  }
0x4e: {  	_ =	shalt  }
0x4f: {  	_ =	shalt  }
0x50: {  	_ =	shalt  }
0x51: {  	_ =	shalt  }
0x52: {  	_ =	shalt  }
0x53: {  	_ =	shalt  }
0x54: {  	_ =	shalt  }
0x55: {  	_ =	shalt  }
0x56: {  	_ =	shalt  }
0x57: {  	_ =	shalt  }
0x58: {  	_ =	shalt  }
0x59: {  	_ =	shalt  }
0x5a: {  	_ =	shalt  }
0x5b: {  	_ =	shalt  }
0x5c: {  	_ =	shalt  }
0x5d: {  	_ =	shalt  }
0x5e: {  	_ =	shalt  }
0x5f: {  	_ =	shalt  }
0x60: {  	_ =	shalt  }
0x61: {  	_ =	shalt  }
0x62: {  	_ =	shalt  }
0x63: {  	_ =	shalt  }
0x64: {  	_ =	shalt  }
0x65: {  	_ =	shalt  }
0x66: {  	_ =	shalt  }
0x67: {  	_ =	shalt  }
0x68: {  	_ =	shalt  }
0x69: {  	_ =	shalt  }
0x6a: {  	_ =	shalt  }
0x6b: {  	_ =	shalt  }
0x6c: {  	_ =	shalt  }
0x6d: {  	_ =	shalt  }
0x6e: {  	_ =	shalt  }
0x6f: {  	_ =	shalt  }
0x70: {  	_ =	shalt  }
0x71: {  	_ =	shalt  }
0x72: {  	_ =	shalt  }
0x73: {  	_ =	shalt  }
0x74: {  	_ =	shalt  }
0x75: {  	_ =	shalt  }
0x76: {  	_ =	shalt  }
0x77: {  	_ =	shalt  }
0x78: {  	_ =	shalt  }
0x79: {  	_ =	shalt  }
0x7a: {  	_ =	shalt  }
0x7b: {  	_ =	shalt  }
0x7c: {  	_ =	shalt  }
0x7d: {  	_ =	shalt  }
0x7e: {  	_ =	shalt  }
0x7f: {  	_ =	shalt  }
0x80: {  	_ =	shalt  }
0x81: {  	_ =	shalt  }
0x82: {  	_ =	shalt  }
0x83: {  	_ =	shalt  }
0x84: {  	_ =	shalt  }
0x85: {  	_ =	shalt  }
0x86: {  	_ =	shalt  }
0x87: {  	_ =	shalt  }
.Lfunc_end0:
.L_simem_size_0:
called_computation_lowered:
.L_overlay_start_0:
0x88: {  	s2 =	sld [smem:$0x3FD9]  }
0x89: {  	s3 =	sld [smem:$0x3FFE];
	_ =	sdelay $0x1  }
0x8a: {  	s1 =	srdreg.scid  }
0x8b: {  	s0 =	sand.u32 $0x1, s1  }
0x8c: {  	s17 =	sshll.u32 s0, $0xA;
	s2 =	sadd.s32 s3, s2  }
0x8d: {  	s2 =	sadd.s32 s2, s17  }
0x8e: {  	[smem:$0x3FBC] =	sst s2  }
0x8f: {  	_ = 	snop  }
0x90: {  	s2 =	sld [smem:$0x3FD0];
	(tm) =	ssettm $0x1  }
0x91: {  	s18 =	sld [smem:$0x3FFB];
	_ =	sdelay $0x3  }
0x92: {  	_ =	strace s18  }
0x93: {  	s3 =	sld [smem:$0x3FFC];
	_ =	sdelay $0x3  }
0x94: {  	_ =	strace s3  }
0x95: {  	s3 =	sld [smem:$0x3FFD];
	_ =	sdelay $0x3  }
0x96: {  	_ =	strace s3  }
0x97: {  	_ =	strace $0x8FFFFFFF  }
0x98: {  	s19 =	sld [smem:$0x3FDB];
	_ =	sdelay $0x1  }
0x99: {  	s4 =	simm.s32 $_scs_section_size  }
0x9a: {  	s5 =	simm.s32 $_size__tile_overlayer_lowered;
	s6 =	simm.s32 $_tile_overlayer_lowered  }
0x9b: {  	s22 =	simm.s32 $0x1BFF;
	s21 =	sshll.u32 s6, $0x1;
	s3 =	sadd.s32 s4, s19  }
0x9c: {  	s7 =	simm.s32 $0x0;
	s20 =	sshll.u32 s5, $0x1;
	s5 =	sadd.s32 s21, s3  }
0x9d: {  	[timem:s7], [sflag:s22] =	dma.local [hbm:s5], s20  }
0x9e: {  	_ =	swait.ge [sflag:s22], s20  }
0x9f: {  	s4 =	ssub.s32 $0x0, s20;
	[sflag:s22] =	ssyncset.done $0x0  }
0xa0: {  	[sflag:s22] =	ssyncadd.s32 s4;
	_ =	sdelay $0x1  }
0xa1: {  	s23 =	simm.s32 $0x1B8B  }
0xa2: {  	_ =	swait.ge [sflag:s23], $0x1  }
0xa3: {  	[sflag:s23] =	ssyncset.done $0x0  }
0xa4: {  	s25 =	simm.s32 $0x1B8E;
	s24 =	sld [smem:$0x3FFE];
	[sflag:s23] =	ssyncadd.s32 $0xFFFFFFFF  }
0xa5: {  	s26 =	simm.s32 $execute0_lowered;
	[smem:$0x3FD2] =	sst s25  }
0xa6: {  	s5 =	sshll.u32 s26, $0x1;
	_ =	strace $0x80000046;
	[dreg:$0x1] =	wrdreg $0xFFFFFFFF  }
0xa7: {  	s28 =	simm.s32 $_size_execute0_lowered;
	s3 =	sadd.s32 s3, s5;
	[dreg:$0x0] =	wrdreg $0x0  }
0xa8: {  	s5 =	sshll.u32 s28, $0x1;
	[dreg:$0x2] =	wrdreg s3  }
0xa9: {  	[dreg:$0x3] =	wrdreg s5  }
0xaa: {  	[dreg:$0x4] =	wrdreg $0xC0  }
0xab: {  	_ =	task [dreg:s7], $0x5FFFF  }
0xac: {  	[dreg:$0x1] =	wrdreg $0xFFFFFFFF  }
0xad: {  	[dreg:$0x0] =	wrdreg $0x60  }
0xae: {  	[dreg:$0x2] =	wrdreg s24  }
0xaf: {  	[dreg:$0x3] =	wrdreg s2  }
0xb0: {  	[dreg:$0x4] =	wrdreg $0x0  }
0xb1: {  	[dreg:$0x5] =	wrdreg $0x9  }
0xb2: {  	_ =	task.clear_ibuf [dreg:s7], $0x6FFFF;
	_ =	strace $0x90000046  }
0xb3: {  	s29 =	simm.s32 $0x9;
	_ =	strace $0x80000048  }
0xb4: {  	_ =	swait.ge [sflag:s29], $0x1  }
0xb5: {  	[sflag:s29] =	ssyncadd.s32 $0xFFFFFFFF  }
0xb6: {  	_ =	strace $0x90000048  }
0xb7: {  	_ =	sfence  }
0xb8: {  	s30 =	sld [smem:$0x0];
	_ =	sdelay $0x2  }
0xb9: {  	s31 =	sshll.u32 s1, $0xD;
	s1 =	sshrl.u32 s1, $0x2  }
0xba: {  	s3 =	sand.u32 $0x4000, s31;
	s1 =	sadd.s32 s1, s30  }
0xbb: {  	s0 =	sor.u32 s3, s0;
	s1 =	sshll.u32 s1, $0x11  }
0xbc: {  	s0 =	sor.u32 s1, s0  }
0xbd: {  	s0 =	sadd.s32 $0x8F2B, s0  }
0xbe: {  	[sflag:s0] =	ssyncadd.remote.s32 $0x1  }
0xbf: {  	_ =	sfence.sel $0xFFFF  }
0xc0: {  	[dreg:$0x0] =	wrdreg $0xFFFFFFFF;
	(pc) =	sbr.abs _section_cstart, $3  }
0xc1: {  	[dreg:$0x1] =	wrdreg $0xFFFFFFFF  }
0xc2: {  	_ =	task.clear_ibuf [dreg:s7], $0x2FFFF;
	_ =	strace $0x9FFFFFFF  }
0xc3: {  	(tm) =	ssettm $0x7FFFFFFF  }
tec
execute0_lowered:
.L_overlay_start_1:
0x0: {  	(tag) =	ssettag $0x1  }
0x1: {  	s5 =	rddreg [dreg:$0x0]  }
0x2: {  	s2 =	rddreg [dreg:$0x1]  }
0x3: {  	s3 =	rddreg [dreg:$0x2]  }
0x4: {  	s0 =	rddreg [dreg:$0x3]  }
0x5: {  	s1 =	stileid.u32;
	s6 =	srdreg.scid;
	s4 =	simm.s32 $0x0  }
0x6: {  	s17 =	simm.s32 $0x16400;
	s18 =	simm.s32 $0x16480;
	s19 =	simm.s32 $0x16500  }
0x7: {  	s20 =	simm.s32 $0x16580;
	s21 =	simm.s32 $0x1;
	s7 =	smul.u32 $0x13C00, s1  }
0x8: {  	s22 =	simm.s32 $0x50;
	s23 =	simm.s32 $0x2;
	s9 =	smul.u32 $0x4F000, s1  }
0x9: {  	s6 =	sand.u32 $0x1, s6;
	[smem:$0x7FF] =	sst s4;
	s11 =	smul.u32 $0x2710, s1  }
0xa: {  	s13 =	sadd.s32 $0xE000, s5;
	s29 =	sshll.u32 s1, $0x6;
	s8 =	smul.u32 $0x13C000, s6  }
0xb: {  	_ =	strace $0x80000047;
	s10 =	smul.u32 $0x27100, s6;
	s24 =	ssub.s32 $0x2, s6  }
0xc: {  	s6 =	sshrl.u32 s24, $0x1;
	s25 =	sshrl.u32 s9, $0x2;
	s8 =	sadd.s32 s7, s8  }
0xd: {  	s7 =	sshrl.u32 s7, $0x3;
	s11 =	sadd.s32 s11, s10;
	s26 =	ssub.s32 s24, s6  }
0xe: {  	s14 =	sadd.s32 s25, s3;
	s24 =	simm.s32 $0x0;
	s8 =	sshrl.u32 s8, $0x3  }
0xf: {  	s7 =	sadd.s32 s7, s5;
	s28 =	sshrl.u32 s11, $0x3;
	s10 =	smax.u32 s26, $0x1  }
0x10: {  	s30 =	sadd.s32 $0xF0, s11;
	s15 =	sadd.s32 $0xA0, s11;
	s16 =	sadd.s32 $0x50, s11  }
0x11: {  	s14 =	sshrl.u32 s14, $0x3;
	s12 =	sadd.s32 s8, s5;
	s5 =	sadd.s32 $0x17E00, s7  }
0x12: {  	s6 =	sadd.s32 s28, s13;
	s7 =	sor.u32 $0x1C03, s29;
	s15 =	sshrl.u32 s15, $0x3  }
0x13: {  	s31 =	sshrl.u32 s16, $0x3;
	s9 =	sadd.s32 $0x3F600, s12;
	s12 =	sshrl.u32 s30, $0x3  }
0x14: {  	s16 =	simm.s32 $0x13C00;
	s8 =	sadd.s32 $0x4D8, s6;
	s11 =	sadd.s32 s12, s13  }
0x15: {  	s12 =	sadd.s32 s15, s13;
	s13 =	sadd.s32 s31, s13;
	s15 =	simm.s32 $0x3  }
.LBB2_1:
0x16: {  	[spmem:s14], [sflag:s7] =	dma.local [hbm:s5], $0x2780  }
0x17: {  	_ =	swait.ge [sflag:s15], $0x2780  }
0x18: {  	[sflag:s15] =	ssyncset.done $0x0  }
0x19: {  	[sflag:s15] =	ssyncadd.s32 $0xFFFFD880  }
0x1a: {  	[tilespmem:s16], [sflag:$0x3] =	stream.linear.gather [hbm4b:s2+s4], $0x2800, $0x38;
	[tilespmem:$0x16600] =	vst v63  }
0x1b: {  	_ =	swait.ge [sflag:s15], $0x2800  }
0x1c: {  	[sflag:s15] =	ssyncset.done $0x0  }
0x1d: {  	[sflag:s15] =	ssyncadd.s32 $0xFFFFD800  }
0x1e: {  	s25 =	sadd.s32 $0x0, s6;
	[bflag:$0x0] =	sbarrier.arrive $0xFFFF  }
0x1f: {  	[tilespmem:s17], [sflag:$0x1] =	stream.linear.gather [hbm4b:s25+s4], $0x50, $0x38;
	[tilespmem:$0x16600] =	vst v63  }
0x20: {  	s29 =	sadd.s32 $0x0, s13  }
0x21: {  	[tilespmem:s18], [sflag:$0x1] =	stream.linear.gather [hbm4b:s29+s4], $0x50, $0x38;
	[tilespmem:$0x16600] =	vst v63  }
0x22: {  	s30 =	sadd.s32 $0x0, s12  }
0x23: {  	[tilespmem:s19], [sflag:$0x1] =	stream.linear.gather [hbm4b:s30+s4], $0x50, $0x38;
	[tilespmem:$0x16600] =	vst v63  }
0x24: {  	s31 =	sadd.s32 $0x0, s11  }
0x25: {  	[tilespmem:s20], [sflag:$0x1] =	stream.linear.gather [hbm4b:s31+s4], $0x50, $0x38;
	[tilespmem:$0x16600] =	vst v63  }
0x26: {  	_ =	swait.ge [sflag:s21], $0x50  }
0x27: {  	[sflag:s21] =	ssyncset.done $0x0  }
0x28: {  	[sflag:s21] =	ssyncadd.s32 $0xFFFFFFB0  }
0x29: {  	_ =	swait.ge [sflag:s21], $0x50  }
0x2a: {  	[sflag:s21] =	ssyncset.done $0x0  }
0x2b: {  	[sflag:s21] =	ssyncadd.s32 $0xFFFFFFB0  }
0x2c: {  	_ =	swait.ge [sflag:s21], $0x50  }
0x2d: {  	[sflag:s21] =	ssyncset.done $0x0  }
0x2e: {  	[sflag:s21] =	ssyncadd.s32 $0xFFFFFFB0  }
0x2f: {  	_ =	swait.ge [sflag:s21], $0x50  }
0x30: {  	[sflag:s21] =	ssyncset.done $0x0  }
0x31: {  	[sflag:s21] =	ssyncadd.s32 $0xFFFFFFB0  }
0x32: {  	[spmem:s3] =	stream.indirect.scatter.add.f32 [tilespmem:s16], [sflag:$0x2], $0x80, s17, s22, $0xb8;
	[tilespmem:$0x16600] =	vst v63  }
0x33: {  	_ = 	snop  }
0x34: {  	[spmem:s3] =	stream.indirect.scatter.add.f32 [tilespmem:s16], [sflag:$0x2], $0x80, s18, s22, $0xb8;
	[tilespmem:$0x16600] =	vst v63  }
0x35: {  	_ = 	snop  }
0x36: {  	[spmem:s3] =	stream.indirect.scatter.add.f32 [tilespmem:s16], [sflag:$0x2], $0x80, s19, s22, $0xb8;
	[tilespmem:$0x16600] =	vst v63  }
0x37: {  	_ = 	snop  }
0x38: {  	[spmem:s3] =	stream.indirect.scatter.add.f32 [tilespmem:s16], [sflag:$0x2], $0x80, s20, s22, $0xb8;
	[tilespmem:$0x16600] =	vst v63  }
0x39: {  	_ =	swait.ge [sflag:s23], $0x2800  }
0x3a: {  	[sflag:s23] =	ssyncset.done $0x0  }
0x3b: {  	[sflag:s23] =	ssyncadd.s32 $0xFFFFD800  }
0x3c: {  	_ =	swait.ge [sflag:s23], $0x2800  }
0x3d: {  	[sflag:s23] =	ssyncset.done $0x0  }
0x3e: {  	[sflag:s23] =	ssyncadd.s32 $0xFFFFD800  }
0x3f: {  	_ =	swait.ge [sflag:s23], $0x2800  }
0x40: {  	[sflag:s23] =	ssyncset.done $0x0  }
0x41: {  	[sflag:s23] =	ssyncadd.s32 $0xFFFFD800  }
0x42: {  	_ =	swait.ge [sflag:s23], $0x2800  }
0x43: {  	s28 =	simm.s32 $0x50;
	s25 =	simm.s32 $0x28;
	[sflag:s23] =	ssyncset.done $0x0  }
.LBB2_2:
0x44: {  	s29 =	sadd.s32 s25, s6  }
0x45: {  	[sflag:s23] =	ssyncadd.s32 $0xFFFFD800;
	s30 =	smov.u32 s28;
	s26 =	sadd.s32 $0x28, s28  }
0x46: {  	[tilespmem:s17], [sflag:$0x1] =	stream.linear.gather [hbm4b:s29+s4], $0x50, $0x38;
	[tilespmem:$0x16600] =	vst v63  }
0x47: {  	p0 =	sne.s32 s28, $0x4B0;
	s28 =	sadd.s32 s25, s13  }
0x48: {  	[tilespmem:s18], [sflag:$0x1] =	stream.linear.gather [hbm4b:s28+s4], $0x50, $0x38;
	[tilespmem:$0x16600] =	vst v63  }
0x49: {  	s28 =	sadd.s32 s25, s12  }
0x4a: {  	[tilespmem:s19], [sflag:$0x1] =	stream.linear.gather [hbm4b:s28+s4], $0x50, $0x38;
	[tilespmem:$0x16600] =	vst v63  }
0x4b: {  	s28 =	sadd.s32 s25, s11;
	s25 =	smov.u32 s30  }
0x4c: {  	[tilespmem:s20], [sflag:$0x1] =	stream.linear.gather [hbm4b:s28+s4], $0x50, $0x38;
	[tilespmem:$0x16600] =	vst v63  }
0x4d: {  	_ =	swait.ge [sflag:s21], $0x50  }
0x4e: {  	[sflag:s21] =	ssyncset.done $0x0  }
0x4f: {  	[sflag:s21] =	ssyncadd.s32 $0xFFFFFFB0  }
0x50: {  	_ =	swait.ge [sflag:s21], $0x50  }
0x51: {  	[sflag:s21] =	ssyncset.done $0x0  }
0x52: {  	[sflag:s21] =	ssyncadd.s32 $0xFFFFFFB0  }
0x53: {  	_ =	swait.ge [sflag:s21], $0x50  }
0x54: {  	[sflag:s21] =	ssyncset.done $0x0  }
0x55: {  	[sflag:s21] =	ssyncadd.s32 $0xFFFFFFB0  }
0x56: {  	_ =	swait.ge [sflag:s21], $0x50  }
0x57: {  	[sflag:s21] =	ssyncset.done $0x0  }
0x58: {  	[sflag:s21] =	ssyncadd.s32 $0xFFFFFFB0  }
0x59: {  	[spmem:s3] =	stream.indirect.scatter.add.f32 [tilespmem:s16], [sflag:$0x2], $0x80, s17, s22, $0xb8;
	[tilespmem:$0x16600] =	vst v63  }
0x5a: {  	_ = 	snop  }
0x5b: {  	[spmem:s3] =	stream.indirect.scatter.add.f32 [tilespmem:s16], [sflag:$0x2], $0x80, s18, s22, $0xb8;
	[tilespmem:$0x16600] =	vst v63  }
0x5c: {  	_ = 	snop  }
0x5d: {  	[spmem:s3] =	stream.indirect.scatter.add.f32 [tilespmem:s16], [sflag:$0x2], $0x80, s19, s22, $0xb8;
	[tilespmem:$0x16600] =	vst v63  }
0x5e: {  	_ = 	snop  }
0x5f: {  	[spmem:s3] =	stream.indirect.scatter.add.f32 [tilespmem:s16], [sflag:$0x2], $0x80, s20, s22, $0xb8;
	[tilespmem:$0x16600] =	vst v63  }
0x60: {  	_ =	swait.ge [sflag:s23], $0x2800  }
0x61: {  	[sflag:s23] =	ssyncset.done $0x0  }
0x62: {  	[sflag:s23] =	ssyncadd.s32 $0xFFFFD800  }
0x63: {  	_ =	swait.ge [sflag:s23], $0x2800  }
0x64: {  	[sflag:s23] =	ssyncset.done $0x0  }
0x65: {  	[sflag:s23] =	ssyncadd.s32 $0xFFFFD800  }
.Ltmp0:
0x66: {  	_ =	swait.ge [sflag:s23], $0x2800;
	(pc) =	sbr.rel @p0 .LBB2_2-.Ltmp0, $4  }
0x67: {  	[sflag:s23] =	ssyncset.done $0x0  }
0x68: {  	[sflag:s23] =	ssyncadd.s32 $0xFFFFD800  }
0x69: {  	_ =	swait.ge [sflag:s23], $0x2800  }
0x6a: {  	s28 =	smov.u32 s26;
	[sflag:s23] =	ssyncset.done $0x0  }
0x6b: {  	s26 =	sadd.s32 s25, s6;
	[sflag:s23] =	ssyncadd.s32 $0xFFFFD800  }
0x6c: {  	[tilespmem:s17], [sflag:$0x1] =	stream.linear.gather [hbm4b:s26+s4], $0x50, $0x38;
	[tilespmem:$0x16600] =	vst v63  }
0x6d: {  	s29 =	sadd.s32 s25, s13  }
0x6e: {  	[tilespmem:s18], [sflag:$0x1] =	stream.linear.gather [hbm4b:s29+s4], $0x50, $0x38;
	[tilespmem:$0x16600] =	vst v63  }
0x6f: {  	s30 =	sadd.s32 s25, s12  }
0x70: {  	[tilespmem:s19], [sflag:$0x1] =	stream.linear.gather [hbm4b:s30+s4], $0x50, $0x38;
	[tilespmem:$0x16600] =	vst v63  }
0x71: {  	s31 =	sadd.s32 s25, s11  }
0x72: {  	[tilespmem:s20], [sflag:$0x1] =	stream.linear.gather [hbm4b:s31+s4], $0x50, $0x38;
	[tilespmem:$0x16600] =	vst v63  }
0x73: {  	_ =	swait.ge [sflag:s21], $0x50  }
0x74: {  	[sflag:s21] =	ssyncset.done $0x0  }
0x75: {  	[sflag:s21] =	ssyncadd.s32 $0xFFFFFFB0  }
0x76: {  	_ =	swait.ge [sflag:s21], $0x50  }
0x77: {  	[sflag:s21] =	ssyncset.done $0x0  }
0x78: {  	[sflag:s21] =	ssyncadd.s32 $0xFFFFFFB0  }
0x79: {  	_ =	swait.ge [sflag:s21], $0x50  }
0x7a: {  	[sflag:s21] =	ssyncset.done $0x0  }
0x7b: {  	[sflag:s21] =	ssyncadd.s32 $0xFFFFFFB0  }
0x7c: {  	_ =	swait.ge [sflag:s21], $0x50  }
0x7d: {  	[sflag:s21] =	ssyncset.done $0x0  }
0x7e: {  	[sflag:s21] =	ssyncadd.s32 $0xFFFFFFB0  }
0x7f: {  	[spmem:s3] =	stream.indirect.scatter.add.f32 [tilespmem:s16], [sflag:$0x2], $0x80, s17, s22, $0xb8;
	[tilespmem:$0x16600] =	vst v63  }
0x80: {  	_ = 	snop  }
0x81: {  	[spmem:s3] =	stream.indirect.scatter.add.f32 [tilespmem:s16], [sflag:$0x2], $0x80, s18, s22, $0xb8;
	[tilespmem:$0x16600] =	vst v63  }
0x82: {  	_ = 	snop  }
0x83: {  	[spmem:s3] =	stream.indirect.scatter.add.f32 [tilespmem:s16], [sflag:$0x2], $0x80, s19, s22, $0xb8;
	[tilespmem:$0x16600] =	vst v63  }
0x84: {  	_ = 	snop  }
0x85: {  	[spmem:s3] =	stream.indirect.scatter.add.f32 [tilespmem:s16], [sflag:$0x2], $0x80, s20, s22, $0xb8;
	[tilespmem:$0x16600] =	vst v63  }
0x86: {  	_ =	swait.ge [sflag:s23], $0x2800  }
0x87: {  	[sflag:s23] =	ssyncset.done $0x0  }
0x88: {  	[sflag:s23] =	ssyncadd.s32 $0xFFFFD800  }
0x89: {  	_ =	swait.ge [sflag:s23], $0x2800  }
0x8a: {  	[sflag:s23] =	ssyncset.done $0x0  }
0x8b: {  	[sflag:s23] =	ssyncadd.s32 $0xFFFFD800  }
0x8c: {  	_ =	swait.ge [sflag:s23], $0x2800  }
0x8d: {  	[sflag:s23] =	ssyncset.done $0x0  }
0x8e: {  	[sflag:s23] =	ssyncadd.s32 $0xFFFFD800  }
0x8f: {  	_ =	swait.ge [sflag:s23], $0x2800  }
0x90: {  	[sflag:s23] =	ssyncset.done $0x0  }
0x91: {  	[sflag:s23] =	ssyncadd.s32 $0xFFFFD800  }
0x92: {  	[tilespmem:s17], [sflag:$0x3] =	stream.linear.gather [hbm4b:s8+s4], $0x50, $0x38;
	[tilespmem:$0x16600] =	vst v63  }
0x93: {  	_ =	swait.ge [sflag:s15], $0x50  }
0x94: {  	[sflag:s15] =	ssyncset.done $0x0  }
0x95: {  	[sflag:s15] =	ssyncadd.s32 $0xFFFFFFB0  }
0x96: {  	[spmem:s3] =	stream.indirect.scatter.add.f32 [tilespmem:s16], [sflag:$0x3], $0x80, s17, s22, $0xb8;
	[tilespmem:$0x16600] =	vst v63  }
0x97: {  	_ =	swait.ge [sflag:s15], $0x2800  }
0x98: {  	s24 =	sadd.s32 $0x1, s24;
	[sflag:s15] =	ssyncset.done $0x0  }
0x99: {  	p0 =	sne.s32 s24, s10;
	[sflag:s15] =	ssyncadd.s32 $0xFFFFD800  }
.Ltmp1:
0x9a: {  	[bflag:$0x0] =	sbarrier.arrive $0xFFFF;
	(pc) =	sbr.rel @p0 .LBB2_1-.Ltmp1, $4  }
0x9b: {  	[hbm:s9], [sflag:s7] =	dma.local [spmem:s14], $0x2780  }
0x9c: {  	_ =	swait.ge [sflag:s15], $0x2780  }
0x9d: {  	[sflag:s15] =	ssyncset.done $0x0  }
0x9e: {  	[sflag:s15] =	ssyncadd.s32 $0xFFFFD880  }
0x9f: {  	_ =	sfence.sel $0x180000  }
0xa0: {  	[bflag:$0x0] =	sbarrier.arrive $0xFFFF  }
0xa1: {  	p0 =	sne.s32 s1, $0x0;
	_ =	strace $0x90000047  }
0xa2: {  	s0 =	sadd.s32 @!p0 $0x100000, s0;
	[bflag:$0x2] =	sbarrier.arrive $0xFFFF  }
0xa3: {  	[sflag:s0] =	ssyncadd.tile.s32 @!p0 $0x1;
	_ =	shalt  }
.Lfunc_end2:
_tile_overlayer_lowered:
.L_overlay_start_2:
0xa4: {  	(tag) =	ssettag $0x2  }
0xa5: {  	s0 =	rddreg [dreg:$0x0];
	s2 =	stileid.u32  }
0xa6: {  	s1 =	rddreg [dreg:$0x1];
	p0 =	sne.s32 s2, $0x0  }
0xa7: {  	s3 =	rddreg [dreg:$0x2];
	[bflag:$0x3] =	sbarrier.arrive $0xFFFF;
	s2 =	simm.s32 @!p0 $0x1C03  }
0xa8: {  	[timem:s3], [sflag:s2] =	dma.local @!p0 [hbm:s0], s1  }
0xa9: {  	s0 =	simm.s32 @!p0 $0x3  }
0xaa: {  	_ =	swait.ge @!p0 [sflag:s0], s1  }
0xab: {  	s1 =	ssub.s32 @!p0 $0x0, s1;
	[sflag:s0] =	ssyncset.done @!p0 $0x0  }
0xac: {  	[sflag:s0] =	ssyncadd.s32 @!p0 s1  }
0xad: {  	[bflag:$0x3] =	sbarrier.arrive $0xFFFF  }
0xae: {  	_ =	shalt  }

// kernel: kernel.13.cloned.1.call-start
scs
__scs_entry_jumppad:
0x0: {  	(pc) =	sbr.rel $0x88, $3  }
0x1: {  	(tag) =	ssettag $0x0;
	lr =	simm.s32 $0x1  }
0x2: {  	[smem:$0x3F95] =	sst lr;
	_ =	strace $0xD0000000  }
0x3: {  	_ = 	snop  }
0x4: {  	_ = 	snop  }
0x5: {  	_ = 	snop  }
0x6: {  	_ = 	snop  }
0x7: {  	_ = 	snop  }
__scs_overlays_trampoline_lowered:
0x8: {  	[smem:$0x3FA4] =	sst s0  }
0x9: {  	[smem:$0x3FA5] =	sst s1  }
0xa: {  	[smem:$0x3FA6] =	sst s2  }
0xb: {  	[smem:$0x3FA7] =	sst s3  }
0xc: {  	[smem:$0x3FA8] =	sst s4  }
0xd: {  	[smem:$0x3FA9] =	sst s5  }
0xe: {  	[smem:$0x3FAA] =	sst s6  }
0xf: {  	[smem:$0x3FAB] =	sst s7  }
0x10: {  	[smem:$0x3FAC] =	sst s8  }
0x11: {  	[smem:$0x3FAD] =	sst s9;
	s0 =	simm.s32 @!p0 $0x0  }
0x12: {  	s1 =	sld [smem:$0x3F93];
	s0 =	simm.s32 @p0 $0x1  }
0x13: {  	[smem:$0x3FAE] =	sst s0;
	s0 =	simm.s32 @!p1 $0x0  }
0x14: {  	s2 =	sld [smem:$0x3F92];
	s0 =	simm.s32 @p1 $0x1  }
0x15: {  	[smem:$0x3FAF] =	sst s0;
	s0 =	simm.s32 @!p2 $0x0  }
0x16: {  	s3 =	sld [smem:$0x3FDB];
	s0 =	simm.s32 @p2 $0x1  }
0x17: {  	s4 =	simm.s32 $0x1BF5;
	[smem:$0x3FB1] =	sst s0  }
0x18: {  	s0 =	sld [smem:$0x3F94];
	_ =	swait.ge [sflag:s4], $0x0  }
0x19: {  	s7 =	sld [smem:$0x3F95]  }
0x1a: {  	s8 =	sadd.s32 $0xFFFFE003, lr  }
0x1b: {  	s9 =	sadd.s32 $0xFFFFFEF7, lr;
	s5 =	simm.s32 $0xFFFFFFFF;
	p2 =	slt.u32 s8, $0xFFFFF086  }
0x1c: {  	p1 =	slt.u32 s9, $0xF7A;
	s5 =	simm.s32 @!p2 $0x0  }
0x1d: {  	s5 =	simm.s32 @p1 $0x1;
	p0 =	seq.s32 s7, s2  }
0x1e: {  	s7 =	smul.u32 @!p0 $0xF7A, s2;
	p2 =	seq.s32 @!p0 s5, $0x0  }
0x1f: {  	s9 =	smul.u32 $0xF7A, s1;
	s8 =	simm.s32 @!p0 $0x1BF5;
	p2 =	por !p2, p0  }
0x20: {  	[sflag:s8] =	ssyncset.s32 @!p0 $0xFFFFF086;
	s6 =	sadd.s32 @!p0 s3, s7;
	s7 =	simm.s32 @!p0 $0x108  }
0x21: {  	s3 =	sadd.s32 s3, s9;
	s6 =	sadd.s32 @!p0 $0x88, s6;
	s7 =	simm.s32 @p2 $0x1082  }
0x22: {  	[simem:s7], [sflag:s8] =	dma.local @!p0 [hbm:s6], $0xF7A  }
0x23: {  	s9 =	sor.u32 $0xD0000000, s2;
	s6 =	simm.s32 $0x108;
	_ =	swait.ge @!p0 [sflag:s8], $0x0  }
0x24: {  	s3 =	sadd.s32 $0x88, s3;
	s6 =	simm.s32 @!p1 $0x1082;
	[sflag:s4] =	ssyncset.s32 $0xFFFFF086  }
0x25: {  	[simem:s6], [sflag:s4] =	dma.local [hbm:s3], $0xF7A  }
0x26: {  	[smem:$0x3F95] =	sst s1;
	(tag) =	ssettag s2;
	_ =	strace s9  }
0x27: {  	s1 =	sld [smem:$0x3FA5]  }
0x28: {  	s2 =	sld [smem:$0x3FA6]  }
0x29: {  	s4 =	sld [smem:$0x3FA8]  }
0x2a: {  	p0 =	seq.s32 s5, $0x0;
	s5 =	sld [smem:$0x3FA9]  }
0x2b: {  	s6 =	sld [smem:$0x3FAA]  }
0x2c: {  	s7 =	sld [smem:$0x3FAB]  }
0x2d: {  	s3 =	simm.s32 $0x108;
	s8 =	sld [smem:$0x3FAC]  }
0x2e: {  	s3 =	simm.s32 @!p0 $0x1082;
	s9 =	sld [smem:$0x3FAD]  }
0x2f: {  	lr =	sadd.s32 s0, s3;
	s0 =	sld [smem:$0x3FA4]  }
0x30: {  	s3 =	sld [smem:$0x3FA7]  }
0x31: {  	[smem:$0x3FB0] =	sst s10  }
0x32: {  	s10 =	sld [smem:$0x3FAE];
	_ =	sdelay $0x3  }
0x33: {  	p0 =	seq.s32 s10, $0x1;
	s10 =	sld [smem:$0x3FB0];
	_ =	sdelay $0x3  }
0x34: {  	[smem:$0x3FB0] =	sst s10  }
0x35: {  	s10 =	sld [smem:$0x3FAF];
	_ =	sdelay $0x3  }
0x36: {  	p1 =	seq.s32 s10, $0x1;
	s10 =	sld [smem:$0x3FB0];
	_ =	sdelay $0x3  }
0x37: {  	[smem:$0x3FB0] =	sst s10  }
0x38: {  	s10 =	sld [smem:$0x3FB1]  }
0x39: {  	_ = 	snop;
	(pc) =	sbr.ind lr, $3  }
0x3a: {  	_ = 	snop  }
0x3b: {  	_ = 	snop  }
0x3c: {  	p2 =	seq.s32 s10, $0x1;
	s10 =	sld [smem:$0x3FB0]  }
0x3d: {  	_ =	shalt  }
0x3e: {  	_ =	shalt  }
0x3f: {  	_ =	shalt  }
0x40: {  	_ =	shalt  }
0x41: {  	_ =	shalt  }
0x42: {  	_ =	shalt  }
0x43: {  	_ =	shalt  }
0x44: {  	_ =	shalt  }
0x45: {  	_ =	shalt  }
0x46: {  	_ =	shalt  }
0x47: {  	_ =	shalt  }
0x48: {  	_ =	shalt  }
0x49: {  	_ =	shalt  }
0x4a: {  	_ =	shalt  }
0x4b: {  	_ =	shalt  }
0x4c: {  	_ =	shalt  }
0x4d: {  	_ =	shalt  }
0x4e: {  	_ =	shalt  }
0x4f: {  	_ =	shalt  }
0x50: {  	_ =	shalt  }
0x51: {  	_ =	shalt  }
0x52: {  	_ =	shalt  }
0x53: {  	_ =	shalt  }
0x54: {  	_ =	shalt  }
0x55: {  	_ =	shalt  }
0x56: {  	_ =	shalt  }
0x57: {  	_ =	shalt  }
0x58: {  	_ =	shalt  }
0x59: {  	_ =	shalt  }
0x5a: {  	_ =	shalt  }
0x5b: {  	_ =	shalt  }
0x5c: {  	_ =	shalt  }
0x5d: {  	_ =	shalt  }
0x5e: {  	_ =	shalt  }
0x5f: {  	_ =	shalt  }
0x60: {  	_ =	shalt  }
0x61: {  	_ =	shalt  }
0x62: {  	_ =	shalt  }
0x63: {  	_ =	shalt  }
0x64: {  	_ =	shalt  }
0x65: {  	_ =	shalt  }
0x66: {  	_ =	shalt  }
0x67: {  	_ =	shalt  }
0x68: {  	_ =	shalt  }
0x69: {  	_ =	shalt  }
0x6a: {  	_ =	shalt  }
0x6b: {  	_ =	shalt  }
0x6c: {  	_ =	shalt  }
0x6d: {  	_ =	shalt  }
0x6e: {  	_ =	shalt  }
0x6f: {  	_ =	shalt  }
0x70: {  	_ =	shalt  }
0x71: {  	_ =	shalt  }
0x72: {  	_ =	shalt  }
0x73: {  	_ =	shalt  }
0x74: {  	_ =	shalt  }
0x75: {  	_ =	shalt  }
0x76: {  	_ =	shalt  }
0x77: {  	_ =	shalt  }
0x78: {  	_ =	shalt  }
0x79: {  	_ =	shalt  }
0x7a: {  	_ =	shalt  }
0x7b: {  	_ =	shalt  }
0x7c: {  	_ =	shalt  }
0x7d: {  	_ =	shalt  }
0x7e: {  	_ =	shalt  }
0x7f: {  	_ =	shalt  }
0x80: {  	_ =	shalt  }
0x81: {  	_ =	shalt  }
0x82: {  	_ =	shalt  }
0x83: {  	_ =	shalt  }
0x84: {  	_ =	shalt  }
0x85: {  	_ =	shalt  }
0x86: {  	_ =	shalt  }
0x87: {  	_ =	shalt  }
.Lfunc_end0:
.L_simem_size_0:
called_computation.1_lowered:
.L_overlay_start_0:
0x88: {  	s2 =	sld [smem:$0x3FD9]  }
0x89: {  	s3 =	sld [smem:$0x3FFE];
	_ =	sdelay $0x1  }
0x8a: {  	s1 =	srdreg.scid  }
0x8b: {  	s0 =	sand.u32 $0x1, s1  }
0x8c: {  	s17 =	sshll.u32 s0, $0xA;
	s2 =	sadd.s32 s3, s2  }
0x8d: {  	s2 =	sadd.s32 s2, s17  }
0x8e: {  	[smem:$0x3FBC] =	sst s2  }
0x8f: {  	_ = 	snop  }
0x90: {  	s2 =	sld [smem:$0x3FD0];
	(tm) =	ssettm $0x1  }
0x91: {  	s18 =	sld [smem:$0x3FFB];
	_ =	sdelay $0x3  }
0x92: {  	_ =	strace s18  }
0x93: {  	s3 =	sld [smem:$0x3FFC];
	_ =	sdelay $0x3  }
0x94: {  	_ =	strace s3  }
0x95: {  	s3 =	sld [smem:$0x3FFD];
	_ =	sdelay $0x3  }
0x96: {  	_ =	strace s3  }
0x97: {  	_ =	strace $0x8FFFFFFF  }
0x98: {  	s19 =	sld [smem:$0x3FDB];
	_ =	sdelay $0x1  }
0x99: {  	s4 =	simm.s32 $_scs_section_size  }
0x9a: {  	s5 =	simm.s32 $_size__tile_overlayer_lowered;
	s6 =	simm.s32 $_tile_overlayer_lowered  }
0x9b: {  	s22 =	simm.s32 $0x1BFF;
	s21 =	sshll.u32 s6, $0x1;
	s3 =	sadd.s32 s4, s19  }
0x9c: {  	s7 =	simm.s32 $0x0;
	s20 =	sshll.u32 s5, $0x1;
	s5 =	sadd.s32 s21, s3  }
0x9d: {  	[timem:s7], [sflag:s22] =	dma.local [hbm:s5], s20  }
0x9e: {  	_ =	swait.ge [sflag:s22], s20  }
0x9f: {  	s4 =	ssub.s32 $0x0, s20;
	[sflag:s22] =	ssyncset.done $0x0  }
0xa0: {  	[sflag:s22] =	ssyncadd.s32 s4;
	_ =	sdelay $0x1  }
0xa1: {  	s23 =	simm.s32 $0x1B8B  }
0xa2: {  	_ =	swait.ge [sflag:s23], $0x1  }
0xa3: {  	[sflag:s23] =	ssyncset.done $0x0  }
0xa4: {  	s25 =	simm.s32 $0x1B8E;
	s24 =	sld [smem:$0x3FFE];
	[sflag:s23] =	ssyncadd.s32 $0xFFFFFFFF  }
0xa5: {  	s26 =	simm.s32 $execute0_lowered;
	[smem:$0x3FD2] =	sst s25  }
0xa6: {  	s5 =	sshll.u32 s26, $0x1;
	_ =	strace $0x80000049;
	[dreg:$0x1] =	wrdreg $0xFFFFFFFF  }
0xa7: {  	s28 =	simm.s32 $_size_execute0_lowered;
	s3 =	sadd.s32 s3, s5;
	[dreg:$0x0] =	wrdreg $0x0  }
0xa8: {  	s5 =	sshll.u32 s28, $0x1;
	[dreg:$0x2] =	wrdreg s3  }
0xa9: {  	[dreg:$0x3] =	wrdreg s5  }
0xaa: {  	[dreg:$0x4] =	wrdreg $0xC0  }
0xab: {  	_ =	task [dreg:s7], $0x5FFFF  }
0xac: {  	[dreg:$0x1] =	wrdreg $0xFFFFFFFF  }
0xad: {  	[dreg:$0x0] =	wrdreg $0x60  }
0xae: {  	[dreg:$0x2] =	wrdreg s2  }
0xaf: {  	[dreg:$0x3] =	wrdreg s24  }
0xb0: {  	[dreg:$0x4] =	wrdreg $0x0  }
0xb1: {  	[dreg:$0x5] =	wrdreg $0x9  }
0xb2: {  	_ =	task.clear_ibuf [dreg:s7], $0x6FFFF;
	_ =	strace $0x90000049  }
0xb3: {  	s29 =	simm.s32 $0x9;
	_ =	strace $0x8000004B  }
0xb4: {  	_ =	swait.ge [sflag:s29], $0x1  }
0xb5: {  	[sflag:s29] =	ssyncadd.s32 $0xFFFFFFFF  }
0xb6: {  	_ =	strace $0x9000004B  }
0xb7: {  	_ =	sfence  }
0xb8: {  	s30 =	sld [smem:$0x0];
	_ =	sdelay $0x2  }
0xb9: {  	s31 =	sshll.u32 s1, $0xD;
	s1 =	sshrl.u32 s1, $0x2  }
0xba: {  	s3 =	sand.u32 $0x4000, s31;
	s1 =	sadd.s32 s1, s30  }
0xbb: {  	s0 =	sor.u32 s3, s0;
	s1 =	sshll.u32 s1, $0x11  }
0xbc: {  	s0 =	sor.u32 s1, s0  }
0xbd: {  	s0 =	sadd.s32 $0x8F2B, s0  }
0xbe: {  	[sflag:s0] =	ssyncadd.remote.s32 $0x1  }
0xbf: {  	_ =	sfence.sel $0xFFFF  }
0xc0: {  	[dreg:$0x0] =	wrdreg $0xFFFFFFFF;
	(pc) =	sbr.abs _section_cstart, $3  }
0xc1: {  	[dreg:$0x1] =	wrdreg $0xFFFFFFFF  }
0xc2: {  	_ =	task.clear_ibuf [dreg:s7], $0x2FFFF;
	_ =	strace $0x9FFFFFFF  }
0xc3: {  	(tm) =	ssettm $0x7FFFFFFF  }
tec
execute0_lowered:
.L_overlay_start_1:
0x0: {  	(tag) =	ssettag $0x1  }
0x1: {  	s1 =	rddreg [dreg:$0x0]  }
0x2: {  	s0 =	rddreg [dreg:$0x1]  }
0x3: {  	s3 =	rddreg [dreg:$0x2];
	s4 =	simm.s32 $0x0  }
0x4: {  	s12 =	stileid.u32;
	s2 =	srdreg.scid;
	s28 =	simm.s32 $0x13D80  }
0x5: {  	s31 =	simm.s32 $0x1;
	s30 =	simm.s32 $0x13D80;
	s7 =	smul.u32 $0x13C00, s12  }
0x6: {  	s29 =	simm.s32 $0x13D00;
	[smem:$0x7FF] =	sst s4;
	s9 =	smul.u32 $0x4F000, s12  }
0x7: {  	s2 =	sand.u32 $0x1, s2;
	s5 =	sadd.s32 $0x4200, s0;
	s11 =	smul.u32 $0x2710, s12  }
0x8: {  	s6 =	sadd.s32 $0xE000, s0;
	s25 =	sshll.u32 s12, $0x6;
	s8 =	smul.u32 $0x13C000, s2  }
0x9: {  	_ =	strace $0x8000004A;
	s22 =	smul.u32 $0x27100, s2;
	s2 =	ssub.s32 $0x2, s2  }
0xa: {  	s18 =	sor.u32 $0x1C09, s25;
	s10 =	sshrl.u32 s7, $0x3;
	s23 =	sshrl.u32 s2, $0x1  }
0xb: {  	s24 =	sshrl.u32 s9, $0x2;
	[dreg:$0x9] =	wrdreg s18;
	s7 =	sadd.s32 s7, s8  }
0xc: {  	s10 =	sadd.s32 s10, s0;
	s2 =	ssub.s32 s2, s23;
	s8 =	sadd.s32 s11, s22  }
0xd: {  	s11 =	simm.s32 $0x3;
	s7 =	sshrl.u32 s7, $0x3;
	s10 =	sadd.s32 $0x17E00, s10  }
0xe: {  	s26 =	sshrl.u32 s8, $0x3;
	s21 =	sadd.s32 $0x190, s8;
	[dreg:$0x8] =	wrdreg s10  }
0xf: {  	s23 =	sadd.s32 $0x1E0, s8;
	s25 =	smax.u32 s2, $0x1;
	[dreg:$0x4] =	wrdreg s21  }
0x10: {  	s2 =	simm.s32 $0x13F80;
	s0 =	sadd.s32 s7, s0;
	[dreg:$0x5] =	wrdreg s23  }
0x11: {  	s7 =	sadd.s32 s24, s3;
	s12 =	sadd.s32 s5, s26;
	[dreg:$0x13] =	wrdreg s25  }
0x12: {  	s13 =	sadd.s32 s6, s26;
	s14 =	sadd.s32 $0xA, s26;
	[dreg:$0x7] =	wrdreg s7  }
0x13: {  	s15 =	sadd.s32 $0x14, s26;
	s20 =	sadd.s32 $0x1E, s26;
	[dreg:$0xa] =	wrdreg s12  }
0x14: {  	s24 =	sadd.s32 $0x230, s8;
	s26 =	sadd.s32 $0x140, s8;
	[dreg:$0xb] =	wrdreg s13  }
0x15: {  	s21 =	simm.s32 $0x9;
	s25 =	simm.s32 $0x13D00;
	[dreg:$0x6] =	wrdreg s24  }
0x16: {  	s10 =	simm.s32 $0x19000;
	s16 =	sadd.s32 s5, s14;
	[dreg:$0x14] =	wrdreg s26  }
0x17: {  	s8 =	simm.s32 $0x0;
	s7 =	sadd.s32 s6, s14;
	[dreg:$0xc] =	wrdreg s16  }
0x18: {  	s17 =	sadd.s32 s5, s15;
	s19 =	sadd.s32 s6, s15;
	[dreg:$0xd] =	wrdreg s7  }
0x19: {  	s22 =	sadd.s32 s5, s20;
	s0 =	sadd.s32 $0x66800, s0;
	[dreg:$0xe] =	wrdreg s17  }
0x1a: {  	s24 =	simm.s32 $0x13E80;
	s26 =	simm.s32 $0x13F00;
	[dreg:$0xf] =	wrdreg s19  }
0x1b: {  	s13 =	simm.s32 $0x6;
	s14 =	simm.s32 $0x4;
	[dreg:$0x10] =	wrdreg s22  }
0x1c: {  	s15 =	simm.s32 $0x1B800;
	s7 =	sadd.s32 s6, s20;
	[dreg:$0x12] =	wrdreg s0  }
0x1d: {  	s20 =	simm.s32 $0x13C00;
	s0 =	simm.s32 $0x50;
	s16 =	simm.s32 $0x7  }
0x1e: {  	s17 =	simm.s32 $0x8;
	[dreg:$0x11] =	wrdreg s7;
	s7 =	simm.s32 $0x2  }
.LBB2_1:
0x1f: {  	[dreg:$0x15] =	wrdreg s8  }
0x20: {  	s9 =	rddreg [dreg:$0x7]  }
0x21: {  	s19 =	rddreg [dreg:$0x8];
	s12 =	sshrl.u32 s9, $0x3  }
0x22: {  	[dreg:$0x16] =	wrdreg s12  }
0x23: {  	[spmem:s12], [sflag:s18] =	dma.local [hbm:s19], $0x2780  }
0x24: {  	_ =	swait.ge [sflag:s21], $0x2780  }
0x25: {  	[sflag:s21] =	ssyncset.done $0x0  }
0x26: {  	[sflag:s21] =	ssyncadd.s32 $0xFFFFD880  }
0x27: {  	[bflag:$0x0] =	sbarrier.arrive $0xFFFF  }
0x28: {  	s22 =	rddreg [dreg:$0xa]  }
0x29: {  	[tilespmem:s20], [sflag:$0x1] =	stream.linear.gather [hbm4b:s22+s4], $0x50, $0x38;
	[tilespmem:$0x1E000] =	vst v63  }
0x2a: {  	s23 =	rddreg [dreg:$0xb];
	s22 =	simm.s32 $0x13E00  }
0x2b: {  	[tilespmem:s22], [sflag:$0x1] =	stream.linear.gather [hbm4b:s23+s4], $0x50, $0x38;
	[tilespmem:$0x1E000] =	vst v63  }
0x2c: {  	s8 =	rddreg [dreg:$0xc];
	s23 =	simm.s32 $0x13C80  }
0x2d: {  	[tilespmem:s23], [sflag:$0x2] =	stream.linear.gather [hbm4b:s8+s4], $0x50, $0x38;
	[tilespmem:$0x1E000] =	vst v63  }
0x2e: {  	s12 =	rddreg [dreg:$0xd]  }
0x2f: {  	[tilespmem:s24], [sflag:$0x2] =	stream.linear.gather [hbm4b:s12+s4], $0x50, $0x38;
	[tilespmem:$0x1E000] =	vst v63  }
0x30: {  	s18 =	rddreg [dreg:$0xe]  }
0x31: {  	[tilespmem:s25], [sflag:$0x3] =	stream.linear.gather [hbm4b:s18+s4], $0x50, $0x38;
	[tilespmem:$0x1E000] =	vst v63  }
0x32: {  	s19 =	rddreg [dreg:$0xf]  }
0x33: {  	[tilespmem:s26], [sflag:$0x3] =	stream.linear.gather [hbm4b:s19+s4], $0x50, $0x38;
	[tilespmem:$0x1E000] =	vst v63  }
0x34: {  	s8 =	rddreg [dreg:$0x10]  }
0x35: {  	[tilespmem:s28], [sflag:$0x4] =	stream.linear.gather [hbm4b:s8+s4], $0x50, $0x38;
	[tilespmem:$0x1E000] =	vst v63  }
0x36: {  	s12 =	rddreg [dreg:$0x11]  }
0x37: {  	[tilespmem:s2], [sflag:$0x4] =	stream.linear.gather [hbm4b:s12+s4], $0x50, $0x38;
	[tilespmem:$0x1E000] =	vst v63  }
0x38: {  	_ =	swait.ge [sflag:s31], $0x50  }
0x39: {  	[sflag:s31] =	ssyncset.done $0x0  }
0x3a: {  	[sflag:s31] =	ssyncadd.s32 $0xFFFFFFB0  }
0x3b: {  	_ =	swait.ge [sflag:s31], $0x50  }
0x3c: {  	[sflag:s31] =	ssyncset.done $0x0  }
0x3d: {  	s8 =	simm.s32 $0x14000;
	[sflag:s31] =	ssyncadd.s32 $0xFFFFFFB0  }
0x3e: {  	[tilespmem:s8], [sflag:$0x5] =	stream.indirect.gather [hbm4b:s1+s0], $0x80, s20, s0, $0xb8;
	[tilespmem:$0x1E000] =	vst v63  }
0x3f: {  	_ =	swait.ge [sflag:s7], $0x50  }
0x40: {  	[sflag:s7] =	ssyncset.done $0x0  }
0x41: {  	[sflag:s7] =	ssyncadd.s32 $0xFFFFFFB0  }
0x42: {  	_ =	swait.ge [sflag:s7], $0x50  }
0x43: {  	[sflag:s7] =	ssyncset.done $0x0  }
0x44: {  	s18 =	simm.s32 $0x5;
	s12 =	simm.s32 $0x16800;
	[sflag:s7] =	ssyncadd.s32 $0xFFFFFFB0  }
0x45: {  	[tilespmem:s12], [sflag:$0x6] =	stream.indirect.gather [hbm4b:s1+s0], $0x80, s23, s0, $0xb8;
	[tilespmem:$0x1E000] =	vst v63  }
0x46: {  	_ =	swait.ge [sflag:s18], $0x2800  }
0x47: {  	[sflag:s18] =	ssyncset.done $0x0  }
0x48: {  	[sflag:s18] =	ssyncadd.s32 $0xFFFFD800  }
0x49: {  	[spmem:s3] =	stream.indirect.scatter.add.f32 [tilespmem:s8], [sflag:$0x9], $0x80, s22, s0, $0xb8;
	[tilespmem:$0x1E000] =	vst v63  }
0x4a: {  	_ =	swait.ge [sflag:s21], $0x2800  }
0x4b: {  	s18 =	rddreg [dreg:$0x14]  }
0x4c: {  	[sflag:s21] =	ssyncset.done $0x0;
	s9 =	sshrl.u32 s18, $0x3  }
0x4d: {  	[sflag:s21] =	ssyncadd.s32 $0xFFFFD800;
	s19 =	sadd.s32 s5, s9  }
0x4e: {  	[tilespmem:s20], [sflag:$0x1] =	stream.linear.gather [hbm4b:s19+s4], $0x50, $0x38;
	[tilespmem:$0x1E000] =	vst v63  }
0x4f: {  	s9 =	sadd.s32 s6, s9  }
0x50: {  	[tilespmem:s22], [sflag:$0x1] =	stream.linear.gather [hbm4b:s9+s4], $0x50, $0x38;
	[tilespmem:$0x1E000] =	vst v63  }
0x51: {  	_ =	swait.ge [sflag:s11], $0x50  }
0x52: {  	[sflag:s11] =	ssyncset.done $0x0  }
0x53: {  	[sflag:s11] =	ssyncadd.s32 $0xFFFFFFB0  }
0x54: {  	_ =	swait.ge [sflag:s11], $0x50  }
0x55: {  	[sflag:s11] =	ssyncset.done $0x0  }
0x56: {  	[sflag:s11] =	ssyncadd.s32 $0xFFFFFFB0  }
0x57: {  	[tilespmem:s10], [sflag:$0x7] =	stream.indirect.gather [hbm4b:s1+s0], $0x80, s25, s0, $0xb8;
	[tilespmem:$0x1E000] =	vst v63  }
0x58: {  	_ =	swait.ge [sflag:s13], $0x2800  }
0x59: {  	[sflag:s13] =	ssyncset.done $0x0  }
0x5a: {  	s19 =	smin.u32 s4, $0x77;
	[sflag:s13] =	ssyncadd.s32 $0xFFFFD800  }
0x5b: {  	[spmem:s3] =	stream.indirect.scatter.add.f32 [tilespmem:s12], [sflag:$0x9], $0x80, s24, s0, $0xb8;
	[tilespmem:$0x1E000] =	vst v63  }
0x5c: {  	s9 =	smul.u32 $0x50, s19;
	_ =	swait.ge [sflag:s21], $0x2800  }
0x5d: {  	s22 =	rddreg [dreg:$0x4]  }
0x5e: {  	s9 =	sadd.s32 s9, s22  }
0x5f: {  	[sflag:s21] =	ssyncset.done $0x0;
	s9 =	sshrl.u32 s9, $0x3  }
0x60: {  	[sflag:s21] =	ssyncadd.s32 $0xFFFFD800;
	s12 =	sadd.s32 s5, s9  }
0x61: {  	[tilespmem:s23], [sflag:$0x2] =	stream.linear.gather [hbm4b:s12+s4], $0x50, $0x38;
	[tilespmem:$0x1E000] =	vst v63  }
0x62: {  	s9 =	sadd.s32 s6, s9  }
0x63: {  	[tilespmem:s24], [sflag:$0x2] =	stream.linear.gather [hbm4b:s9+s4], $0x50, $0x38;
	[tilespmem:$0x1E000] =	vst v63  }
0x64: {  	_ =	swait.ge [sflag:s14], $0x50  }
0x65: {  	[sflag:s14] =	ssyncset.done $0x0  }
0x66: {  	[sflag:s14] =	ssyncadd.s32 $0xFFFFFFB0  }
0x67: {  	_ =	swait.ge [sflag:s14], $0x50  }
0x68: {  	[sflag:s14] =	ssyncset.done $0x0  }
0x69: {  	[sflag:s14] =	ssyncadd.s32 $0xFFFFFFB0  }
0x6a: {  	[tilespmem:s15], [sflag:$0x8] =	stream.indirect.gather [hbm4b:s1+s0], $0x80, s28, s0, $0xb8;
	[tilespmem:$0x1E000] =	vst v63  }
0x6b: {  	_ =	swait.ge [sflag:s16], $0x2800  }
0x6c: {  	[sflag:s16] =	ssyncset.done $0x0  }
0x6d: {  	s19 =	smin.u32 s4, $0x76;
	[sflag:s16] =	ssyncadd.s32 $0xFFFFD800  }
0x6e: {  	[spmem:s3] =	stream.indirect.scatter.add.f32 [tilespmem:s10], [sflag:$0x9], $0x80, s26, s0, $0xb8;
	[tilespmem:$0x1E000] =	vst v63  }
0x6f: {  	s9 =	smul.u32 $0x50, s19;
	_ =	swait.ge [sflag:s21], $0x2800  }
0x70: {  	s22 =	rddreg [dreg:$0x5]  }
0x71: {  	s9 =	sadd.s32 s9, s22  }
0x72: {  	[sflag:s21] =	ssyncset.done $0x0;
	s9 =	sshrl.u32 s9, $0x3  }
0x73: {  	[sflag:s21] =	ssyncadd.s32 $0xFFFFD800;
	s23 =	sadd.s32 s5, s9  }
0x74: {  	[tilespmem:s25], [sflag:$0x3] =	stream.linear.gather [hbm4b:s23+s4], $0x50, $0x38;
	[tilespmem:$0x1E000] =	vst v63  }
0x75: {  	s9 =	sadd.s32 s6, s9  }
0x76: {  	[tilespmem:s26], [sflag:$0x3] =	stream.linear.gather [hbm4b:s9+s4], $0x50, $0x38;
	[tilespmem:$0x1E000] =	vst v63  }
0x77: {  	_ =	swait.ge [sflag:s31], $0x50  }
0x78: {  	[sflag:s31] =	ssyncset.done $0x0  }
0x79: {  	[sflag:s31] =	ssyncadd.s32 $0xFFFFFFB0  }
0x7a: {  	_ =	swait.ge [sflag:s31], $0x50  }
0x7b: {  	[sflag:s31] =	ssyncset.done $0x0  }
0x7c: {  	[sflag:s31] =	ssyncadd.s32 $0xFFFFFFB0  }
0x7d: {  	[tilespmem:s8], [sflag:$0x5] =	stream.indirect.gather [hbm4b:s1+s0], $0x80, s20, s0, $0xb8;
	[tilespmem:$0x1E000] =	vst v63  }
0x7e: {  	_ =	swait.ge [sflag:s17], $0x2800  }
0x7f: {  	[sflag:s17] =	ssyncset.done $0x0  }
0x80: {  	s24 =	smin.u32 s4, $0x75;
	[sflag:s17] =	ssyncadd.s32 $0xFFFFD800  }
0x81: {  	[spmem:s3] =	stream.indirect.scatter.add.f32 [tilespmem:s15], [sflag:$0x9], $0x80, s2, s0, $0xb8;
	[tilespmem:$0x1E000] =	vst v63  }
0x82: {  	s9 =	smul.u32 $0x50, s24;
	_ =	swait.ge [sflag:s21], $0x2800  }
0x83: {  	s25 =	rddreg [dreg:$0x6]  }
0x84: {  	s9 =	sadd.s32 s9, s25  }
0x85: {  	[sflag:s21] =	ssyncset.done $0x0;
	s9 =	sshrl.u32 s9, $0x3  }
0x86: {  	[sflag:s21] =	ssyncadd.s32 $0xFFFFD800;
	s26 =	sadd.s32 s5, s9  }
0x87: {  	[tilespmem:s28], [sflag:$0x4] =	stream.linear.gather [hbm4b:s26+s4], $0x50, $0x38;
	[tilespmem:$0x1E000] =	vst v63  }
0x88: {  	s9 =	sadd.s32 s6, s9  }
0x89: {  	[tilespmem:s2], [sflag:$0x4] =	stream.linear.gather [hbm4b:s9+s4], $0x50, $0x38;
	[tilespmem:$0x1E000] =	vst v63  }
0x8a: {  	_ =	swait.ge [sflag:s7], $0x50  }
0x8b: {  	[sflag:s7] =	ssyncset.done $0x0  }
0x8c: {  	[sflag:s7] =	ssyncadd.s32 $0xFFFFFFB0  }
0x8d: {  	s10 =	simm.s32 $0x19000;
	s23 =	simm.s32 $0x13C00;
	_ =	swait.ge [sflag:s7], $0x50  }
0x8e: {  	s20 =	sadd.s32 $0x140, s18;
	s28 =	simm.s32 $0x13E80;
	[sflag:s7] =	ssyncset.done $0x0  }
0x8f: {  	s9 =	simm.s32 $0x4;
	s2 =	simm.s32 $0x13F80;
	[sflag:s7] =	ssyncadd.s32 $0xFFFFFFB0  }
.LBB2_2:
0x90: {  	s26 =	simm.s32 $0x13C80;
	s15 =	simm.s32 $0x16800;
	s8 =	simm.s32 $0x5  }
0x91: {  	[tilespmem:s15], [sflag:$0x6] =	stream.indirect.gather [hbm4b:s1+s0], $0x80, s26, s0, $0xb8;
	[tilespmem:$0x1E000] =	vst v63  }
0x92: {  	_ =	swait.ge [sflag:s8], $0x2800  }
0x93: {  	[sflag:s8] =	ssyncset.done $0x0  }
0x94: {  	s25 =	simm.s32 $0x13E00;
	[sflag:s8] =	ssyncadd.s32 $0xFFFFD800;
	s8 =	simm.s32 $0x14000  }
0x95: {  	[spmem:s3] =	stream.indirect.scatter.add.f32 [tilespmem:s8], [sflag:$0x9], $0x80, s25, s0, $0xb8;
	[tilespmem:$0x1E000] =	vst v63  }
0x96: {  	_ =	swait.ge [sflag:s21], $0x2800  }
0x97: {  	s18 =	sshrl.u32 s20, $0x3;
	[sflag:s21] =	ssyncset.done $0x0  }
0x98: {  	s22 =	sadd.s32 s5, s18;
	[sflag:s21] =	ssyncadd.s32 $0xFFFFD800  }
0x99: {  	[tilespmem:s23], [sflag:$0x1] =	stream.linear.gather [hbm4b:s22+s4], $0x50, $0x38;
	[tilespmem:$0x1E000] =	vst v63  }
0x9a: {  	s18 =	sadd.s32 s6, s18  }
0x9b: {  	[tilespmem:s25], [sflag:$0x1] =	stream.linear.gather [hbm4b:s18+s4], $0x50, $0x38;
	[tilespmem:$0x1E000] =	vst v63  }
0x9c: {  	_ =	swait.ge [sflag:s11], $0x50  }
0x9d: {  	[sflag:s11] =	ssyncset.done $0x0  }
0x9e: {  	[sflag:s11] =	ssyncadd.s32 $0xFFFFFFB0  }
0x9f: {  	_ =	swait.ge [sflag:s11], $0x50  }
0xa0: {  	[sflag:s11] =	ssyncset.done $0x0  }
0xa1: {  	[sflag:s11] =	ssyncadd.s32 $0xFFFFFFB0  }
0xa2: {  	[tilespmem:s10], [sflag:$0x7] =	stream.indirect.gather [hbm4b:s1+s0], $0x80, s29, s0, $0xb8;
	[tilespmem:$0x1E000] =	vst v63  }
0xa3: {  	_ =	swait.ge [sflag:s13], $0x2800  }
0xa4: {  	s19 =	smov.u32 s9;
	[sflag:s13] =	ssyncset.done $0x0  }
0xa5: {  	s22 =	smin.u32 s19, $0x77;
	[sflag:s13] =	ssyncadd.s32 $0xFFFFD800  }
0xa6: {  	[spmem:s3] =	stream.indirect.scatter.add.f32 [tilespmem:s15], [sflag:$0x9], $0x80, s28, s0, $0xb8;
	[tilespmem:$0x1E000] =	vst v63  }
0xa7: {  	s18 =	smul.u32 $0x50, s22;
	_ =	swait.ge [sflag:s21], $0x2800  }
0xa8: {  	s25 =	rddreg [dreg:$0x4]  }
0xa9: {  	s18 =	sadd.s32 s18, s25  }
0xaa: {  	[sflag:s21] =	ssyncset.done $0x0;
	s18 =	sshrl.u32 s18, $0x3  }
0xab: {  	[sflag:s21] =	ssyncadd.s32 $0xFFFFD800;
	s22 =	sadd.s32 s5, s18  }
0xac: {  	[tilespmem:s26], [sflag:$0x2] =	stream.linear.gather [hbm4b:s22+s4], $0x50, $0x38;
	[tilespmem:$0x1E000] =	vst v63  }
0xad: {  	s18 =	sadd.s32 s6, s18  }
0xae: {  	[tilespmem:s28], [sflag:$0x2] =	stream.linear.gather [hbm4b:s18+s4], $0x50, $0x38;
	[tilespmem:$0x1E000] =	vst v63  }
0xaf: {  	_ =	swait.ge [sflag:s14], $0x50  }
0xb0: {  	[sflag:s14] =	ssyncset.done $0x0  }
0xb1: {  	[sflag:s14] =	ssyncadd.s32 $0xFFFFFFB0  }
0xb2: {  	_ =	swait.ge [sflag:s14], $0x50  }
0xb3: {  	[sflag:s14] =	ssyncset.done $0x0  }
0xb4: {  	s15 =	simm.s32 $0x1B800;
	[sflag:s14] =	ssyncadd.s32 $0xFFFFFFB0  }
0xb5: {  	[tilespmem:s15], [sflag:$0x8] =	stream.indirect.gather [hbm4b:s1+s0], $0x80, s30, s0, $0xb8;
	[tilespmem:$0x1E000] =	vst v63  }
0xb6: {  	_ =	swait.ge [sflag:s16], $0x2800  }
0xb7: {  	[sflag:s16] =	ssyncset.done $0x0  }
0xb8: {  	s26 =	simm.s32 $0x13F00;
	s18 =	smin.u32 s19, $0x76;
	[sflag:s16] =	ssyncadd.s32 $0xFFFFD800  }
0xb9: {  	[spmem:s3] =	stream.indirect.scatter.add.f32 [tilespmem:s10], [sflag:$0x9], $0x80, s26, s0, $0xb8;
	[tilespmem:$0x1E000] =	vst v63  }
0xba: {  	s18 =	smul.u32 $0x50, s18;
	_ =	swait.ge [sflag:s21], $0x2800  }
0xbb: {  	s22 =	rddreg [dreg:$0x5]  }
0xbc: {  	s18 =	sadd.s32 s18, s22  }
0xbd: {  	[sflag:s21] =	ssyncset.done $0x0;
	s18 =	sshrl.u32 s18, $0x3  }
0xbe: {  	[sflag:s21] =	ssyncadd.s32 $0xFFFFD800;
	s22 =	sadd.s32 s5, s18  }
0xbf: {  	[tilespmem:s29], [sflag:$0x3] =	stream.linear.gather [hbm4b:s22+s4], $0x50, $0x38;
	[tilespmem:$0x1E000] =	vst v63  }
0xc0: {  	s18 =	sadd.s32 s6, s18  }
0xc1: {  	[tilespmem:s26], [sflag:$0x3] =	stream.linear.gather [hbm4b:s18+s4], $0x50, $0x38;
	[tilespmem:$0x1E000] =	vst v63  }
0xc2: {  	_ =	swait.ge [sflag:s31], $0x50  }
0xc3: {  	[sflag:s31] =	ssyncset.done $0x0  }
0xc4: {  	[sflag:s31] =	ssyncadd.s32 $0xFFFFFFB0  }
0xc5: {  	_ =	swait.ge [sflag:s31], $0x50  }
0xc6: {  	[sflag:s31] =	ssyncset.done $0x0  }
0xc7: {  	[sflag:s31] =	ssyncadd.s32 $0xFFFFFFB0  }
0xc8: {  	[tilespmem:s8], [sflag:$0x5] =	stream.indirect.gather [hbm4b:s1+s0], $0x80, s23, s0, $0xb8;
	[tilespmem:$0x1E000] =	vst v63  }
0xc9: {  	_ =	swait.ge [sflag:s17], $0x2800  }
0xca: {  	[sflag:s17] =	ssyncset.done $0x0  }
0xcb: {  	s19 =	smin.u32 s19, $0x75;
	[sflag:s17] =	ssyncadd.s32 $0xFFFFD800  }
0xcc: {  	[spmem:s3] =	stream.indirect.scatter.add.f32 [tilespmem:s15], [sflag:$0x9], $0x80, s2, s0, $0xb8;
	[tilespmem:$0x1E000] =	vst v63  }
0xcd: {  	s18 =	smul.u32 $0x50, s19;
	_ =	swait.ge [sflag:s21], $0x2800  }
0xce: {  	s8 =	rddreg [dreg:$0x6]  }
0xcf: {  	s18 =	sadd.s32 s18, s8  }
0xd0: {  	[sflag:s21] =	ssyncset.done $0x0;
	s18 =	sshrl.u32 s18, $0x3  }
0xd1: {  	[sflag:s21] =	ssyncadd.s32 $0xFFFFD800;
	s8 =	sadd.s32 s5, s18  }
0xd2: {  	[tilespmem:s30], [sflag:$0x4] =	stream.linear.gather [hbm4b:s8+s4], $0x50, $0x38;
	[tilespmem:$0x1E000] =	vst v63  }
0xd3: {  	s18 =	sadd.s32 s6, s18  }
0xd4: {  	[tilespmem:s2], [sflag:$0x4] =	stream.linear.gather [hbm4b:s18+s4], $0x50, $0x38;
	[tilespmem:$0x1E000] =	vst v63  }
0xd5: {  	p0 =	sne.s32 s9, $0x78;
	_ =	swait.ge [sflag:s7], $0x50  }
.Ltmp0:
0xd6: {  	[sflag:s7] =	ssyncset.done $0x0;
	(pc) =	sbr.rel @p0 .LBB2_2-.Ltmp0, $4  }
0xd7: {  	[sflag:s7] =	ssyncadd.s32 $0xFFFFFFB0  }
0xd8: {  	s9 =	sadd.s32 $0x4, s9;
	s24 =	simm.s32 $0x13E00;
	_ =	swait.ge [sflag:s7], $0x50  }
0xd9: {  	s12 =	simm.s32 $0x16800;
	s20 =	sadd.s32 $0x140, s20;
	[sflag:s7] =	ssyncset.done $0x0  }
0xda: {  	s25 =	simm.s32 $0x13C80;
	s22 =	simm.s32 $0x14000;
	[sflag:s7] =	ssyncadd.s32 $0xFFFFFFB0  }
0xdb: {  	[tilespmem:s12], [sflag:$0x6] =	stream.indirect.gather [hbm4b:s1+s0], $0x80, s25, s0, $0xb8;
	[tilespmem:$0x1E000] =	vst v63  }
0xdc: {  	s2 =	simm.s32 $0x5  }
0xdd: {  	_ =	swait.ge [sflag:s2], $0x2800  }
0xde: {  	[sflag:s2] =	ssyncset.done $0x0  }
0xdf: {  	[sflag:s2] =	ssyncadd.s32 $0xFFFFD800  }
0xe0: {  	[spmem:s3] =	stream.indirect.scatter.add.f32 [tilespmem:s22], [sflag:$0x9], $0x80, s24, s0, $0xb8;
	[tilespmem:$0x1E000] =	vst v63  }
0xe1: {  	_ =	swait.ge [sflag:s21], $0x2800  }
0xe2: {  	[sflag:s21] =	ssyncset.done $0x0  }
0xe3: {  	[sflag:s21] =	ssyncadd.s32 $0xFFFFD800  }
0xe4: {  	_ =	swait.ge [sflag:s13], $0x2800  }
0xe5: {  	[sflag:s13] =	ssyncset.done $0x0  }
0xe6: {  	[sflag:s13] =	ssyncadd.s32 $0xFFFFD800  }
0xe7: {  	_ =	swait.ge [sflag:s11], $0x50  }
0xe8: {  	[sflag:s11] =	ssyncset.done $0x0  }
0xe9: {  	[sflag:s11] =	ssyncadd.s32 $0xFFFFFFB0  }
0xea: {  	_ =	swait.ge [sflag:s11], $0x50  }
0xeb: {  	[sflag:s11] =	ssyncset.done $0x0  }
0xec: {  	[sflag:s11] =	ssyncadd.s32 $0xFFFFFFB0  }
0xed: {  	_ =	swait.ge [sflag:s14], $0x50  }
0xee: {  	[sflag:s14] =	ssyncset.done $0x0  }
0xef: {  	[sflag:s14] =	ssyncadd.s32 $0xFFFFFFB0  }
0xf0: {  	_ =	swait.ge [sflag:s14], $0x50  }
0xf1: {  	[sflag:s14] =	ssyncset.done $0x0  }
0xf2: {  	[sflag:s14] =	ssyncadd.s32 $0xFFFFFFB0  }
0xf3: {  	[bflag:$0x0] =	sbarrier.arrive $0xFFFF  }
0xf4: {  	s18 =	rddreg [dreg:$0x9]  }
0xf5: {  	s9 =	rddreg [dreg:$0x12]  }
0xf6: {  	s24 =	rddreg [dreg:$0x16]  }
0xf7: {  	[hbm:s9], [sflag:s18] =	dma.local [spmem:s24], $0x2780  }
0xf8: {  	_ =	swait.ge [sflag:s21], $0x2780  }
0xf9: {  	s8 =	rddreg [dreg:$0x15]  }
0xfa: {  	s25 =	rddreg [dreg:$0x13];
	s8 =	sadd.s32 $0x1, s8  }
0xfb: {  	p0 =	sne.s32 s8, s25  }
.Ltmp1:
0xfc: {  	_ = 	snop;
	(pc) =	sbr.rel @p0 .LBB2_1-.Ltmp1, $4  }
0xfd: {  	_ = 	snop  }
0xfe: {  	s20 =	simm.s32 $0x13C00;
	s28 =	simm.s32 $0x13D80  }
0xff: {  	s10 =	simm.s32 $0x19000;
	s2 =	simm.s32 $0x13F80;
	[sflag:s21] =	ssyncset.done $0x0  }
0x100: {  	s24 =	simm.s32 $0x13E80;
	[sflag:s21] =	ssyncadd.s32 $0xFFFFD880;
	s25 =	simm.s32 $0x13D00  }
0x101: {  	_ =	sfence.sel $0x180000  }
0x102: {  	[bflag:$0x0] =	sbarrier.arrive $0xFFFF  }
0x103: {  	_ =	strace $0x9000004A  }
0x104: {  	s0 =	stileid.u32;
	[bflag:$0x2] =	sbarrier.arrive $0xFFFF  }
0x105: {  	p0 =	sne.s32 s0, $0x0;
	s0 =	rddreg [dreg:$0x3]  }
0x106: {  	s0 =	sadd.s32 @!p0 $0x100000, s0  }
0x107: {  	[sflag:s0] =	ssyncadd.tile.s32 @!p0 $0x1;
	_ =	shalt  }
.Lfunc_end2:
_tile_overlayer_lowered:
.L_overlay_start_2:
0x108: {  	(tag) =	ssettag $0x2  }
0x109: {  	s0 =	rddreg [dreg:$0x0];
	s2 =	stileid.u32  }
0x10a: {  	s1 =	rddreg [dreg:$0x1];
	p0 =	sne.s32 s2, $0x0  }
0x10b: {  	s3 =	rddreg [dreg:$0x2];
	[bflag:$0x3] =	sbarrier.arrive $0xFFFF;
	s2 =	simm.s32 @!p0 $0x1C09  }
0x10c: {  	[timem:s3], [sflag:s2] =	dma.local @!p0 [hbm:s0], s1  }
0x10d: {  	s0 =	simm.s32 @!p0 $0x9  }
0x10e: {  	_ =	swait.ge @!p0 [sflag:s0], s1  }
0x10f: {  	s1 =	ssub.s32 @!p0 $0x0, s1;
	[sflag:s0] =	ssyncset.done @!p0 $0x0  }
0x110: {  	[sflag:s0] =	ssyncadd.s32 @!p0 s1  }
0x111: {  	[bflag:$0x3] =	sbarrier.arrive $0xFFFF  }
0x112: {  	_ =	shalt  }

// kernel: kernel.16.cloned.1.call-start
scs
__scs_entry_jumppad:
0x0: {  	(pc) =	sbr.rel $0x88, $3  }
0x1: {  	(tag) =	ssettag $0x0;
	lr =	simm.s32 $0x1  }
0x2: {  	[smem:$0x3F95] =	sst lr;
	_ =	strace $0xD0000000  }
0x3: {  	_ = 	snop  }
0x4: {  	_ = 	snop  }
0x5: {  	_ = 	snop  }
0x6: {  	_ = 	snop  }
0x7: {  	_ = 	snop  }
__scs_overlays_trampoline_lowered:
0x8: {  	[smem:$0x3FA4] =	sst s0  }
0x9: {  	[smem:$0x3FA5] =	sst s1  }
0xa: {  	[smem:$0x3FA6] =	sst s2  }
0xb: {  	[smem:$0x3FA7] =	sst s3  }
0xc: {  	[smem:$0x3FA8] =	sst s4  }
0xd: {  	[smem:$0x3FA9] =	sst s5  }
0xe: {  	[smem:$0x3FAA] =	sst s6  }
0xf: {  	[smem:$0x3FAB] =	sst s7  }
0x10: {  	[smem:$0x3FAC] =	sst s8  }
0x11: {  	[smem:$0x3FAD] =	sst s9;
	s0 =	simm.s32 @!p0 $0x0  }
0x12: {  	s1 =	sld [smem:$0x3F93];
	s0 =	simm.s32 @p0 $0x1  }
0x13: {  	[smem:$0x3FAE] =	sst s0;
	s0 =	simm.s32 @!p1 $0x0  }
0x14: {  	s2 =	sld [smem:$0x3F92];
	s0 =	simm.s32 @p1 $0x1  }
0x15: {  	[smem:$0x3FAF] =	sst s0;
	s0 =	simm.s32 @!p2 $0x0  }
0x16: {  	s3 =	sld [smem:$0x3FDB];
	s0 =	simm.s32 @p2 $0x1  }
0x17: {  	s4 =	simm.s32 $0x1BF5;
	[smem:$0x3FB1] =	sst s0  }
0x18: {  	s0 =	sld [smem:$0x3F94];
	_ =	swait.ge [sflag:s4], $0x0  }
0x19: {  	s7 =	sld [smem:$0x3F95]  }
0x1a: {  	s8 =	sadd.s32 $0xFFFFE003, lr  }
0x1b: {  	s9 =	sadd.s32 $0xFFFFFEF7, lr;
	s5 =	simm.s32 $0xFFFFFFFF;
	p2 =	slt.u32 s8, $0xFFFFF086  }
0x1c: {  	p1 =	slt.u32 s9, $0xF7A;
	s5 =	simm.s32 @!p2 $0x0  }
0x1d: {  	s5 =	simm.s32 @p1 $0x1;
	p0 =	seq.s32 s7, s2  }
0x1e: {  	s7 =	smul.u32 @!p0 $0xF7A, s2;
	p2 =	seq.s32 @!p0 s5, $0x0  }
0x1f: {  	s9 =	smul.u32 $0xF7A, s1;
	s8 =	simm.s32 @!p0 $0x1BF5;
	p2 =	por !p2, p0  }
0x20: {  	[sflag:s8] =	ssyncset.s32 @!p0 $0xFFFFF086;
	s6 =	sadd.s32 @!p0 s3, s7;
	s7 =	simm.s32 @!p0 $0x108  }
0x21: {  	s3 =	sadd.s32 s3, s9;
	s6 =	sadd.s32 @!p0 $0x88, s6;
	s7 =	simm.s32 @p2 $0x1082  }
0x22: {  	[simem:s7], [sflag:s8] =	dma.local @!p0 [hbm:s6], $0xF7A  }
0x23: {  	s9 =	sor.u32 $0xD0000000, s2;
	s6 =	simm.s32 $0x108;
	_ =	swait.ge @!p0 [sflag:s8], $0x0  }
0x24: {  	s3 =	sadd.s32 $0x88, s3;
	s6 =	simm.s32 @!p1 $0x1082;
	[sflag:s4] =	ssyncset.s32 $0xFFFFF086  }
0x25: {  	[simem:s6], [sflag:s4] =	dma.local [hbm:s3], $0xF7A  }
0x26: {  	[smem:$0x3F95] =	sst s1;
	(tag) =	ssettag s2;
	_ =	strace s9  }
0x27: {  	s1 =	sld [smem:$0x3FA5]  }
0x28: {  	s2 =	sld [smem:$0x3FA6]  }
0x29: {  	s4 =	sld [smem:$0x3FA8]  }
0x2a: {  	p0 =	seq.s32 s5, $0x0;
	s5 =	sld [smem:$0x3FA9]  }
0x2b: {  	s6 =	sld [smem:$0x3FAA]  }
0x2c: {  	s7 =	sld [smem:$0x3FAB]  }
0x2d: {  	s3 =	simm.s32 $0x108;
	s8 =	sld [smem:$0x3FAC]  }
0x2e: {  	s3 =	simm.s32 @!p0 $0x1082;
	s9 =	sld [smem:$0x3FAD]  }
0x2f: {  	lr =	sadd.s32 s0, s3;
	s0 =	sld [smem:$0x3FA4]  }
0x30: {  	s3 =	sld [smem:$0x3FA7]  }
0x31: {  	[smem:$0x3FB0] =	sst s10  }
0x32: {  	s10 =	sld [smem:$0x3FAE];
	_ =	sdelay $0x3  }
0x33: {  	p0 =	seq.s32 s10, $0x1;
	s10 =	sld [smem:$0x3FB0];
	_ =	sdelay $0x3  }
0x34: {  	[smem:$0x3FB0] =	sst s10  }
0x35: {  	s10 =	sld [smem:$0x3FAF];
	_ =	sdelay $0x3  }
0x36: {  	p1 =	seq.s32 s10, $0x1;
	s10 =	sld [smem:$0x3FB0];
	_ =	sdelay $0x3  }
0x37: {  	[smem:$0x3FB0] =	sst s10  }
0x38: {  	s10 =	sld [smem:$0x3FB1]  }
0x39: {  	_ = 	snop;
	(pc) =	sbr.ind lr, $3  }
0x3a: {  	_ = 	snop  }
0x3b: {  	_ = 	snop  }
0x3c: {  	p2 =	seq.s32 s10, $0x1;
	s10 =	sld [smem:$0x3FB0]  }
0x3d: {  	_ =	shalt  }
0x3e: {  	_ =	shalt  }
0x3f: {  	_ =	shalt  }
0x40: {  	_ =	shalt  }
0x41: {  	_ =	shalt  }
0x42: {  	_ =	shalt  }
0x43: {  	_ =	shalt  }
0x44: {  	_ =	shalt  }
0x45: {  	_ =	shalt  }
0x46: {  	_ =	shalt  }
0x47: {  	_ =	shalt  }
0x48: {  	_ =	shalt  }
0x49: {  	_ =	shalt  }
0x4a: {  	_ =	shalt  }
0x4b: {  	_ =	shalt  }
0x4c: {  	_ =	shalt  }
0x4d: {  	_ =	shalt  }
0x4e: {  	_ =	shalt  }
0x4f: {  	_ =	shalt  }
0x50: {  	_ =	shalt  }
0x51: {  	_ =	shalt  }
0x52: {  	_ =	shalt  }
0x53: {  	_ =	shalt  }
0x54: {  	_ =	shalt  }
0x55: {  	_ =	shalt  }
0x56: {  	_ =	shalt  }
0x57: {  	_ =	shalt  }
0x58: {  	_ =	shalt  }
0x59: {  	_ =	shalt  }
0x5a: {  	_ =	shalt  }
0x5b: {  	_ =	shalt  }
0x5c: {  	_ =	shalt  }
0x5d: {  	_ =	shalt  }
0x5e: {  	_ =	shalt  }
0x5f: {  	_ =	shalt  }
0x60: {  	_ =	shalt  }
0x61: {  	_ =	shalt  }
0x62: {  	_ =	shalt  }
0x63: {  	_ =	shalt  }
0x64: {  	_ =	shalt  }
0x65: {  	_ =	shalt  }
0x66: {  	_ =	shalt  }
0x67: {  	_ =	shalt  }
0x68: {  	_ =	shalt  }
0x69: {  	_ =	shalt  }
0x6a: {  	_ =	shalt  }
0x6b: {  	_ =	shalt  }
0x6c: {  	_ =	shalt  }
0x6d: {  	_ =	shalt  }
0x6e: {  	_ =	shalt  }
0x6f: {  	_ =	shalt  }
0x70: {  	_ =	shalt  }
0x71: {  	_ =	shalt  }
0x72: {  	_ =	shalt  }
0x73: {  	_ =	shalt  }
0x74: {  	_ =	shalt  }
0x75: {  	_ =	shalt  }
0x76: {  	_ =	shalt  }
0x77: {  	_ =	shalt  }
0x78: {  	_ =	shalt  }
0x79: {  	_ =	shalt  }
0x7a: {  	_ =	shalt  }
0x7b: {  	_ =	shalt  }
0x7c: {  	_ =	shalt  }
0x7d: {  	_ =	shalt  }
0x7e: {  	_ =	shalt  }
0x7f: {  	_ =	shalt  }
0x80: {  	_ =	shalt  }
0x81: {  	_ =	shalt  }
0x82: {  	_ =	shalt  }
0x83: {  	_ =	shalt  }
0x84: {  	_ =	shalt  }
0x85: {  	_ =	shalt  }
0x86: {  	_ =	shalt  }
0x87: {  	_ =	shalt  }
.Lfunc_end0:
.L_simem_size_0:
called_computation.2_lowered:
.L_overlay_start_0:
0x88: {  	s2 =	sld [smem:$0x3FD9]  }
0x89: {  	s3 =	sld [smem:$0x3FFE];
	_ =	sdelay $0x1  }
0x8a: {  	s1 =	srdreg.scid  }
0x8b: {  	s0 =	sand.u32 $0x1, s1  }
0x8c: {  	s17 =	sshll.u32 s0, $0xA;
	s2 =	sadd.s32 s3, s2  }
0x8d: {  	s2 =	sadd.s32 s2, s17  }
0x8e: {  	[smem:$0x3FBC] =	sst s2  }
0x8f: {  	_ = 	snop  }
0x90: {  	s2 =	sld [smem:$0x3FD0];
	(tm) =	ssettm $0x1  }
0x91: {  	s18 =	sld [smem:$0x3FFB];
	_ =	sdelay $0x3  }
0x92: {  	_ =	strace s18  }
0x93: {  	s3 =	sld [smem:$0x3FFC];
	_ =	sdelay $0x3  }
0x94: {  	_ =	strace s3  }
0x95: {  	s3 =	sld [smem:$0x3FFD];
	_ =	sdelay $0x3  }
0x96: {  	_ =	strace s3  }
0x97: {  	_ =	strace $0x8FFFFFFF  }
0x98: {  	s19 =	sld [smem:$0x3FDB];
	_ =	sdelay $0x1  }
0x99: {  	s4 =	simm.s32 $_scs_section_size  }
0x9a: {  	s5 =	simm.s32 $_size__tile_overlayer_lowered;
	s6 =	simm.s32 $_tile_overlayer_lowered  }
0x9b: {  	s22 =	simm.s32 $0x1BFF;
	s21 =	sshll.u32 s6, $0x1;
	s3 =	sadd.s32 s4, s19  }
0x9c: {  	s7 =	simm.s32 $0x0;
	s20 =	sshll.u32 s5, $0x1;
	s5 =	sadd.s32 s21, s3  }
0x9d: {  	[timem:s7], [sflag:s22] =	dma.local [hbm:s5], s20  }
0x9e: {  	_ =	swait.ge [sflag:s22], s20  }
0x9f: {  	s4 =	ssub.s32 $0x0, s20;
	[sflag:s22] =	ssyncset.done $0x0  }
0xa0: {  	[sflag:s22] =	ssyncadd.s32 s4;
	_ =	sdelay $0x1  }
0xa1: {  	s23 =	simm.s32 $0x1B8B  }
0xa2: {  	_ =	swait.ge [sflag:s23], $0x1  }
0xa3: {  	[sflag:s23] =	ssyncset.done $0x0  }
0xa4: {  	s25 =	simm.s32 $0x1B8E;
	s24 =	sld [smem:$0x3FFE];
	[sflag:s23] =	ssyncadd.s32 $0xFFFFFFFF  }
0xa5: {  	s26 =	simm.s32 $execute0_lowered;
	[smem:$0x3FD2] =	sst s25  }
0xa6: {  	s5 =	sshll.u32 s26, $0x1;
	_ =	strace $0x8000004C;
	[dreg:$0x1] =	wrdreg $0xFFFFFFFF  }
0xa7: {  	s28 =	simm.s32 $_size_execute0_lowered;
	s3 =	sadd.s32 s3, s5;
	[dreg:$0x0] =	wrdreg $0x0  }
0xa8: {  	s5 =	sshll.u32 s28, $0x1;
	[dreg:$0x2] =	wrdreg s3  }
0xa9: {  	[dreg:$0x3] =	wrdreg s5  }
0xaa: {  	[dreg:$0x4] =	wrdreg $0xC0  }
0xab: {  	_ =	task [dreg:s7], $0x5FFFF  }
0xac: {  	[dreg:$0x1] =	wrdreg $0xFFFFFFFF  }
0xad: {  	[dreg:$0x0] =	wrdreg $0x60  }
0xae: {  	[dreg:$0x2] =	wrdreg s2  }
0xaf: {  	[dreg:$0x3] =	wrdreg s24  }
0xb0: {  	[dreg:$0x4] =	wrdreg $0x0  }
0xb1: {  	[dreg:$0x5] =	wrdreg $0x9  }
0xb2: {  	_ =	task.clear_ibuf [dreg:s7], $0x6FFFF;
	_ =	strace $0x9000004C  }
0xb3: {  	s29 =	simm.s32 $0x9;
	_ =	strace $0x8000004E  }
0xb4: {  	_ =	swait.ge [sflag:s29], $0x1  }
0xb5: {  	[sflag:s29] =	ssyncadd.s32 $0xFFFFFFFF  }
0xb6: {  	_ =	strace $0x9000004E  }
0xb7: {  	_ =	sfence  }
0xb8: {  	s30 =	sld [smem:$0x0];
	_ =	sdelay $0x2  }
0xb9: {  	s31 =	sshll.u32 s1, $0xD;
	s1 =	sshrl.u32 s1, $0x2  }
0xba: {  	s3 =	sand.u32 $0x4000, s31;
	s1 =	sadd.s32 s1, s30  }
0xbb: {  	s0 =	sor.u32 s3, s0;
	s1 =	sshll.u32 s1, $0x11  }
0xbc: {  	s0 =	sor.u32 s1, s0  }
0xbd: {  	s0 =	sadd.s32 $0x8F2B, s0  }
0xbe: {  	[sflag:s0] =	ssyncadd.remote.s32 $0x1  }
0xbf: {  	_ =	sfence.sel $0xFFFF  }
0xc0: {  	[dreg:$0x0] =	wrdreg $0xFFFFFFFF;
	(pc) =	sbr.abs _section_cstart, $3  }
0xc1: {  	[dreg:$0x1] =	wrdreg $0xFFFFFFFF  }
0xc2: {  	_ =	task.clear_ibuf [dreg:s7], $0x2FFFF;
	_ =	strace $0x9FFFFFFF  }
0xc3: {  	(tm) =	ssettm $0x7FFFFFFF  }
tec
execute0_lowered:
.L_overlay_start_1:
0x0: {  	(tag) =	ssettag $0x1  }
0x1: {  	s1 =	rddreg [dreg:$0x0]  }
0x2: {  	s0 =	rddreg [dreg:$0x1]  }
0x3: {  	s3 =	rddreg [dreg:$0x2];
	s4 =	simm.s32 $0x0  }
0x4: {  	s12 =	stileid.u32;
	s2 =	srdreg.scid;
	s28 =	simm.s32 $0x13D80  }
0x5: {  	s31 =	simm.s32 $0x1;
	s30 =	simm.s32 $0x13D80;
	s7 =	smul.u32 $0x13C00, s12  }
0x6: {  	s29 =	simm.s32 $0x13D00;
	[smem:$0x7FF] =	sst s4;
	s9 =	smul.u32 $0x4F000, s12  }
0x7: {  	s2 =	sand.u32 $0x1, s2;
	s5 =	sadd.s32 $0x4200, s0;
	s11 =	smul.u32 $0x2710, s12  }
0x8: {  	s6 =	sadd.s32 $0xE000, s0;
	s25 =	sshll.u32 s12, $0x6;
	s8 =	smul.u32 $0x13C000, s2  }
0x9: {  	_ =	strace $0x8000004D;
	s22 =	smul.u32 $0x27100, s2;
	s2 =	ssub.s32 $0x2, s2  }
0xa: {  	s18 =	sor.u32 $0x1C09, s25;
	s10 =	sshrl.u32 s7, $0x3;
	s23 =	sshrl.u32 s2, $0x1  }
0xb: {  	s24 =	sshrl.u32 s9, $0x2;
	[dreg:$0x9] =	wrdreg s18;
	s7 =	sadd.s32 s7, s8  }
0xc: {  	s10 =	sadd.s32 s10, s0;
	s2 =	ssub.s32 s2, s23;
	s8 =	sadd.s32 s11, s22  }
0xd: {  	s11 =	simm.s32 $0x3;
	s7 =	sshrl.u32 s7, $0x3;
	s10 =	sadd.s32 $0x17E00, s10  }
0xe: {  	s26 =	sshrl.u32 s8, $0x3;
	s21 =	sadd.s32 $0x190, s8;
	[dreg:$0x8] =	wrdreg s10  }
0xf: {  	s23 =	sadd.s32 $0x1E0, s8;
	s25 =	smax.u32 s2, $0x1;
	[dreg:$0x4] =	wrdreg s21  }
0x10: {  	s2 =	simm.s32 $0x13F80;
	s0 =	sadd.s32 s7, s0;
	[dreg:$0x5] =	wrdreg s23  }
0x11: {  	s7 =	sadd.s32 s24, s3;
	s12 =	sadd.s32 s5, s26;
	[dreg:$0x13] =	wrdreg s25  }
0x12: {  	s13 =	sadd.s32 s6, s26;
	s14 =	sadd.s32 $0xA, s26;
	[dreg:$0x7] =	wrdreg s7  }
0x13: {  	s15 =	sadd.s32 $0x14, s26;
	s20 =	sadd.s32 $0x1E, s26;
	[dreg:$0xa] =	wrdreg s12  }
0x14: {  	s24 =	sadd.s32 $0x230, s8;
	s26 =	sadd.s32 $0x140, s8;
	[dreg:$0xb] =	wrdreg s13  }
0x15: {  	s21 =	simm.s32 $0x9;
	s25 =	simm.s32 $0x13D00;
	[dreg:$0x6] =	wrdreg s24  }
0x16: {  	s10 =	simm.s32 $0x19000;
	s16 =	sadd.s32 s5, s14;
	[dreg:$0x14] =	wrdreg s26  }
0x17: {  	s8 =	simm.s32 $0x0;
	s7 =	sadd.s32 s6, s14;
	[dreg:$0xc] =	wrdreg s16  }
0x18: {  	s17 =	sadd.s32 s5, s15;
	s19 =	sadd.s32 s6, s15;
	[dreg:$0xd] =	wrdreg s7  }
0x19: {  	s22 =	sadd.s32 s5, s20;
	s0 =	sadd.s32 $0x66800, s0;
	[dreg:$0xe] =	wrdreg s17  }
0x1a: {  	s24 =	simm.s32 $0x13E80;
	s26 =	simm.s32 $0x13F00;
	[dreg:$0xf] =	wrdreg s19  }
0x1b: {  	s13 =	simm.s32 $0x6;
	s14 =	simm.s32 $0x4;
	[dreg:$0x10] =	wrdreg s22  }
0x1c: {  	s15 =	simm.s32 $0x1B800;
	s7 =	sadd.s32 s6, s20;
	[dreg:$0x12] =	wrdreg s0  }
0x1d: {  	s20 =	simm.s32 $0x13C00;
	s0 =	simm.s32 $0x50;
	s16 =	simm.s32 $0x7  }
0x1e: {  	s17 =	simm.s32 $0x8;
	[dreg:$0x11] =	wrdreg s7;
	s7 =	simm.s32 $0x2  }
.LBB2_1:
0x1f: {  	[dreg:$0x15] =	wrdreg s8  }
0x20: {  	s9 =	rddreg [dreg:$0x7]  }
0x21: {  	s19 =	rddreg [dreg:$0x8];
	s12 =	sshrl.u32 s9, $0x3  }
0x22: {  	[dreg:$0x16] =	wrdreg s12  }
0x23: {  	[spmem:s12], [sflag:s18] =	dma.local [hbm:s19], $0x2780  }
0x24: {  	_ =	swait.ge [sflag:s21], $0x2780  }
0x25: {  	[sflag:s21] =	ssyncset.done $0x0  }
0x26: {  	[sflag:s21] =	ssyncadd.s32 $0xFFFFD880  }
0x27: {  	[bflag:$0x0] =	sbarrier.arrive $0xFFFF  }
0x28: {  	s22 =	rddreg [dreg:$0xa]  }
0x29: {  	[tilespmem:s20], [sflag:$0x1] =	stream.linear.gather [hbm4b:s22+s4], $0x50, $0x38;
	[tilespmem:$0x1E000] =	vst v63  }
0x2a: {  	s23 =	rddreg [dreg:$0xb];
	s22 =	simm.s32 $0x13E00  }
0x2b: {  	[tilespmem:s22], [sflag:$0x1] =	stream.linear.gather [hbm4b:s23+s4], $0x50, $0x38;
	[tilespmem:$0x1E000] =	vst v63  }
0x2c: {  	s8 =	rddreg [dreg:$0xc];
	s23 =	simm.s32 $0x13C80  }
0x2d: {  	[tilespmem:s23], [sflag:$0x2] =	stream.linear.gather [hbm4b:s8+s4], $0x50, $0x38;
	[tilespmem:$0x1E000] =	vst v63  }
0x2e: {  	s12 =	rddreg [dreg:$0xd]  }
0x2f: {  	[tilespmem:s24], [sflag:$0x2] =	stream.linear.gather [hbm4b:s12+s4], $0x50, $0x38;
	[tilespmem:$0x1E000] =	vst v63  }
0x30: {  	s18 =	rddreg [dreg:$0xe]  }
0x31: {  	[tilespmem:s25], [sflag:$0x3] =	stream.linear.gather [hbm4b:s18+s4], $0x50, $0x38;
	[tilespmem:$0x1E000] =	vst v63  }
0x32: {  	s19 =	rddreg [dreg:$0xf]  }
0x33: {  	[tilespmem:s26], [sflag:$0x3] =	stream.linear.gather [hbm4b:s19+s4], $0x50, $0x38;
	[tilespmem:$0x1E000] =	vst v63  }
0x34: {  	s8 =	rddreg [dreg:$0x10]  }
0x35: {  	[tilespmem:s28], [sflag:$0x4] =	stream.linear.gather [hbm4b:s8+s4], $0x50, $0x38;
	[tilespmem:$0x1E000] =	vst v63  }
0x36: {  	s12 =	rddreg [dreg:$0x11]  }
0x37: {  	[tilespmem:s2], [sflag:$0x4] =	stream.linear.gather [hbm4b:s12+s4], $0x50, $0x38;
	[tilespmem:$0x1E000] =	vst v63  }
0x38: {  	_ =	swait.ge [sflag:s31], $0x50  }
0x39: {  	[sflag:s31] =	ssyncset.done $0x0  }
0x3a: {  	[sflag:s31] =	ssyncadd.s32 $0xFFFFFFB0  }
0x3b: {  	_ =	swait.ge [sflag:s31], $0x50  }
0x3c: {  	[sflag:s31] =	ssyncset.done $0x0  }
0x3d: {  	s8 =	simm.s32 $0x14000;
	[sflag:s31] =	ssyncadd.s32 $0xFFFFFFB0  }
0x3e: {  	[tilespmem:s8], [sflag:$0x5] =	stream.indirect.gather [hbm4b:s1+s0], $0x80, s20, s0, $0xb8;
	[tilespmem:$0x1E000] =	vst v63  }
0x3f: {  	_ =	swait.ge [sflag:s7], $0x50  }
0x40: {  	[sflag:s7] =	ssyncset.done $0x0  }
0x41: {  	[sflag:s7] =	ssyncadd.s32 $0xFFFFFFB0  }
0x42: {  	_ =	swait.ge [sflag:s7], $0x50  }
0x43: {  	[sflag:s7] =	ssyncset.done $0x0  }
0x44: {  	s18 =	simm.s32 $0x5;
	s12 =	simm.s32 $0x16800;
	[sflag:s7] =	ssyncadd.s32 $0xFFFFFFB0  }
0x45: {  	[tilespmem:s12], [sflag:$0x6] =	stream.indirect.gather [hbm4b:s1+s0], $0x80, s23, s0, $0xb8;
	[tilespmem:$0x1E000] =	vst v63  }
0x46: {  	_ =	swait.ge [sflag:s18], $0x2800  }
0x47: {  	[sflag:s18] =	ssyncset.done $0x0  }
0x48: {  	[sflag:s18] =	ssyncadd.s32 $0xFFFFD800  }
0x49: {  	[spmem:s3] =	stream.indirect.scatter.add.f32 [tilespmem:s8], [sflag:$0x9], $0x80, s22, s0, $0xb8;
	[tilespmem:$0x1E000] =	vst v63  }
0x4a: {  	_ =	swait.ge [sflag:s21], $0x2800  }
0x4b: {  	s18 =	rddreg [dreg:$0x14]  }
0x4c: {  	[sflag:s21] =	ssyncset.done $0x0;
	s9 =	sshrl.u32 s18, $0x3  }
0x4d: {  	[sflag:s21] =	ssyncadd.s32 $0xFFFFD800;
	s19 =	sadd.s32 s5, s9  }
0x4e: {  	[tilespmem:s20], [sflag:$0x1] =	stream.linear.gather [hbm4b:s19+s4], $0x50, $0x38;
	[tilespmem:$0x1E000] =	vst v63  }
0x4f: {  	s9 =	sadd.s32 s6, s9  }
0x50: {  	[tilespmem:s22], [sflag:$0x1] =	stream.linear.gather [hbm4b:s9+s4], $0x50, $0x38;
	[tilespmem:$0x1E000] =	vst v63  }
0x51: {  	_ =	swait.ge [sflag:s11], $0x50  }
0x52: {  	[sflag:s11] =	ssyncset.done $0x0  }
0x53: {  	[sflag:s11] =	ssyncadd.s32 $0xFFFFFFB0  }
0x54: {  	_ =	swait.ge [sflag:s11], $0x50  }
0x55: {  	[sflag:s11] =	ssyncset.done $0x0  }
0x56: {  	[sflag:s11] =	ssyncadd.s32 $0xFFFFFFB0  }
0x57: {  	[tilespmem:s10], [sflag:$0x7] =	stream.indirect.gather [hbm4b:s1+s0], $0x80, s25, s0, $0xb8;
	[tilespmem:$0x1E000] =	vst v63  }
0x58: {  	_ =	swait.ge [sflag:s13], $0x2800  }
0x59: {  	[sflag:s13] =	ssyncset.done $0x0  }
0x5a: {  	s19 =	smin.u32 s4, $0x77;
	[sflag:s13] =	ssyncadd.s32 $0xFFFFD800  }
0x5b: {  	[spmem:s3] =	stream.indirect.scatter.add.f32 [tilespmem:s12], [sflag:$0x9], $0x80, s24, s0, $0xb8;
	[tilespmem:$0x1E000] =	vst v63  }
0x5c: {  	s9 =	smul.u32 $0x50, s19;
	_ =	swait.ge [sflag:s21], $0x2800  }
0x5d: {  	s22 =	rddreg [dreg:$0x4]  }
0x5e: {  	s9 =	sadd.s32 s9, s22  }
0x5f: {  	[sflag:s21] =	ssyncset.done $0x0;
	s9 =	sshrl.u32 s9, $0x3  }
0x60: {  	[sflag:s21] =	ssyncadd.s32 $0xFFFFD800;
	s12 =	sadd.s32 s5, s9  }
0x61: {  	[tilespmem:s23], [sflag:$0x2] =	stream.linear.gather [hbm4b:s12+s4], $0x50, $0x38;
	[tilespmem:$0x1E000] =	vst v63  }
0x62: {  	s9 =	sadd.s32 s6, s9  }
0x63: {  	[tilespmem:s24], [sflag:$0x2] =	stream.linear.gather [hbm4b:s9+s4], $0x50, $0x38;
	[tilespmem:$0x1E000] =	vst v63  }
0x64: {  	_ =	swait.ge [sflag:s14], $0x50  }
0x65: {  	[sflag:s14] =	ssyncset.done $0x0  }
0x66: {  	[sflag:s14] =	ssyncadd.s32 $0xFFFFFFB0  }
0x67: {  	_ =	swait.ge [sflag:s14], $0x50  }
0x68: {  	[sflag:s14] =	ssyncset.done $0x0  }
0x69: {  	[sflag:s14] =	ssyncadd.s32 $0xFFFFFFB0  }
0x6a: {  	[tilespmem:s15], [sflag:$0x8] =	stream.indirect.gather [hbm4b:s1+s0], $0x80, s28, s0, $0xb8;
	[tilespmem:$0x1E000] =	vst v63  }
0x6b: {  	_ =	swait.ge [sflag:s16], $0x2800  }
0x6c: {  	[sflag:s16] =	ssyncset.done $0x0  }
0x6d: {  	s19 =	smin.u32 s4, $0x76;
	[sflag:s16] =	ssyncadd.s32 $0xFFFFD800  }
0x6e: {  	[spmem:s3] =	stream.indirect.scatter.add.f32 [tilespmem:s10], [sflag:$0x9], $0x80, s26, s0, $0xb8;
	[tilespmem:$0x1E000] =	vst v63  }
0x6f: {  	s9 =	smul.u32 $0x50, s19;
	_ =	swait.ge [sflag:s21], $0x2800  }
0x70: {  	s22 =	rddreg [dreg:$0x5]  }
0x71: {  	s9 =	sadd.s32 s9, s22  }
0x72: {  	[sflag:s21] =	ssyncset.done $0x0;
	s9 =	sshrl.u32 s9, $0x3  }
0x73: {  	[sflag:s21] =	ssyncadd.s32 $0xFFFFD800;
	s23 =	sadd.s32 s5, s9  }
0x74: {  	[tilespmem:s25], [sflag:$0x3] =	stream.linear.gather [hbm4b:s23+s4], $0x50, $0x38;
	[tilespmem:$0x1E000] =	vst v63  }
0x75: {  	s9 =	sadd.s32 s6, s9  }
0x76: {  	[tilespmem:s26], [sflag:$0x3] =	stream.linear.gather [hbm4b:s9+s4], $0x50, $0x38;
	[tilespmem:$0x1E000] =	vst v63  }
0x77: {  	_ =	swait.ge [sflag:s31], $0x50  }
0x78: {  	[sflag:s31] =	ssyncset.done $0x0  }
0x79: {  	[sflag:s31] =	ssyncadd.s32 $0xFFFFFFB0  }
0x7a: {  	_ =	swait.ge [sflag:s31], $0x50  }
0x7b: {  	[sflag:s31] =	ssyncset.done $0x0  }
0x7c: {  	[sflag:s31] =	ssyncadd.s32 $0xFFFFFFB0  }
0x7d: {  	[tilespmem:s8], [sflag:$0x5] =	stream.indirect.gather [hbm4b:s1+s0], $0x80, s20, s0, $0xb8;
	[tilespmem:$0x1E000] =	vst v63  }
0x7e: {  	_ =	swait.ge [sflag:s17], $0x2800  }
0x7f: {  	[sflag:s17] =	ssyncset.done $0x0  }
0x80: {  	s24 =	smin.u32 s4, $0x75;
	[sflag:s17] =	ssyncadd.s32 $0xFFFFD800  }
0x81: {  	[spmem:s3] =	stream.indirect.scatter.add.f32 [tilespmem:s15], [sflag:$0x9], $0x80, s2, s0, $0xb8;
	[tilespmem:$0x1E000] =	vst v63  }
0x82: {  	s9 =	smul.u32 $0x50, s24;
	_ =	swait.ge [sflag:s21], $0x2800  }
0x83: {  	s25 =	rddreg [dreg:$0x6]  }
0x84: {  	s9 =	sadd.s32 s9, s25  }
0x85: {  	[sflag:s21] =	ssyncset.done $0x0;
	s9 =	sshrl.u32 s9, $0x3  }
0x86: {  	[sflag:s21] =	ssyncadd.s32 $0xFFFFD800;
	s26 =	sadd.s32 s5, s9  }
0x87: {  	[tilespmem:s28], [sflag:$0x4] =	stream.linear.gather [hbm4b:s26+s4], $0x50, $0x38;
	[tilespmem:$0x1E000] =	vst v63  }
0x88: {  	s9 =	sadd.s32 s6, s9  }
0x89: {  	[tilespmem:s2], [sflag:$0x4] =	stream.linear.gather [hbm4b:s9+s4], $0x50, $0x38;
	[tilespmem:$0x1E000] =	vst v63  }
0x8a: {  	_ =	swait.ge [sflag:s7], $0x50  }
0x8b: {  	[sflag:s7] =	ssyncset.done $0x0  }
0x8c: {  	[sflag:s7] =	ssyncadd.s32 $0xFFFFFFB0  }
0x8d: {  	s10 =	simm.s32 $0x19000;
	s23 =	simm.s32 $0x13C00;
	_ =	swait.ge [sflag:s7], $0x50  }
0x8e: {  	s20 =	sadd.s32 $0x140, s18;
	s28 =	simm.s32 $0x13E80;
	[sflag:s7] =	ssyncset.done $0x0  }
0x8f: {  	s9 =	simm.s32 $0x4;
	s2 =	simm.s32 $0x13F80;
	[sflag:s7] =	ssyncadd.s32 $0xFFFFFFB0  }
.LBB2_2:
0x90: {  	s26 =	simm.s32 $0x13C80;
	s15 =	simm.s32 $0x16800;
	s8 =	simm.s32 $0x5  }
0x91: {  	[tilespmem:s15], [sflag:$0x6] =	stream.indirect.gather [hbm4b:s1+s0], $0x80, s26, s0, $0xb8;
	[tilespmem:$0x1E000] =	vst v63  }
0x92: {  	_ =	swait.ge [sflag:s8], $0x2800  }
0x93: {  	[sflag:s8] =	ssyncset.done $0x0  }
0x94: {  	s25 =	simm.s32 $0x13E00;
	[sflag:s8] =	ssyncadd.s32 $0xFFFFD800;
	s8 =	simm.s32 $0x14000  }
0x95: {  	[spmem:s3] =	stream.indirect.scatter.add.f32 [tilespmem:s8], [sflag:$0x9], $0x80, s25, s0, $0xb8;
	[tilespmem:$0x1E000] =	vst v63  }
0x96: {  	_ =	swait.ge [sflag:s21], $0x2800  }
0x97: {  	s18 =	sshrl.u32 s20, $0x3;
	[sflag:s21] =	ssyncset.done $0x0  }
0x98: {  	s22 =	sadd.s32 s5, s18;
	[sflag:s21] =	ssyncadd.s32 $0xFFFFD800  }
0x99: {  	[tilespmem:s23], [sflag:$0x1] =	stream.linear.gather [hbm4b:s22+s4], $0x50, $0x38;
	[tilespmem:$0x1E000] =	vst v63  }
0x9a: {  	s18 =	sadd.s32 s6, s18  }
0x9b: {  	[tilespmem:s25], [sflag:$0x1] =	stream.linear.gather [hbm4b:s18+s4], $0x50, $0x38;
	[tilespmem:$0x1E000] =	vst v63  }
0x9c: {  	_ =	swait.ge [sflag:s11], $0x50  }
0x9d: {  	[sflag:s11] =	ssyncset.done $0x0  }
0x9e: {  	[sflag:s11] =	ssyncadd.s32 $0xFFFFFFB0  }
0x9f: {  	_ =	swait.ge [sflag:s11], $0x50  }
0xa0: {  	[sflag:s11] =	ssyncset.done $0x0  }
0xa1: {  	[sflag:s11] =	ssyncadd.s32 $0xFFFFFFB0  }
0xa2: {  	[tilespmem:s10], [sflag:$0x7] =	stream.indirect.gather [hbm4b:s1+s0], $0x80, s29, s0, $0xb8;
	[tilespmem:$0x1E000] =	vst v63  }
0xa3: {  	_ =	swait.ge [sflag:s13], $0x2800  }
0xa4: {  	s19 =	smov.u32 s9;
	[sflag:s13] =	ssyncset.done $0x0  }
0xa5: {  	s22 =	smin.u32 s19, $0x77;
	[sflag:s13] =	ssyncadd.s32 $0xFFFFD800  }
0xa6: {  	[spmem:s3] =	stream.indirect.scatter.add.f32 [tilespmem:s15], [sflag:$0x9], $0x80, s28, s0, $0xb8;
	[tilespmem:$0x1E000] =	vst v63  }
0xa7: {  	s18 =	smul.u32 $0x50, s22;
	_ =	swait.ge [sflag:s21], $0x2800  }
0xa8: {  	s25 =	rddreg [dreg:$0x4]  }
0xa9: {  	s18 =	sadd.s32 s18, s25  }
0xaa: {  	[sflag:s21] =	ssyncset.done $0x0;
	s18 =	sshrl.u32 s18, $0x3  }
0xab: {  	[sflag:s21] =	ssyncadd.s32 $0xFFFFD800;
	s22 =	sadd.s32 s5, s18  }
0xac: {  	[tilespmem:s26], [sflag:$0x2] =	stream.linear.gather [hbm4b:s22+s4], $0x50, $0x38;
	[tilespmem:$0x1E000] =	vst v63  }
0xad: {  	s18 =	sadd.s32 s6, s18  }
0xae: {  	[tilespmem:s28], [sflag:$0x2] =	stream.linear.gather [hbm4b:s18+s4], $0x50, $0x38;
	[tilespmem:$0x1E000] =	vst v63  }
0xaf: {  	_ =	swait.ge [sflag:s14], $0x50  }
0xb0: {  	[sflag:s14] =	ssyncset.done $0x0  }
0xb1: {  	[sflag:s14] =	ssyncadd.s32 $0xFFFFFFB0  }
0xb2: {  	_ =	swait.ge [sflag:s14], $0x50  }
0xb3: {  	[sflag:s14] =	ssyncset.done $0x0  }
0xb4: {  	s15 =	simm.s32 $0x1B800;
	[sflag:s14] =	ssyncadd.s32 $0xFFFFFFB0  }
0xb5: {  	[tilespmem:s15], [sflag:$0x8] =	stream.indirect.gather [hbm4b:s1+s0], $0x80, s30, s0, $0xb8;
	[tilespmem:$0x1E000] =	vst v63  }
0xb6: {  	_ =	swait.ge [sflag:s16], $0x2800  }
0xb7: {  	[sflag:s16] =	ssyncset.done $0x0  }
0xb8: {  	s26 =	simm.s32 $0x13F00;
	s18 =	smin.u32 s19, $0x76;
	[sflag:s16] =	ssyncadd.s32 $0xFFFFD800  }
0xb9: {  	[spmem:s3] =	stream.indirect.scatter.add.f32 [tilespmem:s10], [sflag:$0x9], $0x80, s26, s0, $0xb8;
	[tilespmem:$0x1E000] =	vst v63  }
0xba: {  	s18 =	smul.u32 $0x50, s18;
	_ =	swait.ge [sflag:s21], $0x2800  }
0xbb: {  	s22 =	rddreg [dreg:$0x5]  }
0xbc: {  	s18 =	sadd.s32 s18, s22  }
0xbd: {  	[sflag:s21] =	ssyncset.done $0x0;
	s18 =	sshrl.u32 s18, $0x3  }
0xbe: {  	[sflag:s21] =	ssyncadd.s32 $0xFFFFD800;
	s22 =	sadd.s32 s5, s18  }
0xbf: {  	[tilespmem:s29], [sflag:$0x3] =	stream.linear.gather [hbm4b:s22+s4], $0x50, $0x38;
	[tilespmem:$0x1E000] =	vst v63  }
0xc0: {  	s18 =	sadd.s32 s6, s18  }
0xc1: {  	[tilespmem:s26], [sflag:$0x3] =	stream.linear.gather [hbm4b:s18+s4], $0x50, $0x38;
	[tilespmem:$0x1E000] =	vst v63  }
0xc2: {  	_ =	swait.ge [sflag:s31], $0x50  }
0xc3: {  	[sflag:s31] =	ssyncset.done $0x0  }
0xc4: {  	[sflag:s31] =	ssyncadd.s32 $0xFFFFFFB0  }
0xc5: {  	_ =	swait.ge [sflag:s31], $0x50  }
0xc6: {  	[sflag:s31] =	ssyncset.done $0x0  }
0xc7: {  	[sflag:s31] =	ssyncadd.s32 $0xFFFFFFB0  }
0xc8: {  	[tilespmem:s8], [sflag:$0x5] =	stream.indirect.gather [hbm4b:s1+s0], $0x80, s23, s0, $0xb8;
	[tilespmem:$0x1E000] =	vst v63  }
0xc9: {  	_ =	swait.ge [sflag:s17], $0x2800  }
0xca: {  	[sflag:s17] =	ssyncset.done $0x0  }
0xcb: {  	s19 =	smin.u32 s19, $0x75;
	[sflag:s17] =	ssyncadd.s32 $0xFFFFD800  }
0xcc: {  	[spmem:s3] =	stream.indirect.scatter.add.f32 [tilespmem:s15], [sflag:$0x9], $0x80, s2, s0, $0xb8;
	[tilespmem:$0x1E000] =	vst v63  }
0xcd: {  	s18 =	smul.u32 $0x50, s19;
	_ =	swait.ge [sflag:s21], $0x2800  }
0xce: {  	s8 =	rddreg [dreg:$0x6]  }
0xcf: {  	s18 =	sadd.s32 s18, s8  }
0xd0: {  	[sflag:s21] =	ssyncset.done $0x0;
	s18 =	sshrl.u32 s18, $0x3  }
0xd1: {  	[sflag:s21] =	ssyncadd.s32 $0xFFFFD800;
	s8 =	sadd.s32 s5, s18  }
0xd2: {  	[tilespmem:s30], [sflag:$0x4] =	stream.linear.gather [hbm4b:s8+s4], $0x50, $0x38;
	[tilespmem:$0x1E000] =	vst v63  }
0xd3: {  	s18 =	sadd.s32 s6, s18  }
0xd4: {  	[tilespmem:s2], [sflag:$0x4] =	stream.linear.gather [hbm4b:s18+s4], $0x50, $0x38;
	[tilespmem:$0x1E000] =	vst v63  }
0xd5: {  	p0 =	sne.s32 s9, $0x78;
	_ =	swait.ge [sflag:s7], $0x50  }
.Ltmp0:
0xd6: {  	[sflag:s7] =	ssyncset.done $0x0;
	(pc) =	sbr.rel @p0 .LBB2_2-.Ltmp0, $4  }
0xd7: {  	[sflag:s7] =	ssyncadd.s32 $0xFFFFFFB0  }
0xd8: {  	s9 =	sadd.s32 $0x4, s9;
	s24 =	simm.s32 $0x13E00;
	_ =	swait.ge [sflag:s7], $0x50  }
0xd9: {  	s12 =	simm.s32 $0x16800;
	s20 =	sadd.s32 $0x140, s20;
	[sflag:s7] =	ssyncset.done $0x0  }
0xda: {  	s25 =	simm.s32 $0x13C80;
	s22 =	simm.s32 $0x14000;
	[sflag:s7] =	ssyncadd.s32 $0xFFFFFFB0  }
0xdb: {  	[tilespmem:s12], [sflag:$0x6] =	stream.indirect.gather [hbm4b:s1+s0], $0x80, s25, s0, $0xb8;
	[tilespmem:$0x1E000] =	vst v63  }
0xdc: {  	s2 =	simm.s32 $0x5  }
0xdd: {  	_ =	swait.ge [sflag:s2], $0x2800  }
0xde: {  	[sflag:s2] =	ssyncset.done $0x0  }
0xdf: {  	[sflag:s2] =	ssyncadd.s32 $0xFFFFD800  }
0xe0: {  	[spmem:s3] =	stream.indirect.scatter.add.f32 [tilespmem:s22], [sflag:$0x9], $0x80, s24, s0, $0xb8;
	[tilespmem:$0x1E000] =	vst v63  }
0xe1: {  	_ =	swait.ge [sflag:s21], $0x2800  }
0xe2: {  	[sflag:s21] =	ssyncset.done $0x0  }
0xe3: {  	[sflag:s21] =	ssyncadd.s32 $0xFFFFD800  }
0xe4: {  	_ =	swait.ge [sflag:s13], $0x2800  }
0xe5: {  	[sflag:s13] =	ssyncset.done $0x0  }
0xe6: {  	[sflag:s13] =	ssyncadd.s32 $0xFFFFD800  }
0xe7: {  	_ =	swait.ge [sflag:s11], $0x50  }
0xe8: {  	[sflag:s11] =	ssyncset.done $0x0  }
0xe9: {  	[sflag:s11] =	ssyncadd.s32 $0xFFFFFFB0  }
0xea: {  	_ =	swait.ge [sflag:s11], $0x50  }
0xeb: {  	[sflag:s11] =	ssyncset.done $0x0  }
0xec: {  	[sflag:s11] =	ssyncadd.s32 $0xFFFFFFB0  }
0xed: {  	_ =	swait.ge [sflag:s14], $0x50  }
0xee: {  	[sflag:s14] =	ssyncset.done $0x0  }
0xef: {  	[sflag:s14] =	ssyncadd.s32 $0xFFFFFFB0  }
0xf0: {  	_ =	swait.ge [sflag:s14], $0x50  }
0xf1: {  	[sflag:s14] =	ssyncset.done $0x0  }
0xf2: {  	[sflag:s14] =	ssyncadd.s32 $0xFFFFFFB0  }
0xf3: {  	[bflag:$0x0] =	sbarrier.arrive $0xFFFF  }
0xf4: {  	s18 =	rddreg [dreg:$0x9]  }
0xf5: {  	s9 =	rddreg [dreg:$0x12]  }
0xf6: {  	s24 =	rddreg [dreg:$0x16]  }
0xf7: {  	[hbm:s9], [sflag:s18] =	dma.local [spmem:s24], $0x2780  }
0xf8: {  	_ =	swait.ge [sflag:s21], $0x2780  }
0xf9: {  	s8 =	rddreg [dreg:$0x15]  }
0xfa: {  	s25 =	rddreg [dreg:$0x13];
	s8 =	sadd.s32 $0x1, s8  }
0xfb: {  	p0 =	sne.s32 s8, s25  }
.Ltmp1:
0xfc: {  	_ = 	snop;
	(pc) =	sbr.rel @p0 .LBB2_1-.Ltmp1, $4  }
0xfd: {  	_ = 	snop  }
0xfe: {  	s20 =	simm.s32 $0x13C00;
	s28 =	simm.s32 $0x13D80  }
0xff: {  	s10 =	simm.s32 $0x19000;
	s2 =	simm.s32 $0x13F80;
	[sflag:s21] =	ssyncset.done $0x0  }
0x100: {  	s24 =	simm.s32 $0x13E80;
	[sflag:s21] =	ssyncadd.s32 $0xFFFFD880;
	s25 =	simm.s32 $0x13D00  }
0x101: {  	_ =	sfence.sel $0x180000  }
0x102: {  	[bflag:$0x0] =	sbarrier.arrive $0xFFFF  }
0x103: {  	_ =	strace $0x9000004D  }
0x104: {  	s0 =	stileid.u32;
	[bflag:$0x2] =	sbarrier.arrive $0xFFFF  }
0x105: {  	p0 =	sne.s32 s0, $0x0;
	s0 =	rddreg [dreg:$0x3]  }
0x106: {  	s0 =	sadd.s32 @!p0 $0x100000, s0  }
0x107: {  	[sflag:s0] =	ssyncadd.tile.s32 @!p0 $0x1;
	_ =	shalt  }
.Lfunc_end2:
_tile_overlayer_lowered:
.L_overlay_start_2:
0x108: {  	(tag) =	ssettag $0x2  }
0x109: {  	s0 =	rddreg [dreg:$0x0];
	s2 =	stileid.u32  }
0x10a: {  	s1 =	rddreg [dreg:$0x1];
	p0 =	sne.s32 s2, $0x0  }
0x10b: {  	s3 =	rddreg [dreg:$0x2];
	[bflag:$0x3] =	sbarrier.arrive $0xFFFF;
	s2 =	simm.s32 @!p0 $0x1C09  }
0x10c: {  	[timem:s3], [sflag:s2] =	dma.local @!p0 [hbm:s0], s1  }
0x10d: {  	s0 =	simm.s32 @!p0 $0x9  }
0x10e: {  	_ =	swait.ge @!p0 [sflag:s0], s1  }
0x10f: {  	s1 =	ssub.s32 @!p0 $0x0, s1;
	[sflag:s0] =	ssyncset.done @!p0 $0x0  }
0x110: {  	[sflag:s0] =	ssyncadd.s32 @!p0 s1  }
0x111: {  	[bflag:$0x3] =	sbarrier.arrive $0xFFFF  }
0x112: {  	_ =	shalt  }

// kernel: kernel.19.cloned.1.call-start
scs
__scs_entry_jumppad:
0x0: {  	(pc) =	sbr.rel $0x88, $3  }
0x1: {  	(tag) =	ssettag $0x0;
	lr =	simm.s32 $0x1  }
0x2: {  	[smem:$0x3F95] =	sst lr;
	_ =	strace $0xD0000000  }
0x3: {  	_ = 	snop  }
0x4: {  	_ = 	snop  }
0x5: {  	_ = 	snop  }
0x6: {  	_ = 	snop  }
0x7: {  	_ = 	snop  }
__scs_overlays_trampoline_lowered:
0x8: {  	[smem:$0x3FA4] =	sst s0  }
0x9: {  	[smem:$0x3FA5] =	sst s1  }
0xa: {  	[smem:$0x3FA6] =	sst s2  }
0xb: {  	[smem:$0x3FA7] =	sst s3  }
0xc: {  	[smem:$0x3FA8] =	sst s4  }
0xd: {  	[smem:$0x3FA9] =	sst s5  }
0xe: {  	[smem:$0x3FAA] =	sst s6  }
0xf: {  	[smem:$0x3FAB] =	sst s7  }
0x10: {  	[smem:$0x3FAC] =	sst s8  }
0x11: {  	[smem:$0x3FAD] =	sst s9;
	s0 =	simm.s32 @!p0 $0x0  }
0x12: {  	s1 =	sld [smem:$0x3F93];
	s0 =	simm.s32 @p0 $0x1  }
0x13: {  	[smem:$0x3FAE] =	sst s0;
	s0 =	simm.s32 @!p1 $0x0  }
0x14: {  	s2 =	sld [smem:$0x3F92];
	s0 =	simm.s32 @p1 $0x1  }
0x15: {  	[smem:$0x3FAF] =	sst s0;
	s0 =	simm.s32 @!p2 $0x0  }
0x16: {  	s3 =	sld [smem:$0x3FDB];
	s0 =	simm.s32 @p2 $0x1  }
0x17: {  	s4 =	simm.s32 $0x1BF5;
	[smem:$0x3FB1] =	sst s0  }
0x18: {  	s0 =	sld [smem:$0x3F94];
	_ =	swait.ge [sflag:s4], $0x0  }
0x19: {  	s7 =	sld [smem:$0x3F95]  }
0x1a: {  	s8 =	sadd.s32 $0xFFFFE003, lr  }
0x1b: {  	s9 =	sadd.s32 $0xFFFFFEF7, lr;
	s5 =	simm.s32 $0xFFFFFFFF;
	p2 =	slt.u32 s8, $0xFFFFF086  }
0x1c: {  	p1 =	slt.u32 s9, $0xF7A;
	s5 =	simm.s32 @!p2 $0x0  }
0x1d: {  	s5 =	simm.s32 @p1 $0x1;
	p0 =	seq.s32 s7, s2  }
0x1e: {  	s7 =	smul.u32 @!p0 $0xF7A, s2;
	p2 =	seq.s32 @!p0 s5, $0x0  }
0x1f: {  	s9 =	smul.u32 $0xF7A, s1;
	s8 =	simm.s32 @!p0 $0x1BF5;
	p2 =	por !p2, p0  }
0x20: {  	[sflag:s8] =	ssyncset.s32 @!p0 $0xFFFFF086;
	s6 =	sadd.s32 @!p0 s3, s7;
	s7 =	simm.s32 @!p0 $0x108  }
0x21: {  	s3 =	sadd.s32 s3, s9;
	s6 =	sadd.s32 @!p0 $0x88, s6;
	s7 =	simm.s32 @p2 $0x1082  }
0x22: {  	[simem:s7], [sflag:s8] =	dma.local @!p0 [hbm:s6], $0xF7A  }
0x23: {  	s9 =	sor.u32 $0xD0000000, s2;
	s6 =	simm.s32 $0x108;
	_ =	swait.ge @!p0 [sflag:s8], $0x0  }
0x24: {  	s3 =	sadd.s32 $0x88, s3;
	s6 =	simm.s32 @!p1 $0x1082;
	[sflag:s4] =	ssyncset.s32 $0xFFFFF086  }
0x25: {  	[simem:s6], [sflag:s4] =	dma.local [hbm:s3], $0xF7A  }
0x26: {  	[smem:$0x3F95] =	sst s1;
	(tag) =	ssettag s2;
	_ =	strace s9  }
0x27: {  	s1 =	sld [smem:$0x3FA5]  }
0x28: {  	s2 =	sld [smem:$0x3FA6]  }
0x29: {  	s4 =	sld [smem:$0x3FA8]  }
0x2a: {  	p0 =	seq.s32 s5, $0x0;
	s5 =	sld [smem:$0x3FA9]  }
0x2b: {  	s6 =	sld [smem:$0x3FAA]  }
0x2c: {  	s7 =	sld [smem:$0x3FAB]  }
0x2d: {  	s3 =	simm.s32 $0x108;
	s8 =	sld [smem:$0x3FAC]  }
0x2e: {  	s3 =	simm.s32 @!p0 $0x1082;
	s9 =	sld [smem:$0x3FAD]  }
0x2f: {  	lr =	sadd.s32 s0, s3;
	s0 =	sld [smem:$0x3FA4]  }
0x30: {  	s3 =	sld [smem:$0x3FA7]  }
0x31: {  	[smem:$0x3FB0] =	sst s10  }
0x32: {  	s10 =	sld [smem:$0x3FAE];
	_ =	sdelay $0x3  }
0x33: {  	p0 =	seq.s32 s10, $0x1;
	s10 =	sld [smem:$0x3FB0];
	_ =	sdelay $0x3  }
0x34: {  	[smem:$0x3FB0] =	sst s10  }
0x35: {  	s10 =	sld [smem:$0x3FAF];
	_ =	sdelay $0x3  }
0x36: {  	p1 =	seq.s32 s10, $0x1;
	s10 =	sld [smem:$0x3FB0];
	_ =	sdelay $0x3  }
0x37: {  	[smem:$0x3FB0] =	sst s10  }
0x38: {  	s10 =	sld [smem:$0x3FB1]  }
0x39: {  	_ = 	snop;
	(pc) =	sbr.ind lr, $3  }
0x3a: {  	_ = 	snop  }
0x3b: {  	_ = 	snop  }
0x3c: {  	p2 =	seq.s32 s10, $0x1;
	s10 =	sld [smem:$0x3FB0]  }
0x3d: {  	_ =	shalt  }
0x3e: {  	_ =	shalt  }
0x3f: {  	_ =	shalt  }
0x40: {  	_ =	shalt  }
0x41: {  	_ =	shalt  }
0x42: {  	_ =	shalt  }
0x43: {  	_ =	shalt  }
0x44: {  	_ =	shalt  }
0x45: {  	_ =	shalt  }
0x46: {  	_ =	shalt  }
0x47: {  	_ =	shalt  }
0x48: {  	_ =	shalt  }
0x49: {  	_ =	shalt  }
0x4a: {  	_ =	shalt  }
0x4b: {  	_ =	shalt  }
0x4c: {  	_ =	shalt  }
0x4d: {  	_ =	shalt  }
0x4e: {  	_ =	shalt  }
0x4f: {  	_ =	shalt  }
0x50: {  	_ =	shalt  }
0x51: {  	_ =	shalt  }
0x52: {  	_ =	shalt  }
0x53: {  	_ =	shalt  }
0x54: {  	_ =	shalt  }
0x55: {  	_ =	shalt  }
0x56: {  	_ =	shalt  }
0x57: {  	_ =	shalt  }
0x58: {  	_ =	shalt  }
0x59: {  	_ =	shalt  }
0x5a: {  	_ =	shalt  }
0x5b: {  	_ =	shalt  }
0x5c: {  	_ =	shalt  }
0x5d: {  	_ =	shalt  }
0x5e: {  	_ =	shalt  }
0x5f: {  	_ =	shalt  }
0x60: {  	_ =	shalt  }
0x61: {  	_ =	shalt  }
0x62: {  	_ =	shalt  }
0x63: {  	_ =	shalt  }
0x64: {  	_ =	shalt  }
0x65: {  	_ =	shalt  }
0x66: {  	_ =	shalt  }
0x67: {  	_ =	shalt  }
0x68: {  	_ =	shalt  }
0x69: {  	_ =	shalt  }
0x6a: {  	_ =	shalt  }
0x6b: {  	_ =	shalt  }
0x6c: {  	_ =	shalt  }
0x6d: {  	_ =	shalt  }
0x6e: {  	_ =	shalt  }
0x6f: {  	_ =	shalt  }
0x70: {  	_ =	shalt  }
0x71: {  	_ =	shalt  }
0x72: {  	_ =	shalt  }
0x73: {  	_ =	shalt  }
0x74: {  	_ =	shalt  }
0x75: {  	_ =	shalt  }
0x76: {  	_ =	shalt  }
0x77: {  	_ =	shalt  }
0x78: {  	_ =	shalt  }
0x79: {  	_ =	shalt  }
0x7a: {  	_ =	shalt  }
0x7b: {  	_ =	shalt  }
0x7c: {  	_ =	shalt  }
0x7d: {  	_ =	shalt  }
0x7e: {  	_ =	shalt  }
0x7f: {  	_ =	shalt  }
0x80: {  	_ =	shalt  }
0x81: {  	_ =	shalt  }
0x82: {  	_ =	shalt  }
0x83: {  	_ =	shalt  }
0x84: {  	_ =	shalt  }
0x85: {  	_ =	shalt  }
0x86: {  	_ =	shalt  }
0x87: {  	_ =	shalt  }
.Lfunc_end0:
.L_simem_size_0:
called_computation.3_lowered:
.L_overlay_start_0:
0x88: {  	s2 =	sld [smem:$0x3FD9]  }
0x89: {  	s3 =	sld [smem:$0x3FFE];
	_ =	sdelay $0x1  }
0x8a: {  	s1 =	srdreg.scid  }
0x8b: {  	s0 =	sand.u32 $0x1, s1  }
0x8c: {  	s17 =	sshll.u32 s0, $0xA;
	s2 =	sadd.s32 s3, s2  }
0x8d: {  	s2 =	sadd.s32 s2, s17  }
0x8e: {  	[smem:$0x3FBC] =	sst s2  }
0x8f: {  	_ = 	snop  }
0x90: {  	s2 =	sld [smem:$0x3FD0];
	(tm) =	ssettm $0x1  }
0x91: {  	s18 =	sld [smem:$0x3FFB];
	_ =	sdelay $0x3  }
0x92: {  	_ =	strace s18  }
0x93: {  	s3 =	sld [smem:$0x3FFC];
	_ =	sdelay $0x3  }
0x94: {  	_ =	strace s3  }
0x95: {  	s3 =	sld [smem:$0x3FFD];
	_ =	sdelay $0x3  }
0x96: {  	_ =	strace s3  }
0x97: {  	_ =	strace $0x8FFFFFFF  }
0x98: {  	s19 =	sld [smem:$0x3FDB];
	_ =	sdelay $0x1  }
0x99: {  	s4 =	simm.s32 $_scs_section_size  }
0x9a: {  	s5 =	simm.s32 $_size__tile_overlayer_lowered;
	s6 =	simm.s32 $_tile_overlayer_lowered  }
0x9b: {  	s22 =	simm.s32 $0x1BFF;
	s21 =	sshll.u32 s6, $0x1;
	s3 =	sadd.s32 s4, s19  }
0x9c: {  	s7 =	simm.s32 $0x0;
	s20 =	sshll.u32 s5, $0x1;
	s5 =	sadd.s32 s21, s3  }
0x9d: {  	[timem:s7], [sflag:s22] =	dma.local [hbm:s5], s20  }
0x9e: {  	_ =	swait.ge [sflag:s22], s20  }
0x9f: {  	s4 =	ssub.s32 $0x0, s20;
	[sflag:s22] =	ssyncset.done $0x0  }
0xa0: {  	[sflag:s22] =	ssyncadd.s32 s4;
	_ =	sdelay $0x1  }
0xa1: {  	s23 =	simm.s32 $0x1B8B  }
0xa2: {  	_ =	swait.ge [sflag:s23], $0x1  }
0xa3: {  	[sflag:s23] =	ssyncset.done $0x0  }
0xa4: {  	s25 =	simm.s32 $0x1B8E;
	s24 =	sld [smem:$0x3FFE];
	[sflag:s23] =	ssyncadd.s32 $0xFFFFFFFF  }
0xa5: {  	s26 =	simm.s32 $execute0_lowered;
	[smem:$0x3FD2] =	sst s25  }
0xa6: {  	s5 =	sshll.u32 s26, $0x1;
	_ =	strace $0x8000004F;
	[dreg:$0x1] =	wrdreg $0xFFFFFFFF  }
0xa7: {  	s28 =	simm.s32 $_size_execute0_lowered;
	s3 =	sadd.s32 s3, s5;
	[dreg:$0x0] =	wrdreg $0x0  }
0xa8: {  	s5 =	sshll.u32 s28, $0x1;
	[dreg:$0x2] =	wrdreg s3  }
0xa9: {  	[dreg:$0x3] =	wrdreg s5  }
0xaa: {  	[dreg:$0x4] =	wrdreg $0xC0  }
0xab: {  	_ =	task [dreg:s7], $0x5FFFF  }
0xac: {  	[dreg:$0x1] =	wrdreg $0xFFFFFFFF  }
0xad: {  	[dreg:$0x0] =	wrdreg $0x60  }
0xae: {  	[dreg:$0x2] =	wrdreg s2  }
0xaf: {  	[dreg:$0x3] =	wrdreg s24  }
0xb0: {  	[dreg:$0x4] =	wrdreg $0x0  }
0xb1: {  	[dreg:$0x5] =	wrdreg $0x9  }
0xb2: {  	_ =	task.clear_ibuf [dreg:s7], $0x6FFFF;
	_ =	strace $0x9000004F  }
0xb3: {  	s29 =	simm.s32 $0x9;
	_ =	strace $0x80000051  }
0xb4: {  	_ =	swait.ge [sflag:s29], $0x1  }
0xb5: {  	[sflag:s29] =	ssyncadd.s32 $0xFFFFFFFF  }
0xb6: {  	_ =	strace $0x90000051  }
0xb7: {  	_ =	sfence  }
0xb8: {  	s30 =	sld [smem:$0x0];
	_ =	sdelay $0x2  }
0xb9: {  	s31 =	sshll.u32 s1, $0xD;
	s1 =	sshrl.u32 s1, $0x2  }
0xba: {  	s3 =	sand.u32 $0x4000, s31;
	s1 =	sadd.s32 s1, s30  }
0xbb: {  	s0 =	sor.u32 s3, s0;
	s1 =	sshll.u32 s1, $0x11  }
0xbc: {  	s0 =	sor.u32 s1, s0  }
0xbd: {  	s0 =	sadd.s32 $0x8F2B, s0  }
0xbe: {  	[sflag:s0] =	ssyncadd.remote.s32 $0x1  }
0xbf: {  	_ =	sfence.sel $0xFFFF  }
0xc0: {  	[dreg:$0x0] =	wrdreg $0xFFFFFFFF;
	(pc) =	sbr.abs _section_cstart, $3  }
0xc1: {  	[dreg:$0x1] =	wrdreg $0xFFFFFFFF  }
0xc2: {  	_ =	task.clear_ibuf [dreg:s7], $0x2FFFF;
	_ =	strace $0x9FFFFFFF  }
0xc3: {  	(tm) =	ssettm $0x7FFFFFFF  }
tec
execute0_lowered:
.L_overlay_start_1:
0x0: {  	(tag) =	ssettag $0x1  }
0x1: {  	s1 =	rddreg [dreg:$0x0]  }
0x2: {  	s0 =	rddreg [dreg:$0x1]  }
0x3: {  	s3 =	rddreg [dreg:$0x2];
	s4 =	simm.s32 $0x0  }
0x4: {  	s12 =	stileid.u32;
	s2 =	srdreg.scid;
	s28 =	simm.s32 $0x13D80  }
0x5: {  	s31 =	simm.s32 $0x1;
	s30 =	simm.s32 $0x13D80;
	s7 =	smul.u32 $0x13C00, s12  }
0x6: {  	s29 =	simm.s32 $0x13D00;
	[smem:$0x7FF] =	sst s4;
	s9 =	smul.u32 $0x4F000, s12  }
0x7: {  	s2 =	sand.u32 $0x1, s2;
	s5 =	sadd.s32 $0x4200, s0;
	s11 =	smul.u32 $0x2710, s12  }
0x8: {  	s6 =	sadd.s32 $0xE000, s0;
	s25 =	sshll.u32 s12, $0x6;
	s8 =	smul.u32 $0x13C000, s2  }
0x9: {  	_ =	strace $0x80000050;
	s22 =	smul.u32 $0x27100, s2;
	s2 =	ssub.s32 $0x2, s2  }
0xa: {  	s18 =	sor.u32 $0x1C09, s25;
	s10 =	sshrl.u32 s7, $0x3;
	s23 =	sshrl.u32 s2, $0x1  }
0xb: {  	s24 =	sshrl.u32 s9, $0x2;
	[dreg:$0x9] =	wrdreg s18;
	s7 =	sadd.s32 s7, s8  }
0xc: {  	s10 =	sadd.s32 s10, s0;
	s2 =	ssub.s32 s2, s23;
	s8 =	sadd.s32 s11, s22  }
0xd: {  	s11 =	simm.s32 $0x3;
	s7 =	sshrl.u32 s7, $0x3;
	s10 =	sadd.s32 $0x17E00, s10  }
0xe: {  	s26 =	sshrl.u32 s8, $0x3;
	s21 =	sadd.s32 $0x190, s8;
	[dreg:$0x8] =	wrdreg s10  }
0xf: {  	s23 =	sadd.s32 $0x1E0, s8;
	s25 =	smax.u32 s2, $0x1;
	[dreg:$0x4] =	wrdreg s21  }
0x10: {  	s2 =	simm.s32 $0x13F80;
	s0 =	sadd.s32 s7, s0;
	[dreg:$0x5] =	wrdreg s23  }
0x11: {  	s7 =	sadd.s32 s24, s3;
	s12 =	sadd.s32 s5, s26;
	[dreg:$0x13] =	wrdreg s25  }
0x12: {  	s13 =	sadd.s32 s6, s26;
	s14 =	sadd.s32 $0xA, s26;
	[dreg:$0x7] =	wrdreg s7  }
0x13: {  	s15 =	sadd.s32 $0x14, s26;
	s20 =	sadd.s32 $0x1E, s26;
	[dreg:$0xa] =	wrdreg s12  }
0x14: {  	s24 =	sadd.s32 $0x230, s8;
	s26 =	sadd.s32 $0x140, s8;
	[dreg:$0xb] =	wrdreg s13  }
0x15: {  	s21 =	simm.s32 $0x9;
	s25 =	simm.s32 $0x13D00;
	[dreg:$0x6] =	wrdreg s24  }
0x16: {  	s10 =	simm.s32 $0x19000;
	s16 =	sadd.s32 s5, s14;
	[dreg:$0x14] =	wrdreg s26  }
0x17: {  	s8 =	simm.s32 $0x0;
	s7 =	sadd.s32 s6, s14;
	[dreg:$0xc] =	wrdreg s16  }
0x18: {  	s17 =	sadd.s32 s5, s15;
	s19 =	sadd.s32 s6, s15;
	[dreg:$0xd] =	wrdreg s7  }
0x19: {  	s22 =	sadd.s32 s5, s20;
	s0 =	sadd.s32 $0x66800, s0;
	[dreg:$0xe] =	wrdreg s17  }
0x1a: {  	s24 =	simm.s32 $0x13E80;
	s26 =	simm.s32 $0x13F00;
	[dreg:$0xf] =	wrdreg s19  }
0x1b: {  	s13 =	simm.s32 $0x6;
	s14 =	simm.s32 $0x4;
	[dreg:$0x10] =	wrdreg s22  }
0x1c: {  	s15 =	simm.s32 $0x1B800;
	s7 =	sadd.s32 s6, s20;
	[dreg:$0x12] =	wrdreg s0  }
0x1d: {  	s20 =	simm.s32 $0x13C00;
	s0 =	simm.s32 $0x50;
	s16 =	simm.s32 $0x7  }
0x1e: {  	s17 =	simm.s32 $0x8;
	[dreg:$0x11] =	wrdreg s7;
	s7 =	simm.s32 $0x2  }
.LBB2_1:
0x1f: {  	[dreg:$0x15] =	wrdreg s8  }
0x20: {  	s9 =	rddreg [dreg:$0x7]  }
0x21: {  	s19 =	rddreg [dreg:$0x8];
	s12 =	sshrl.u32 s9, $0x3  }
0x22: {  	[dreg:$0x16] =	wrdreg s12  }
0x23: {  	[spmem:s12], [sflag:s18] =	dma.local [hbm:s19], $0x2780  }
0x24: {  	_ =	swait.ge [sflag:s21], $0x2780  }
0x25: {  	[sflag:s21] =	ssyncset.done $0x0  }
0x26: {  	[sflag:s21] =	ssyncadd.s32 $0xFFFFD880  }
0x27: {  	[bflag:$0x0] =	sbarrier.arrive $0xFFFF  }
0x28: {  	s22 =	rddreg [dreg:$0xa]  }
0x29: {  	[tilespmem:s20], [sflag:$0x1] =	stream.linear.gather [hbm4b:s22+s4], $0x50, $0x38;
	[tilespmem:$0x1E000] =	vst v63  }
0x2a: {  	s23 =	rddreg [dreg:$0xb];
	s22 =	simm.s32 $0x13E00  }
0x2b: {  	[tilespmem:s22], [sflag:$0x1] =	stream.linear.gather [hbm4b:s23+s4], $0x50, $0x38;
	[tilespmem:$0x1E000] =	vst v63  }
0x2c: {  	s8 =	rddreg [dreg:$0xc];
	s23 =	simm.s32 $0x13C80  }
0x2d: {  	[tilespmem:s23], [sflag:$0x2] =	stream.linear.gather [hbm4b:s8+s4], $0x50, $0x38;
	[tilespmem:$0x1E000] =	vst v63  }
0x2e: {  	s12 =	rddreg [dreg:$0xd]  }
0x2f: {  	[tilespmem:s24], [sflag:$0x2] =	stream.linear.gather [hbm4b:s12+s4], $0x50, $0x38;
	[tilespmem:$0x1E000] =	vst v63  }
0x30: {  	s18 =	rddreg [dreg:$0xe]  }
0x31: {  	[tilespmem:s25], [sflag:$0x3] =	stream.linear.gather [hbm4b:s18+s4], $0x50, $0x38;
	[tilespmem:$0x1E000] =	vst v63  }
0x32: {  	s19 =	rddreg [dreg:$0xf]  }
0x33: {  	[tilespmem:s26], [sflag:$0x3] =	stream.linear.gather [hbm4b:s19+s4], $0x50, $0x38;
	[tilespmem:$0x1E000] =	vst v63  }
0x34: {  	s8 =	rddreg [dreg:$0x10]  }
0x35: {  	[tilespmem:s28], [sflag:$0x4] =	stream.linear.gather [hbm4b:s8+s4], $0x50, $0x38;
	[tilespmem:$0x1E000] =	vst v63  }
0x36: {  	s12 =	rddreg [dreg:$0x11]  }
0x37: {  	[tilespmem:s2], [sflag:$0x4] =	stream.linear.gather [hbm4b:s12+s4], $0x50, $0x38;
	[tilespmem:$0x1E000] =	vst v63  }
0x38: {  	_ =	swait.ge [sflag:s31], $0x50  }
0x39: {  	[sflag:s31] =	ssyncset.done $0x0  }
0x3a: {  	[sflag:s31] =	ssyncadd.s32 $0xFFFFFFB0  }
0x3b: {  	_ =	swait.ge [sflag:s31], $0x50  }
0x3c: {  	[sflag:s31] =	ssyncset.done $0x0  }
0x3d: {  	s8 =	simm.s32 $0x14000;
	[sflag:s31] =	ssyncadd.s32 $0xFFFFFFB0  }
0x3e: {  	[tilespmem:s8], [sflag:$0x5] =	stream.indirect.gather [hbm4b:s1+s0], $0x80, s20, s0, $0xb8;
	[tilespmem:$0x1E000] =	vst v63  }
0x3f: {  	_ =	swait.ge [sflag:s7], $0x50  }
0x40: {  	[sflag:s7] =	ssyncset.done $0x0  }
0x41: {  	[sflag:s7] =	ssyncadd.s32 $0xFFFFFFB0  }
0x42: {  	_ =	swait.ge [sflag:s7], $0x50  }
0x43: {  	[sflag:s7] =	ssyncset.done $0x0  }
0x44: {  	s18 =	simm.s32 $0x5;
	s12 =	simm.s32 $0x16800;
	[sflag:s7] =	ssyncadd.s32 $0xFFFFFFB0  }
0x45: {  	[tilespmem:s12], [sflag:$0x6] =	stream.indirect.gather [hbm4b:s1+s0], $0x80, s23, s0, $0xb8;
	[tilespmem:$0x1E000] =	vst v63  }
0x46: {  	_ =	swait.ge [sflag:s18], $0x2800  }
0x47: {  	[sflag:s18] =	ssyncset.done $0x0  }
0x48: {  	[sflag:s18] =	ssyncadd.s32 $0xFFFFD800  }
0x49: {  	[spmem:s3] =	stream.indirect.scatter.add.f32 [tilespmem:s8], [sflag:$0x9], $0x80, s22, s0, $0xb8;
	[tilespmem:$0x1E000] =	vst v63  }
0x4a: {  	_ =	swait.ge [sflag:s21], $0x2800  }
0x4b: {  	s18 =	rddreg [dreg:$0x14]  }
0x4c: {  	[sflag:s21] =	ssyncset.done $0x0;
	s9 =	sshrl.u32 s18, $0x3  }
0x4d: {  	[sflag:s21] =	ssyncadd.s32 $0xFFFFD800;
	s19 =	sadd.s32 s5, s9  }
0x4e: {  	[tilespmem:s20], [sflag:$0x1] =	stream.linear.gather [hbm4b:s19+s4], $0x50, $0x38;
	[tilespmem:$0x1E000] =	vst v63  }
0x4f: {  	s9 =	sadd.s32 s6, s9  }
0x50: {  	[tilespmem:s22], [sflag:$0x1] =	stream.linear.gather [hbm4b:s9+s4], $0x50, $0x38;
	[tilespmem:$0x1E000] =	vst v63  }
0x51: {  	_ =	swait.ge [sflag:s11], $0x50  }
0x52: {  	[sflag:s11] =	ssyncset.done $0x0  }
0x53: {  	[sflag:s11] =	ssyncadd.s32 $0xFFFFFFB0  }
0x54: {  	_ =	swait.ge [sflag:s11], $0x50  }
0x55: {  	[sflag:s11] =	ssyncset.done $0x0  }
0x56: {  	[sflag:s11] =	ssyncadd.s32 $0xFFFFFFB0  }
0x57: {  	[tilespmem:s10], [sflag:$0x7] =	stream.indirect.gather [hbm4b:s1+s0], $0x80, s25, s0, $0xb8;
	[tilespmem:$0x1E000] =	vst v63  }
0x58: {  	_ =	swait.ge [sflag:s13], $0x2800  }
0x59: {  	[sflag:s13] =	ssyncset.done $0x0  }
0x5a: {  	s19 =	smin.u32 s4, $0x77;
	[sflag:s13] =	ssyncadd.s32 $0xFFFFD800  }
0x5b: {  	[spmem:s3] =	stream.indirect.scatter.add.f32 [tilespmem:s12], [sflag:$0x9], $0x80, s24, s0, $0xb8;
	[tilespmem:$0x1E000] =	vst v63  }
0x5c: {  	s9 =	smul.u32 $0x50, s19;
	_ =	swait.ge [sflag:s21], $0x2800  }
0x5d: {  	s22 =	rddreg [dreg:$0x4]  }
0x5e: {  	s9 =	sadd.s32 s9, s22  }
0x5f: {  	[sflag:s21] =	ssyncset.done $0x0;
	s9 =	sshrl.u32 s9, $0x3  }
0x60: {  	[sflag:s21] =	ssyncadd.s32 $0xFFFFD800;
	s12 =	sadd.s32 s5, s9  }
0x61: {  	[tilespmem:s23], [sflag:$0x2] =	stream.linear.gather [hbm4b:s12+s4], $0x50, $0x38;
	[tilespmem:$0x1E000] =	vst v63  }
0x62: {  	s9 =	sadd.s32 s6, s9  }
0x63: {  	[tilespmem:s24], [sflag:$0x2] =	stream.linear.gather [hbm4b:s9+s4], $0x50, $0x38;
	[tilespmem:$0x1E000] =	vst v63  }
0x64: {  	_ =	swait.ge [sflag:s14], $0x50  }
0x65: {  	[sflag:s14] =	ssyncset.done $0x0  }
0x66: {  	[sflag:s14] =	ssyncadd.s32 $0xFFFFFFB0  }
0x67: {  	_ =	swait.ge [sflag:s14], $0x50  }
0x68: {  	[sflag:s14] =	ssyncset.done $0x0  }
0x69: {  	[sflag:s14] =	ssyncadd.s32 $0xFFFFFFB0  }
0x6a: {  	[tilespmem:s15], [sflag:$0x8] =	stream.indirect.gather [hbm4b:s1+s0], $0x80, s28, s0, $0xb8;
	[tilespmem:$0x1E000] =	vst v63  }
0x6b: {  	_ =	swait.ge [sflag:s16], $0x2800  }
0x6c: {  	[sflag:s16] =	ssyncset.done $0x0  }
0x6d: {  	s19 =	smin.u32 s4, $0x76;
	[sflag:s16] =	ssyncadd.s32 $0xFFFFD800  }
0x6e: {  	[spmem:s3] =	stream.indirect.scatter.add.f32 [tilespmem:s10], [sflag:$0x9], $0x80, s26, s0, $0xb8;
	[tilespmem:$0x1E000] =	vst v63  }
0x6f: {  	s9 =	smul.u32 $0x50, s19;
	_ =	swait.ge [sflag:s21], $0x2800  }
0x70: {  	s22 =	rddreg [dreg:$0x5]  }
0x71: {  	s9 =	sadd.s32 s9, s22  }
0x72: {  	[sflag:s21] =	ssyncset.done $0x0;
	s9 =	sshrl.u32 s9, $0x3  }
0x73: {  	[sflag:s21] =	ssyncadd.s32 $0xFFFFD800;
	s23 =	sadd.s32 s5, s9  }
0x74: {  	[tilespmem:s25], [sflag:$0x3] =	stream.linear.gather [hbm4b:s23+s4], $0x50, $0x38;
	[tilespmem:$0x1E000] =	vst v63  }
0x75: {  	s9 =	sadd.s32 s6, s9  }
0x76: {  	[tilespmem:s26], [sflag:$0x3] =	stream.linear.gather [hbm4b:s9+s4], $0x50, $0x38;
	[tilespmem:$0x1E000] =	vst v63  }
0x77: {  	_ =	swait.ge [sflag:s31], $0x50  }
0x78: {  	[sflag:s31] =	ssyncset.done $0x0  }
0x79: {  	[sflag:s31] =	ssyncadd.s32 $0xFFFFFFB0  }
0x7a: {  	_ =	swait.ge [sflag:s31], $0x50  }
0x7b: {  	[sflag:s31] =	ssyncset.done $0x0  }
0x7c: {  	[sflag:s31] =	ssyncadd.s32 $0xFFFFFFB0  }
0x7d: {  	[tilespmem:s8], [sflag:$0x5] =	stream.indirect.gather [hbm4b:s1+s0], $0x80, s20, s0, $0xb8;
	[tilespmem:$0x1E000] =	vst v63  }
0x7e: {  	_ =	swait.ge [sflag:s17], $0x2800  }
0x7f: {  	[sflag:s17] =	ssyncset.done $0x0  }
0x80: {  	s24 =	smin.u32 s4, $0x75;
	[sflag:s17] =	ssyncadd.s32 $0xFFFFD800  }
0x81: {  	[spmem:s3] =	stream.indirect.scatter.add.f32 [tilespmem:s15], [sflag:$0x9], $0x80, s2, s0, $0xb8;
	[tilespmem:$0x1E000] =	vst v63  }
0x82: {  	s9 =	smul.u32 $0x50, s24;
	_ =	swait.ge [sflag:s21], $0x2800  }
0x83: {  	s25 =	rddreg [dreg:$0x6]  }
0x84: {  	s9 =	sadd.s32 s9, s25  }
0x85: {  	[sflag:s21] =	ssyncset.done $0x0;
	s9 =	sshrl.u32 s9, $0x3  }
0x86: {  	[sflag:s21] =	ssyncadd.s32 $0xFFFFD800;
	s26 =	sadd.s32 s5, s9  }
0x87: {  	[tilespmem:s28], [sflag:$0x4] =	stream.linear.gather [hbm4b:s26+s4], $0x50, $0x38;
	[tilespmem:$0x1E000] =	vst v63  }
0x88: {  	s9 =	sadd.s32 s6, s9  }
0x89: {  	[tilespmem:s2], [sflag:$0x4] =	stream.linear.gather [hbm4b:s9+s4], $0x50, $0x38;
	[tilespmem:$0x1E000] =	vst v63  }
0x8a: {  	_ =	swait.ge [sflag:s7], $0x50  }
0x8b: {  	[sflag:s7] =	ssyncset.done $0x0  }
0x8c: {  	[sflag:s7] =	ssyncadd.s32 $0xFFFFFFB0  }
0x8d: {  	s10 =	simm.s32 $0x19000;
	s23 =	simm.s32 $0x13C00;
	_ =	swait.ge [sflag:s7], $0x50  }
0x8e: {  	s20 =	sadd.s32 $0x140, s18;
	s28 =	simm.s32 $0x13E80;
	[sflag:s7] =	ssyncset.done $0x0  }
0x8f: {  	s9 =	simm.s32 $0x4;
	s2 =	simm.s32 $0x13F80;
	[sflag:s7] =	ssyncadd.s32 $0xFFFFFFB0  }
.LBB2_2:
0x90: {  	s26 =	simm.s32 $0x13C80;
	s15 =	simm.s32 $0x16800;
	s8 =	simm.s32 $0x5  }
0x91: {  	[tilespmem:s15], [sflag:$0x6] =	stream.indirect.gather [hbm4b:s1+s0], $0x80, s26, s0, $0xb8;
	[tilespmem:$0x1E000] =	vst v63  }
0x92: {  	_ =	swait.ge [sflag:s8], $0x2800  }
0x93: {  	[sflag:s8] =	ssyncset.done $0x0  }
0x94: {  	s25 =	simm.s32 $0x13E00;
	[sflag:s8] =	ssyncadd.s32 $0xFFFFD800;
	s8 =	simm.s32 $0x14000  }
0x95: {  	[spmem:s3] =	stream.indirect.scatter.add.f32 [tilespmem:s8], [sflag:$0x9], $0x80, s25, s0, $0xb8;
	[tilespmem:$0x1E000] =	vst v63  }
0x96: {  	_ =	swait.ge [sflag:s21], $0x2800  }
0x97: {  	s18 =	sshrl.u32 s20, $0x3;
	[sflag:s21] =	ssyncset.done $0x0  }
0x98: {  	s22 =	sadd.s32 s5, s18;
	[sflag:s21] =	ssyncadd.s32 $0xFFFFD800  }
0x99: {  	[tilespmem:s23], [sflag:$0x1] =	stream.linear.gather [hbm4b:s22+s4], $0x50, $0x38;
	[tilespmem:$0x1E000] =	vst v63  }
0x9a: {  	s18 =	sadd.s32 s6, s18  }
0x9b: {  	[tilespmem:s25], [sflag:$0x1] =	stream.linear.gather [hbm4b:s18+s4], $0x50, $0x38;
	[tilespmem:$0x1E000] =	vst v63  }
0x9c: {  	_ =	swait.ge [sflag:s11], $0x50  }
0x9d: {  	[sflag:s11] =	ssyncset.done $0x0  }
0x9e: {  	[sflag:s11] =	ssyncadd.s32 $0xFFFFFFB0  }
0x9f: {  	_ =	swait.ge [sflag:s11], $0x50  }
0xa0: {  	[sflag:s11] =	ssyncset.done $0x0  }
0xa1: {  	[sflag:s11] =	ssyncadd.s32 $0xFFFFFFB0  }
0xa2: {  	[tilespmem:s10], [sflag:$0x7] =	stream.indirect.gather [hbm4b:s1+s0], $0x80, s29, s0, $0xb8;
	[tilespmem:$0x1E000] =	vst v63  }
0xa3: {  	_ =	swait.ge [sflag:s13], $0x2800  }
0xa4: {  	s19 =	smov.u32 s9;
	[sflag:s13] =	ssyncset.done $0x0  }
0xa5: {  	s22 =	smin.u32 s19, $0x77;
	[sflag:s13] =	ssyncadd.s32 $0xFFFFD800  }
0xa6: {  	[spmem:s3] =	stream.indirect.scatter.add.f32 [tilespmem:s15], [sflag:$0x9], $0x80, s28, s0, $0xb8;
	[tilespmem:$0x1E000] =	vst v63  }
0xa7: {  	s18 =	smul.u32 $0x50, s22;
	_ =	swait.ge [sflag:s21], $0x2800  }
0xa8: {  	s25 =	rddreg [dreg:$0x4]  }
0xa9: {  	s18 =	sadd.s32 s18, s25  }
0xaa: {  	[sflag:s21] =	ssyncset.done $0x0;
	s18 =	sshrl.u32 s18, $0x3  }
0xab: {  	[sflag:s21] =	ssyncadd.s32 $0xFFFFD800;
	s22 =	sadd.s32 s5, s18  }
0xac: {  	[tilespmem:s26], [sflag:$0x2] =	stream.linear.gather [hbm4b:s22+s4], $0x50, $0x38;
	[tilespmem:$0x1E000] =	vst v63  }
0xad: {  	s18 =	sadd.s32 s6, s18  }
0xae: {  	[tilespmem:s28], [sflag:$0x2] =	stream.linear.gather [hbm4b:s18+s4], $0x50, $0x38;
	[tilespmem:$0x1E000] =	vst v63  }
0xaf: {  	_ =	swait.ge [sflag:s14], $0x50  }
0xb0: {  	[sflag:s14] =	ssyncset.done $0x0  }
0xb1: {  	[sflag:s14] =	ssyncadd.s32 $0xFFFFFFB0  }
0xb2: {  	_ =	swait.ge [sflag:s14], $0x50  }
0xb3: {  	[sflag:s14] =	ssyncset.done $0x0  }
0xb4: {  	s15 =	simm.s32 $0x1B800;
	[sflag:s14] =	ssyncadd.s32 $0xFFFFFFB0  }
0xb5: {  	[tilespmem:s15], [sflag:$0x8] =	stream.indirect.gather [hbm4b:s1+s0], $0x80, s30, s0, $0xb8;
	[tilespmem:$0x1E000] =	vst v63  }
0xb6: {  	_ =	swait.ge [sflag:s16], $0x2800  }
0xb7: {  	[sflag:s16] =	ssyncset.done $0x0  }
0xb8: {  	s26 =	simm.s32 $0x13F00;
	s18 =	smin.u32 s19, $0x76;
	[sflag:s16] =	ssyncadd.s32 $0xFFFFD800  }
0xb9: {  	[spmem:s3] =	stream.indirect.scatter.add.f32 [tilespmem:s10], [sflag:$0x9], $0x80, s26, s0, $0xb8;
	[tilespmem:$0x1E000] =	vst v63  }
0xba: {  	s18 =	smul.u32 $0x50, s18;
	_ =	swait.ge [sflag:s21], $0x2800  }
0xbb: {  	s22 =	rddreg [dreg:$0x5]  }
0xbc: {  	s18 =	sadd.s32 s18, s22  }
0xbd: {  	[sflag:s21] =	ssyncset.done $0x0;
	s18 =	sshrl.u32 s18, $0x3  }
0xbe: {  	[sflag:s21] =	ssyncadd.s32 $0xFFFFD800;
	s22 =	sadd.s32 s5, s18  }
0xbf: {  	[tilespmem:s29], [sflag:$0x3] =	stream.linear.gather [hbm4b:s22+s4], $0x50, $0x38;
	[tilespmem:$0x1E000] =	vst v63  }
0xc0: {  	s18 =	sadd.s32 s6, s18  }
0xc1: {  	[tilespmem:s26], [sflag:$0x3] =	stream.linear.gather [hbm4b:s18+s4], $0x50, $0x38;
	[tilespmem:$0x1E000] =	vst v63  }
0xc2: {  	_ =	swait.ge [sflag:s31], $0x50  }
0xc3: {  	[sflag:s31] =	ssyncset.done $0x0  }
0xc4: {  	[sflag:s31] =	ssyncadd.s32 $0xFFFFFFB0  }
0xc5: {  	_ =	swait.ge [sflag:s31], $0x50  }
0xc6: {  	[sflag:s31] =	ssyncset.done $0x0  }
0xc7: {  	[sflag:s31] =	ssyncadd.s32 $0xFFFFFFB0  }
0xc8: {  	[tilespmem:s8], [sflag:$0x5] =	stream.indirect.gather [hbm4b:s1+s0], $0x80, s23, s0, $0xb8;
	[tilespmem:$0x1E000] =	vst v63  }
0xc9: {  	_ =	swait.ge [sflag:s17], $0x2800  }
0xca: {  	[sflag:s17] =	ssyncset.done $0x0  }
0xcb: {  	s19 =	smin.u32 s19, $0x75;
	[sflag:s17] =	ssyncadd.s32 $0xFFFFD800  }
0xcc: {  	[spmem:s3] =	stream.indirect.scatter.add.f32 [tilespmem:s15], [sflag:$0x9], $0x80, s2, s0, $0xb8;
	[tilespmem:$0x1E000] =	vst v63  }
0xcd: {  	s18 =	smul.u32 $0x50, s19;
	_ =	swait.ge [sflag:s21], $0x2800  }
0xce: {  	s8 =	rddreg [dreg:$0x6]  }
0xcf: {  	s18 =	sadd.s32 s18, s8  }
0xd0: {  	[sflag:s21] =	ssyncset.done $0x0;
	s18 =	sshrl.u32 s18, $0x3  }
0xd1: {  	[sflag:s21] =	ssyncadd.s32 $0xFFFFD800;
	s8 =	sadd.s32 s5, s18  }
0xd2: {  	[tilespmem:s30], [sflag:$0x4] =	stream.linear.gather [hbm4b:s8+s4], $0x50, $0x38;
	[tilespmem:$0x1E000] =	vst v63  }
0xd3: {  	s18 =	sadd.s32 s6, s18  }
0xd4: {  	[tilespmem:s2], [sflag:$0x4] =	stream.linear.gather [hbm4b:s18+s4], $0x50, $0x38;
	[tilespmem:$0x1E000] =	vst v63  }
0xd5: {  	p0 =	sne.s32 s9, $0x78;
	_ =	swait.ge [sflag:s7], $0x50  }
.Ltmp0:
0xd6: {  	[sflag:s7] =	ssyncset.done $0x0;
	(pc) =	sbr.rel @p0 .LBB2_2-.Ltmp0, $4  }
0xd7: {  	[sflag:s7] =	ssyncadd.s32 $0xFFFFFFB0  }
0xd8: {  	s9 =	sadd.s32 $0x4, s9;
	s24 =	simm.s32 $0x13E00;
	_ =	swait.ge [sflag:s7], $0x50  }
0xd9: {  	s12 =	simm.s32 $0x16800;
	s20 =	sadd.s32 $0x140, s20;
	[sflag:s7] =	ssyncset.done $0x0  }
0xda: {  	s25 =	simm.s32 $0x13C80;
	s22 =	simm.s32 $0x14000;
	[sflag:s7] =	ssyncadd.s32 $0xFFFFFFB0  }
0xdb: {  	[tilespmem:s12], [sflag:$0x6] =	stream.indirect.gather [hbm4b:s1+s0], $0x80, s25, s0, $0xb8;
	[tilespmem:$0x1E000] =	vst v63  }
0xdc: {  	s2 =	simm.s32 $0x5  }
0xdd: {  	_ =	swait.ge [sflag:s2], $0x2800  }
0xde: {  	[sflag:s2] =	ssyncset.done $0x0  }
0xdf: {  	[sflag:s2] =	ssyncadd.s32 $0xFFFFD800  }
0xe0: {  	[spmem:s3] =	stream.indirect.scatter.add.f32 [tilespmem:s22], [sflag:$0x9], $0x80, s24, s0, $0xb8;
	[tilespmem:$0x1E000] =	vst v63  }
0xe1: {  	_ =	swait.ge [sflag:s21], $0x2800  }
0xe2: {  	[sflag:s21] =	ssyncset.done $0x0  }
0xe3: {  	[sflag:s21] =	ssyncadd.s32 $0xFFFFD800  }
0xe4: {  	_ =	swait.ge [sflag:s13], $0x2800  }
0xe5: {  	[sflag:s13] =	ssyncset.done $0x0  }
0xe6: {  	[sflag:s13] =	ssyncadd.s32 $0xFFFFD800  }
0xe7: {  	_ =	swait.ge [sflag:s11], $0x50  }
0xe8: {  	[sflag:s11] =	ssyncset.done $0x0  }
0xe9: {  	[sflag:s11] =	ssyncadd.s32 $0xFFFFFFB0  }
0xea: {  	_ =	swait.ge [sflag:s11], $0x50  }
0xeb: {  	[sflag:s11] =	ssyncset.done $0x0  }
0xec: {  	[sflag:s11] =	ssyncadd.s32 $0xFFFFFFB0  }
0xed: {  	_ =	swait.ge [sflag:s14], $0x50  }
0xee: {  	[sflag:s14] =	ssyncset.done $0x0  }
0xef: {  	[sflag:s14] =	ssyncadd.s32 $0xFFFFFFB0  }
0xf0: {  	_ =	swait.ge [sflag:s14], $0x50  }
0xf1: {  	[sflag:s14] =	ssyncset.done $0x0  }
0xf2: {  	[sflag:s14] =	ssyncadd.s32 $0xFFFFFFB0  }
0xf3: {  	[bflag:$0x0] =	sbarrier.arrive $0xFFFF  }
0xf4: {  	s18 =	rddreg [dreg:$0x9]  }
0xf5: {  	s9 =	rddreg [dreg:$0x12]  }
0xf6: {  	s24 =	rddreg [dreg:$0x16]  }
0xf7: {  	[hbm:s9], [sflag:s18] =	dma.local [spmem:s24], $0x2780  }
0xf8: {  	_ =	swait.ge [sflag:s21], $0x2780  }
0xf9: {  	s8 =	rddreg [dreg:$0x15]  }
0xfa: {  	s25 =	rddreg [dreg:$0x13];
	s8 =	sadd.s32 $0x1, s8  }
0xfb: {  	p0 =	sne.s32 s8, s25  }
.Ltmp1:
0xfc: {  	_ = 	snop;
	(pc) =	sbr.rel @p0 .LBB2_1-.Ltmp1, $4  }
0xfd: {  	_ = 	snop  }
0xfe: {  	s20 =	simm.s32 $0x13C00;
	s28 =	simm.s32 $0x13D80  }
0xff: {  	s10 =	simm.s32 $0x19000;
	s2 =	simm.s32 $0x13F80;
	[sflag:s21] =	ssyncset.done $0x0  }
0x100: {  	s24 =	simm.s32 $0x13E80;
	[sflag:s21] =	ssyncadd.s32 $0xFFFFD880;
	s25 =	simm.s32 $0x13D00  }
0x101: {  	_ =	sfence.sel $0x180000  }
0x102: {  	[bflag:$0x0] =	sbarrier.arrive $0xFFFF  }
0x103: {  	_ =	strace $0x90000050  }
0x104: {  	s0 =	stileid.u32;
	[bflag:$0x2] =	sbarrier.arrive $0xFFFF  }
0x105: {  	p0 =	sne.s32 s0, $0x0;
	s0 =	rddreg [dreg:$0x3]  }
0x106: {  	s0 =	sadd.s32 @!p0 $0x100000, s0  }
0x107: {  	[sflag:s0] =	ssyncadd.tile.s32 @!p0 $0x1;
	_ =	shalt  }
.Lfunc_end2:
_tile_overlayer_lowered:
.L_overlay_start_2:
0x108: {  	(tag) =	ssettag $0x2  }
0x109: {  	s0 =	rddreg [dreg:$0x0];
	s2 =	stileid.u32  }
0x10a: {  	s1 =	rddreg [dreg:$0x1];
	p0 =	sne.s32 s2, $0x0  }
0x10b: {  	s3 =	rddreg [dreg:$0x2];
	[bflag:$0x3] =	sbarrier.arrive $0xFFFF;
	s2 =	simm.s32 @!p0 $0x1C09  }
0x10c: {  	[timem:s3], [sflag:s2] =	dma.local @!p0 [hbm:s0], s1  }
0x10d: {  	s0 =	simm.s32 @!p0 $0x9  }
0x10e: {  	_ =	swait.ge @!p0 [sflag:s0], s1  }
0x10f: {  	s1 =	ssub.s32 @!p0 $0x0, s1;
	[sflag:s0] =	ssyncset.done @!p0 $0x0  }
0x110: {  	[sflag:s0] =	ssyncadd.s32 @!p0 s1  }
0x111: {  	[bflag:$0x3] =	sbarrier.arrive $0xFFFF  }
0x112: {  	_ =	shalt  }

</sc_bundles>
